<compile_context>
chip_gen: v7x
topology: tpu7x:2x2x1
jax: 0.10.2.dev20260603
libtpu: 0.0.44.dev20260713+nightly
codegen_flags: <defaults>
</compile_context>

<pallas_src>
import jax
import jax.numpy as jnp
from jax import lax
from jax.experimental import pallas as pl
from jax.experimental.pallas import tpu as pltpu
from jax.experimental.pallas import tpu_sc as plsc

NUM_CORES = 2
NUM_SUBCORES = 16
NUM_WORKERS = NUM_CORES * NUM_SUBCORES
CHUNK_B = 64


def _gather_kernel(table_hbm, ids_hbm, out_hbm, idx_v, rows_v, sem):
    n_batch, seq, _ = out_hbm.shape
    b_per_w = n_batch // NUM_WORKERS
    wid = lax.axis_index("s") * NUM_CORES + lax.axis_index("c")
    b0w = wid * b_per_w

    @pl.loop(0, b_per_w, step=CHUNK_B)
    def _(bo):
        b0 = b0w + bo
        pltpu.sync_copy(ids_hbm.at[pl.ds(b0 * seq, CHUNK_B * seq)], idx_v)
        pltpu.async_copy(table_hbm.at[idx_v], rows_v, sem).wait()
        handles = [
            pltpu.async_copy(
                rows_v.at[pl.ds(i * seq, seq)], out_hbm.at[b0 + i], sem
            )
            for i in range(CHUNK_B)
        ]
        for h in handles:
            h.wait()


def kernel(token_ids, embedding_table):
    batch, seq = token_ids.shape
    dim = embedding_table.shape[1]
    flat_ids = token_ids.reshape(-1).astype(jnp.int32)

    mesh = plsc.VectorSubcoreMesh(core_axis_name="c", subcore_axis_name="s")
    k = pl.kernel(
        _gather_kernel,
        mesh=mesh,
        out_type=jax.ShapeDtypeStruct((batch, seq, dim), embedding_table.dtype),
        scratch_types=[
            pltpu.VMEM((CHUNK_B * seq,), jnp.int32),
            pltpu.VMEM((CHUNK_B * seq, dim), jnp.float32),
            pltpu.SemaphoreType.DMA,
        ],
        compiler_params=pltpu.CompilerParams(use_tc_tiling_on_sc=False),
    )
    return k(embedding_table, flat_ids)

# --- scband reference (transcript-rebuilt; emitter-appended) ---
"""Pipeline reference for scband-embedding-90142773609165 (READ-ONLY COPY).

The authoritative reference and input builder live on the scoring server;
editing this copy changes nothing except your own understanding.
"""

import jax, jax.numpy as jnp
import numpy as np

NUM_EMBEDDINGS = 1000000
EMBEDDING_DIM = 64

def setup_inputs(seed: int = 0) -> dict:
    key = jax.random.key(seed)
    k_idx, k_tab = jax.random.split(key)
    token_ids = jax.random.randint(k_idx, (16384, 20), 0, NUM_EMBEDDINGS, dtype=jnp.int64)
    # trunc_normal init (approximate with clipped normal to [-2, 2], matching torch default)
    table = jax.random.truncated_normal(k_tab, -2.0, 2.0, (NUM_EMBEDDINGS, EMBEDDING_DIM), dtype=jnp.float32)
    return {"token_ids": token_ids, "embedding_table": table}

def reference(token_ids, embedding_table):
    # embeddings = self.embedding_table[token_ids]
    embeddings = jnp.take(embedding_table, token_ids, axis=0)
    return embeddings

if __name__ == "__main__":
    import jax
    _d = setup_inputs()
    print(jax.jit(kernel)(*tuple(_d.values())))

</pallas_src>

<mosaic_0001>
#map = affine_map<(d0, d1) -> (0, 0)>
#map1 = affine_map<(d0, d1) -> (0)>
#map2 = affine_map<(d0, d1) -> (0, 0, 0)>
module attributes {stable_mosaic.version = 14 : i64} {
  func.func @_gather_kernel(%arg0: i32, %arg1: i32, %arg2: memref<1000000x64xf32, #tpu.memory_space<hbm>>, %arg3: memref<327680xi32, #tpu.memory_space<hbm>>, %arg4: memref<16384x20x64xf32, #tpu.memory_space<hbm>>, %arg5: memref<1280xi32, #tpu.memory_space<vmem>>, %arg6: memref<1280x64xf32, #tpu.memory_space<vmem>>, %arg7: memref<!tpu.dma_semaphore, #tpu.memory_space<semaphore_mem>>) attributes {dimension_semantics = [#tpu.dimension_semantics<core_parallel>, #tpu.dimension_semantics<subcore_parallel>], iteration_bounds = array<i64: 2, 16>, scalar_prefetch = 0 : i64, scratch_operands = 3 : i64, tpu.core_type = #tpu.core_type<sc_vector_subcore>, window_params = [{transform_indices = #map}, {transform_indices = #map1}, {transform_indices = #map2}]} {
    %mul3A = arith.constant 2 : i32
    %mul3A_0 = arith.muli %arg1, %mul3A : i32
    %add3A = arith.addi %mul3A_0, %arg0 : i32
    %mul3A_1 = arith.constant 512 : i32
    %mul3A_2 = arith.muli %add3A, %mul3A_1 : i32
    %scan3A = arith.constant 0 : i32
    %scan3A_3 = arith.constant 8 : i32
    %scan3A_4 = arith.addi %scan3A, %scan3A_3 : i32
    %scan3A_5 = arith.constant 1 : i32
    scf.for %scan3A_7 = %scan3A to %scan3A_4 step %scan3A_5  : i32 {
      %mul3A_8 = arith.constant 64 : i32
      %mul3A_9 = arith.muli %scan3A_7, %mul3A_8 : i32
      %add3A_10 = arith.constant 0 : i32
      %add3A_11 = arith.addi %add3A_10, %mul3A_9 : i32
      %add3A_12 = arith.addi %mul3A_2, %add3A_11 : i32
      %mul3A_13 = arith.constant 20 : i32
      %mul3A_14 = arith.muli %add3A_12, %mul3A_13 : i32
      "tpu.region"() ({
        %run_scoped3A = tpu.sem_alloc : memref<!tpu.dma_semaphore, #tpu.memory_space<semaphore_mem>>
        %dma_start3A_1939 = tpu.memref_slice %arg3[%mul3A_14] : memref<327680xi32, #tpu.memory_space<hbm>> -> memref<1280xi32, #tpu.memory_space<hbm>>
        %dma_start3A_1940 = tpu.memref_slice %arg3[%mul3A_14] : memref<327680xi32, #tpu.memory_space<hbm>> -> memref<1280xi32, #tpu.memory_space<hbm>>
        tpu.enqueue_dma source(%dma_start3A_1940 : memref<1280xi32, #tpu.memory_space<hbm>>) target(%arg5 : memref<1280xi32, #tpu.memory_space<vmem>>) target_semaphore(%run_scoped3A : memref<!tpu.dma_semaphore, #tpu.memory_space<semaphore_mem>>)
        %dma_wait3A_1941 = tpu.memref_slice %arg3[%mul3A_14] : memref<327680xi32, #tpu.memory_space<hbm>> -> memref<1280xi32, #tpu.memory_space<hbm>>
        %dma_wait3A_1942 = tpu.memref_slice %arg3[%mul3A_14] : memref<327680xi32, #tpu.memory_space<hbm>> -> memref<1280xi32, #tpu.memory_space<hbm>>
        tpu.wait_dma2 semaphore(%run_scoped3A : memref<!tpu.dma_semaphore, #tpu.memory_space<semaphore_mem>>) src(%dma_wait3A_1942 : memref<1280xi32, #tpu.memory_space<hbm>>) dst(%arg5 : memref<1280xi32, #tpu.memory_space<vmem>>)
        tpu.yield
      }) : () -> ()
      %dma_start3A = arith.constant 0 : i32
      %dma_start3A_15 = arith.constant 0 : i32
      %dma_start3A_16 = tpu.memref_slice %arg2[%dma_start3A, %dma_start3A_15] : memref<1000000x64xf32, #tpu.memory_space<hbm>> -> memref<1000000x64xf32, #tpu.memory_space<hbm>>
      tpu.enqueue_indirect_dma source(%dma_start3A_16 : memref<1000000x64xf32, #tpu.memory_space<hbm>>) target(%arg6 : memref<1280x64xf32, #tpu.memory_space<vmem>>) offsets(%arg5 : memref<1280xi32, #tpu.memory_space<vmem>>) semaphore(%arg7 : memref<!tpu.dma_semaphore, #tpu.memory_space<semaphore_mem>>)
      %dma_wait3A = arith.constant 0 : i32
      %dma_wait3A_17 = arith.constant 0 : i32
      %dma_wait3A_18 = tpu.memref_slice %arg2[%dma_wait3A, %dma_wait3A_17] : memref<1000000x64xf32, #tpu.memory_space<hbm>> -> memref<1000000x64xf32, #tpu.memory_space<hbm>>
      tpu.wait_indirect_dma semaphore(%arg7 : memref<!tpu.dma_semaphore, #tpu.memory_space<semaphore_mem>>) src(%dma_wait3A_18 : memref<1000000x64xf32, #tpu.memory_space<hbm>>) dst(%arg6 : memref<1280x64xf32, #tpu.memory_space<vmem>>)
      %add3A_19 = arith.constant 0 : i32
      %add3A_20 = arith.addi %add3A_12, %add3A_19 : i32
      %dma_start3A_21 = arith.constant 0 : i32
      %dma_start3A_22 = arith.constant 0 : i32
      %dma_start3A_23 = tpu.memref_slice %arg6[%dma_start3A_21, %dma_start3A_22] : memref<1280x64xf32, #tpu.memory_space<vmem>> -> memref<20x64xf32, #tpu.memory_space<vmem>>
      %dma_start3A_24 = arith.constant 0 : i32
      %dma_start3A_25 = arith.constant 0 : i32
      %dma_start3A_26 = tpu.memref_slice %arg4[%add3A_20, %dma_start3A_24, %dma_start3A_25] : memref<16384x20x64xf32, #tpu.memory_space<hbm>> -> memref<1x20x64xf32, #tpu.memory_space<hbm>>
      %dma_start3A_27 = tpu.memref_squeeze %dma_start3A_26 : memref<1x20x64xf32, #tpu.memory_space<hbm>> -> memref<20x64xf32, #tpu.memory_space<hbm>>
      %dma_start3A_28 = arith.constant 0 : i32
      %dma_start3A_29 = arith.constant 0 : i32
      %dma_start3A_30 = tpu.memref_slice %arg4[%add3A_20, %dma_start3A_28, %dma_start3A_29] : memref<16384x20x64xf32, #tpu.memory_space<hbm>> -> memref<1x20x64xf32, #tpu.memory_space<hbm>>
      %dma_start3A_31 = tpu.memref_squeeze %dma_start3A_30 : memref<1x20x64xf32, #tpu.memory_space<hbm>> -> memref<20x64xf32, #tpu.memory_space<hbm>>
      %dma_start3A_32 = arith.constant 0 : i32
      %dma_start3A_33 = arith.constant 0 : i32
      %dma_start3A_34 = tpu.memref_slice %arg6[%dma_start3A_32, %dma_start3A_33] : memref<1280x64xf32, #tpu.memory_space<vmem>> -> memref<20x64xf32, #tpu.memory_space<vmem>>
      tpu.enqueue_dma source(%dma_start3A_34 : memref<20x64xf32, #tpu.memory_space<vmem>>) target(%dma_start3A_31 : memref<20x64xf32, #tpu.memory_space<hbm>>) target_semaphore(%arg7 : memref<!tpu.dma_semaphore, #tpu.memory_space<semaphore_mem>>)
      %add3A_35 = arith.constant 1 : i32
      %add3A_36 = arith.addi %add3A_12, %add3A_35 : i32
      %dma_start3A_37 = arith.constant 20 : i32
      %dma_start3A_38 = arith.constant 0 : i32
      %dma_start3A_39 = tpu.memref_slice %arg6[%dma_start3A_37, %dma_start3A_38] : memref<1280x64xf32, #tpu.memory_space<vmem>> -> memref<20x64xf32, #tpu.memory_space<vmem>>
      %dma_start3A_40 = arith.constant 0 : i32
      %dma_start3A_41 = arith.constant 0 : i32
      %dma_start3A_42 = tpu.memref_slice %arg4[%add3A_36, %dma_start3A_40, %dma_start3A_41] : memref<16384x20x64xf32, #tpu.memory_space<hbm>> -> memref<1x20x64xf32, #tpu.memory_space<hbm>>
      %dma_start3A_43 = tpu.memref_squeeze %dma_start3A_42 : memref<1x20x64xf32, #tpu.memory_space<hbm>> -> memref<20x64xf32, #tpu.memory_space<hbm>>
      %dma_start3A_44 = arith.constant 0 : i32
      %dma_start3A_45 = arith.constant 0 : i32
      %dma_start3A_46 = tpu.memref_slice %arg4[%add3A_36, %dma_start3A_44, %dma_start3A_45] : memref<16384x20x64xf32, #tpu.memory_space<hbm>> -> memref<1x20x64xf32, #tpu.memory_space<hbm>>
      %dma_start3A_47 = tpu.memref_squeeze %dma_start3A_46 : memref<1x20x64xf32, #tpu.memory_space<hbm>> -> memref<20x64xf32, #tpu.memory_space<hbm>>
      %dma_start3A_48 = arith.constant 20 : i32
      %dma_start3A_49 = arith.constant 0 : i32
      %dma_start3A_50 = tpu.memref_slice %arg6[%dma_start3A_48, %dma_start3A_49] : memref<1280x64xf32, #tpu.memory_space<vmem>> -> memref<20x64xf32, #tpu.memory_space<vmem>>
      tpu.enqueue_dma source(%dma_start3A_50 : memref<20x64xf32, #tpu.memory_space<vmem>>) target(%dma_start3A_47 : memref<20x64xf32, #tpu.memory_space<hbm>>) target_semaphore(%arg7 : memref<!tpu.dma_semaphore, #tpu.memory_space<semaphore_mem>>)
      %add3A_51 = arith.constant 2 : i32
      %add3A_52 = arith.addi %add3A_12, %add3A_51 : i32
      %dma_start3A_53 = arith.constant 40 : i32
      %dma_start3A_54 = arith.constant 0 : i32
      %dma_start3A_55 = tpu.memref_slice %arg6[%dma_start3A_53, %dma_start3A_54] : memref<1280x64xf32, #tpu.memory_space<vmem>> -> memref<20x64xf32, #tpu.memory_space<vmem>>
      %dma_start3A_56 = arith.constant 0 : i32
      %dma_start3A_57 = arith.constant 0 : i32
      %dma_start3A_58 = tpu.memref_slice %arg4[%add3A_52, %dma_start3A_56, %dma_start3A_57] : memref<16384x20x64xf32, #tpu.memory_space<hbm>> -> memref<1x20x64xf32, #tpu.memory_space<hbm>>
      %dma_start3A_59 = tpu.memref_squeeze %dma_start3A_58 : memref<1x20x64xf32, #tpu.memory_space<hbm>> -> memref<20x64xf32, #tpu.memory_space<hbm>>
      %dma_start3A_60 = arith.constant 0 : i32
      %dma_start3A_61 = arith.constant 0 : i32
      %dma_start3A_62 = tpu.memref_slice %arg4[%add3A_52, %dma_start3A_60, %dma_start3A_61] : memref<16384x20x64xf32, #tpu.memory_space<hbm>> -> memref<1x20x64xf32, #tpu.memory_space<hbm>>
      %dma_start3A_63 = tpu.memref_squeeze %dma_start3A_62 : memref<1x20x64xf32, #tpu.memory_space<hbm>> -> memref<20x64xf32, #tpu.memory_space<hbm>>
      %dma_start3A_64 = arith.constant 40 : i32
      %dma_start3A_65 = arith.constant 0 : i32
      %dma_start3A_66 = tpu.memref_slice %arg6[%dma_start3A_64, %dma_start3A_65] : memref<1280x64xf32, #tpu.memory_space<vmem>> -> memref<20x64xf32, #tpu.memory_space<vmem>>
      tpu.enqueue_dma source(%dma_start3A_66 : memref<20x64xf32, #tpu.memory_space<vmem>>) target(%dma_start3A_63 : memref<20x64xf32, #tpu.memory_space<hbm>>) target_semaphore(%arg7 : memref<!tpu.dma_semaphore, #tpu.memory_space<semaphore_mem>>)
      %add3A_67 = arith.constant 3 : i32
      %add3A_68 = arith.addi %add3A_12, %add3A_67 : i32
      %dma_start3A_69 = arith.constant 60 : i32
      %dma_start3A_70 = arith.constant 0 : i32
      %dma_start3A_71 = tpu.memref_slice %arg6[%dma_start3A_69, %dma_start3A_70] : memref<1280x64xf32, #tpu.memory_space<vmem>> -> memref<20x64xf32, #tpu.memory_space<vmem>>
      %dma_start3A_72 = arith.constant 0 : i32
      %dma_start3A_73 = arith.constant 0 : i32
      %dma_start3A_74 = tpu.memref_slice %arg4[%add3A_68, %dma_start3A_72, %dma_start3A_73] : memref<16384x20x64xf32, #tpu.memory_space<hbm>> -> memref<1x20x64xf32, #tpu.memory_space<hbm>>
      %dma_start3A_75 = tpu.memref_squeeze %dma_start3A_74 : memref<1x20x64xf32, #tpu.memory_space<hbm>> -> memref<20x64xf32, #tpu.memory_space<hbm>>
      %dma_start3A_76 = arith.constant 0 : i32
      %dma_start3A_77 = arith.constant 0 : i32
      %dma_start3A_78 = tpu.memref_slice %arg4[%add3A_68, %dma_start3A_76, %dma_start3A_77] : memref<16384x20x64xf32, #tpu.memory_space<hbm>> -> memref<1x20x64xf32, #tpu.memory_space<hbm>>
      %dma_start3A_79 = tpu.memref_squeeze %dma_start3A_78 : memref<1x20x64xf32, #tpu.memory_space<hbm>> -> memref<20x64xf32, #tpu.memory_space<hbm>>
      %dma_start3A_80 = arith.constant 60 : i32
      %dma_start3A_81 = arith.constant 0 : i32
      %dma_start3A_82 = tpu.memref_slice %arg6[%dma_start3A_80, %dma_start3A_81] : memref<1280x64xf32, #tpu.memory_space<vmem>> -> memref<20x64xf32, #tpu.memory_space<vmem>>
      tpu.enqueue_dma source(%dma_start3A_82 : memref<20x64xf32, #tpu.memory_space<vmem>>) target(%dma_start3A_79 : memref<20x64xf32, #tpu.memory_space<hbm>>) target_semaphore(%arg7 : memref<!tpu.dma_semaphore, #tpu.memory_space<semaphore_mem>>)
      %add3A_83 = arith.constant 4 : i32
      %add3A_84 = arith.addi %add3A_12, %add3A_83 : i32
      %dma_start3A_85 = arith.constant 80 : i32
      %dma_start3A_86 = arith.constant 0 : i32
      %dma_start3A_87 = tpu.memref_slice %arg6[%dma_start3A_85, %dma_start3A_86] : memref<1280x64xf32, #tpu.memory_space<vmem>> -> memref<20x64xf32, #tpu.memory_space<vmem>>
      %dma_start3A_88 = arith.constant 0 : i32
      %dma_start3A_89 = arith.constant 0 : i32
      %dma_start3A_90 = tpu.memref_slice %arg4[%add3A_84, %dma_start3A_88, %dma_start3A_89] : memref<16384x20x64xf32, #tpu.memory_space<hbm>> -> memref<1x20x64xf32, #tpu.memory_space<hbm>>
      %dma_start3A_91 = tpu.memref_squeeze %dma_start3A_90 : memref<1x20x64xf32, #tpu.memory_space<hbm>> -> memref<20x64xf32, #tpu.memory_space<hbm>>
      %dma_start3A_92 = arith.constant 0 : i32
      %dma_start3A_93 = arith.constant 0 : i32
      %dma_start3A_94 = tpu.memref_slice %arg4[%add3A_84, %dma_start3A_92, %dma_start3A_93] : memref<16384x20x64xf32, #tpu.memory_space<hbm>> -> memref<1x20x64xf32, #tpu.memory_space<hbm>>
      %dma_start3A_95 = tpu.memref_squeeze %dma_start3A_94 : memref<1x20x64xf32, #tpu.memory_space<hbm>> -> memref<20x64xf32, #tpu.memory_space<hbm>>
      %dma_start3A_96 = arith.constant 80 : i32
      %dma_start3A_97 = arith.constant 0 : i32
      %dma_start3A_98 = tpu.memref_slice %arg6[%dma_start3A_96, %dma_start3A_97] : memref<1280x64xf32, #tpu.memory_space<vmem>> -> memref<20x64xf32, #tpu.memory_space<vmem>>
      tpu.enqueue_dma source(%dma_start3A_98 : memref<20x64xf32, #tpu.memory_space<vmem>>) target(%dma_start3A_95 : memref<20x64xf32, #tpu.memory_space<hbm>>) target_semaphore(%arg7 : memref<!tpu.dma_semaphore, #tpu.memory_space<semaphore_mem>>)
      %add3A_99 = arith.constant 5 : i32
      %add3A_100 = arith.addi %add3A_12, %add3A_99 : i32
      %dma_start3A_101 = arith.constant 100 : i32
      %dma_start3A_102 = arith.constant 0 : i32
      %dma_start3A_103 = tpu.memref_slice %arg6[%dma_start3A_101, %dma_start3A_102] : memref<1280x64xf32, #tpu.memory_space<vmem>> -> memref<20x64xf32, #tpu.memory_space<vmem>>
      %dma_start3A_104 = arith.constant 0 : i32
      %dma_start3A_105 = arith.constant 0 : i32
      %dma_start3A_106 = tpu.memref_slice %arg4[%add3A_100, %dma_start3A_104, %dma_start3A_105] : memref<16384x20x64xf32, #tpu.memory_space<hbm>> -> memref<1x20x64xf32, #tpu.memory_space<hbm>>
      %dma_start3A_107 = tpu.memref_squeeze %dma_start3A_106 : memref<1x20x64xf32, #tpu.memory_space<hbm>> -> memref<20x64xf32, #tpu.memory_space<hbm>>
      %dma_start3A_108 = arith.constant 0 : i32
      %dma_start3A_109 = arith.constant 0 : i32
      %dma_start3A_110 = tpu.memref_slice %arg4[%add3A_100, %dma_start3A_108, %dma_start3A_109] : memref<16384x20x64xf32, #tpu.memory_space<hbm>> -> memref<1x20x64xf32, #tpu.memory_space<hbm>>
      %dma_start3A_111 = tpu.memref_squeeze %dma_start3A_110 : memref<1x20x64xf32, #tpu.memory_space<hbm>> -> memref<20x64xf32, #tpu.memory_space<hbm>>
      %dma_start3A_112 = arith.constant 100 : i32
      %dma_start3A_113 = arith.constant 0 : i32
      %dma_start3A_114 = tpu.memref_slice %arg6[%dma_start3A_112, %dma_start3A_113] : memref<1280x64xf32, #tpu.memory_space<vmem>> -> memref<20x64xf32, #tpu.memory_space<vmem>>
      tpu.enqueue_dma source(%dma_start3A_114 : memref<20x64xf32, #tpu.memory_space<vmem>>) target(%dma_start3A_111 : memref<20x64xf32, #tpu.memory_space<hbm>>) target_semaphore(%arg7 : memref<!tpu.dma_semaphore, #tpu.memory_space<semaphore_mem>>)
      %add3A_115 = arith.constant 6 : i32
      %add3A_116 = arith.addi %add3A_12, %add3A_115 : i32
      %dma_start3A_117 = arith.constant 120 : i32
      %dma_start3A_118 = arith.constant 0 : i32
      %dma_start3A_119 = tpu.memref_slice %arg6[%dma_start3A_117, %dma_start3A_118] : memref<1280x64xf32, #tpu.memory_space<vmem>> -> memref<20x64xf32, #tpu.memory_space<vmem>>
      %dma_start3A_120 = arith.constant 0 : i32
      %dma_start3A_121 = arith.constant 0 : i32
      %dma_start3A_122 = tpu.memref_slice %arg4[%add3A_116, %dma_start3A_120, %dma_start3A_121] : memref<16384x20x64xf32, #tpu.memory_space<hbm>> -> memref<1x20x64xf32, #tpu.memory_space<hbm>>
      %dma_start3A_123 = tpu.memref_squeeze %dma_start3A_122 : memref<1x20x64xf32, #tpu.memory_space<hbm>> -> memref<20x64xf32, #tpu.memory_space<hbm>>
      %dma_start3A_124 = arith.constant 0 : i32
      %dma_start3A_125 = arith.constant 0 : i32
      %dma_start3A_126 = tpu.memref_slice %arg4[%add3A_116, %dma_start3A_124, %dma_start3A_125] : memref<16384x20x64xf32, #tpu.memory_space<hbm>> -> memref<1x20x64xf32, #tpu.memory_space<hbm>>
      %dma_start3A_127 = tpu.memref_squeeze %dma_start3A_126 : memref<1x20x64xf32, #tpu.memory_space<hbm>> -> memref<20x64xf32, #tpu.memory_space<hbm>>
      %dma_start3A_128 = arith.constant 120 : i32
      %dma_start3A_129 = arith.constant 0 : i32
      %dma_start3A_130 = tpu.memref_slice %arg6[%dma_start3A_128, %dma_start3A_129] : memref<1280x64xf32, #tpu.memory_space<vmem>> -> memref<20x64xf32, #tpu.memory_space<vmem>>
      tpu.enqueue_dma source(%dma_start3A_130 : memref<20x64xf32, #tpu.memory_space<vmem>>) target(%dma_start3A_127 : memref<20x64xf32, #tpu.memory_space<hbm>>) target_semaphore(%arg7 : memref<!tpu.dma_semaphore, #tpu.memory_space<semaphore_mem>>)
      %add3A_131 = arith.constant 7 : i32
      %add3A_132 = arith.addi %add3A_12, %add3A_131 : i32
      %dma_start3A_133 = arith.constant 140 : i32
      %dma_start3A_134 = arith.constant 0 : i32
      %dma_start3A_135 = tpu.memref_slice %arg6[%dma_start3A_133, %dma_start3A_134] : memref<1280x64xf32, #tpu.memory_space<vmem>> -> memref<20x64xf32, #tpu.memory_space<vmem>>
      %dma_start3A_136 = arith.constant 0 : i32
      %dma_start3A_137 = arith.constant 0 : i32
      %dma_start3A_138 = tpu.memref_slice %arg4[%add3A_132, %dma_start3A_136, %dma_start3A_137] : memref<16384x20x64xf32, #tpu.memory_space<hbm>> -> memref<1x20x64xf32, #tpu.memory_space<hbm>>
      %dma_start3A_139 = tpu.memref_squeeze %dma_start3A_138 : memref<1x20x64xf32, #tpu.memory_space<hbm>> -> memref<20x64xf32, #tpu.memory_space<hbm>>
      %dma_start3A_140 = arith.constant 0 : i32
      %dma_start3A_141 = arith.constant 0 : i32
      %dma_start3A_142 = tpu.memref_slice %arg4[%add3A_132, %dma_start3A_140, %dma_start3A_141] : memref<16384x20x64xf32, #tpu.memory_space<hbm>> -> memref<1x20x64xf32, #tpu.memory_space<hbm>>
      %dma_start3A_143 = tpu.memref_squeeze %dma_start3A_142 : memref<1x20x64xf32, #tpu.memory_space<hbm>> -> memref<20x64xf32, #tpu.memory_space<hbm>>
      %dma_start3A_144 = arith.constant 140 : i32
      %dma_start3A_145 = arith.constant 0 : i32
      %dma_start3A_146 = tpu.memref_slice %arg6[%dma_start3A_144, %dma_start3A_145] : memref<1280x64xf32, #tpu.memory_space<vmem>> -> memref<20x64xf32, #tpu.memory_space<vmem>>
      tpu.enqueue_dma source(%dma_start3A_146 : memref<20x64xf32, #tpu.memory_space<vmem>>) target(%dma_start3A_143 : memref<20x64xf32, #tpu.memory_space<hbm>>) target_semaphore(%arg7 : memref<!tpu.dma_semaphore, #tpu.memory_space<semaphore_mem>>)
      %add3A_147 = arith.constant 8 : i32
      %add3A_148 = arith.addi %add3A_12, %add3A_147 : i32
      %dma_start3A_149 = arith.constant 160 : i32
      %dma_start3A_150 = arith.constant 0 : i32
      %dma_start3A_151 = tpu.memref_slice %arg6[%dma_start3A_149, %dma_start3A_150] : memref<1280x64xf32, #tpu.memory_space<vmem>> -> memref<20x64xf32, #tpu.memory_space<vmem>>
      %dma_start3A_152 = arith.constant 0 : i32
      %dma_start3A_153 = arith.constant 0 : i32
      %dma_start3A_154 = tpu.memref_slice %arg4[%add3A_148, %dma_start3A_152, %dma_start3A_153] : memref<16384x20x64xf32, #tpu.memory_space<hbm>> -> memref<1x20x64xf32, #tpu.memory_space<hbm>>
      %dma_start3A_155 = tpu.memref_squeeze %dma_start3A_154 : memref<1x20x64xf32, #tpu.memory_space<hbm>> -> memref<20x64xf32, #tpu.memory_space<hbm>>
      %dma_start3A_156 = arith.constant 0 : i32
      %dma_start3A_157 = arith.constant 0 : i32
      %dma_start3A_158 = tpu.memref_slice %arg4[%add3A_148, %dma_start3A_156, %dma_start3A_157] : memref<16384x20x64xf32, #tpu.memory_space<hbm>> -> memref<1x20x64xf32, #tpu.memory_space<hbm>>
      %dma_start3A_159 = tpu.memref_squeeze %dma_start3A_158 : memref<1x20x64xf32, #tpu.memory_space<hbm>> -> memref<20x64xf32, #tpu.memory_space<hbm>>
      %dma_start3A_160 = arith.constant 160 : i32
      %dma_start3A_161 = arith.constant 0 : i32
      %dma_start3A_162 = tpu.memref_slice %arg6[%dma_start3A_160, %dma_start3A_161] : memref<1280x64xf32, #tpu.memory_space<vmem>> -> memref<20x64xf32, #tpu.memory_space<vmem>>
      tpu.enqueue_dma source(%dma_start3A_162 : memref<20x64xf32, #tpu.memory_space<vmem>>) target(%dma_start3A_159 : memref<20x64xf32, #tpu.memory_space<hbm>>) target_semaphore(%arg7 : memref<!tpu.dma_semaphore, #tpu.memory_space<semaphore_mem>>)
      %add3A_163 = arith.constant 9 : i32
      %add3A_164 = arith.addi %add3A_12, %add3A_163 : i32
      %dma_start3A_165 = arith.constant 180 : i32
      %dma_start3A_166 = arith.constant 0 : i32
      %dma_start3A_167 = tpu.memref_slice %arg6[%dma_start3A_165, %dma_start3A_166] : memref<1280x64xf32, #tpu.memory_space<vmem>> -> memref<20x64xf32, #tpu.memory_space<vmem>>
      %dma_start3A_168 = arith.constant 0 : i32
      %dma_start3A_169 = arith.constant 0 : i32
      %dma_start3A_170 = tpu.memref_slice %arg4[%add3A_164, %dma_start3A_168, %dma_start3A_169] : memref<16384x20x64xf32, #tpu.memory_space<hbm>> -> memref<1x20x64xf32, #tpu.memory_space<hbm>>
      %dma_start3A_171 = tpu.memref_squeeze %dma_start3A_170 : memref<1x20x64xf32, #tpu.memory_space<hbm>> -> memref<20x64xf32, #tpu.memory_space<hbm>>
      %dma_start3A_172 = arith.constant 0 : i32
      %dma_start3A_173 = arith.constant 0 : i32
      %dma_start3A_174 = tpu.memref_slice %arg4[%add3A_164, %dma_start3A_172, %dma_start3A_173] : memref<16384x20x64xf32, #tpu.memory_space<hbm>> -> memref<1x20x64xf32, #tpu.memory_space<hbm>>
      %dma_start3A_175 = tpu.memref_squeeze %dma_start3A_174 : memref<1x20x64xf32, #tpu.memory_space<hbm>> -> memref<20x64xf32, #tpu.memory_space<hbm>>
      %dma_start3A_176 = arith.constant 180 : i32
      %dma_start3A_177 = arith.constant 0 : i32
      %dma_start3A_178 = tpu.memref_slice %arg6[%dma_start3A_176, %dma_start3A_177] : memref<1280x64xf32, #tpu.memory_space<vmem>> -> memref<20x64xf32, #tpu.memory_space<vmem>>
      tpu.enqueue_dma source(%dma_start3A_178 : memref<20x64xf32, #tpu.memory_space<vmem>>) target(%dma_start3A_175 : memref<20x64xf32, #tpu.memory_space<hbm>>) target_semaphore(%arg7 : memref<!tpu.dma_semaphore, #tpu.memory_space<semaphore_mem>>)
      %add3A_179 = arith.constant 10 : i32
      %add3A_180 = arith.addi %add3A_12, %add3A_179 : i32
      %dma_start3A_181 = arith.constant 200 : i32
      %dma_start3A_182 = arith.constant 0 : i32
      %dma_start3A_183 = tpu.memref_slice %arg6[%dma_start3A_181, %dma_start3A_182] : memref<1280x64xf32, #tpu.memory_space<vmem>> -> memref<20x64xf32, #tpu.memory_space<vmem>>
      %dma_start3A_184 = arith.constant 0 : i32
      %dma_start3A_185 = arith.constant 0 : i32
      %dma_start3A_186 = tpu.memref_slice %arg4[%add3A_180, %dma_start3A_184, %dma_start3A_185] : memref<16384x20x64xf32, #tpu.memory_space<hbm>> -> memref<1x20x64xf32, #tpu.memory_space<hbm>>
      %dma_start3A_187 = tpu.memref_squeeze %dma_start3A_186 : memref<1x20x64xf32, #tpu.memory_space<hbm>> -> memref<20x64xf32, #tpu.memory_space<hbm>>
      %dma_start3A_188 = arith.constant 0 : i32
      %dma_start3A_189 = arith.constant 0 : i32
      %dma_start3A_190 = tpu.memref_slice %arg4[%add3A_180, %dma_start3A_188, %dma_start3A_189] : memref<16384x20x64xf32, #tpu.memory_space<hbm>> -> memref<1x20x64xf32, #tpu.memory_space<hbm>>
      %dma_start3A_191 = tpu.memref_squeeze %dma_start3A_190 : memref<1x20x64xf32, #tpu.memory_space<hbm>> -> memref<20x64xf32, #tpu.memory_space<hbm>>
      %dma_start3A_192 = arith.constant 200 : i32
      %dma_start3A_193 = arith.constant 0 : i32
      %dma_start3A_194 = tpu.memref_slice %arg6[%dma_start3A_192, %dma_start3A_193] : memref<1280x64xf32, #tpu.memory_space<vmem>> -> memref<20x64xf32, #tpu.memory_space<vmem>>
      tpu.enqueue_dma source(%dma_start3A_194 : memref<20x64xf32, #tpu.memory_space<vmem>>) target(%dma_start3A_191 : memref<20x64xf32, #tpu.memory_space<hbm>>) target_semaphore(%arg7 : memref<!tpu.dma_semaphore, #tpu.memory_space<semaphore_mem>>)
      %add3A_195 = arith.constant 11 : i32
      %add3A_196 = arith.addi %add3A_12, %add3A_195 : i32
      %dma_start3A_197 = arith.constant 220 : i32
      %dma_start3A_198 = arith.constant 0 : i32
      %dma_start3A_199 = tpu.memref_slice %arg6[%dma_start3A_197, %dma_start3A_198] : memref<1280x64xf32, #tpu.memory_space<vmem>> -> memref<20x64xf32, #tpu.memory_space<vmem>>
      %dma_start3A_200 = arith.constant 0 : i32
      %dma_start3A_201 = arith.constant 0 : i32
      %dma_start3A_202 = tpu.memref_slice %arg4[%add3A_196, %dma_start3A_200, %dma_start3A_201] : memref<16384x20x64xf32, #tpu.memory_space<hbm>> -> memref<1x20x64xf32, #tpu.memory_space<hbm>>
      %dma_start3A_203 = tpu.memref_squeeze %dma_start3A_202 : memref<1x20x64xf32, #tpu.memory_space<hbm>> -> memref<20x64xf32, #tpu.memory_space<hbm>>
      %dma_start3A_204 = arith.constant 0 : i32
      %dma_start3A_205 = arith.constant 0 : i32
      %dma_start3A_206 = tpu.memref_slice %arg4[%add3A_196, %dma_start3A_204, %dma_start3A_205] : memref<16384x20x64xf32, #tpu.memory_space<hbm>> -> memref<1x20x64xf32, #tpu.memory_space<hbm>>
      %dma_start3A_207 = tpu.memref_squeeze %dma_start3A_206 : memref<1x20x64xf32, #tpu.memory_space<hbm>> -> memref<20x64xf32, #tpu.memory_space<hbm>>
      %dma_start3A_208 = arith.constant 220 : i32
      %dma_start3A_209 = arith.constant 0 : i32
      %dma_start3A_210 = tpu.memref_slice %arg6[%dma_start3A_208, %dma_start3A_209] : memref<1280x64xf32, #tpu.memory_space<vmem>> -> memref<20x64xf32, #tpu.memory_space<vmem>>
      tpu.enqueue_dma source(%dma_start3A_210 : memref<20x64xf32, #tpu.memory_space<vmem>>) target(%dma_start3A_207 : memref<20x64xf32, #tpu.memory_space<hbm>>) target_semaphore(%arg7 : memref<!tpu.dma_semaphore, #tpu.memory_space<semaphore_mem>>)
      %add3A_211 = arith.constant 12 : i32
      %add3A_212 = arith.addi %add3A_12, %add3A_211 : i32
      %dma_start3A_213 = arith.constant 240 : i32
      %dma_start3A_214 = arith.constant 0 : i32
      %dma_start3A_215 = tpu.memref_slice %arg6[%dma_start3A_213, %dma_start3A_214] : memref<1280x64xf32, #tpu.memory_space<vmem>> -> memref<20x64xf32, #tpu.memory_space<vmem>>
      %dma_start3A_216 = arith.constant 0 : i32
      %dma_start3A_217 = arith.constant 0 : i32
      %dma_start3A_218 = tpu.memref_slice %arg4[%add3A_212, %dma_start3A_216, %dma_start3A_217] : memref<16384x20x64xf32, #tpu.memory_space<hbm>> -> memref<1x20x64xf32, #tpu.memory_space<hbm>>
      %dma_start3A_219 = tpu.memref_squeeze %dma_start3A_218 : memref<1x20x64xf32, #tpu.memory_space<hbm>> -> memref<20x64xf32, #tpu.memory_space<hbm>>
      %dma_start3A_220 = arith.constant 0 : i32
      %dma_start3A_221 = arith.constant 0 : i32
      %dma_start3A_222 = tpu.memref_slice %arg4[%add3A_212, %dma_start3A_220, %dma_start3A_221] : memref<16384x20x64xf32, #tpu.memory_space<hbm>> -> memref<1x20x64xf32, #tpu.memory_space<hbm>>
      %dma_start3A_223 = tpu.memref_squeeze %dma_start3A_222 : memref<1x20x64xf32, #tpu.memory_space<hbm>> -> memref<20x64xf32, #tpu.memory_space<hbm>>
      %dma_start3A_224 = arith.constant 240 : i32
      %dma_start3A_225 = arith.constant 0 : i32
      %dma_start3A_226 = tpu.memref_slice %arg6[%dma_start3A_224, %dma_start3A_225] : memref<1280x64xf32, #tpu.memory_space<vmem>> -> memref<20x64xf32, #tpu.memory_space<vmem>>
      tpu.enqueue_dma source(%dma_start3A_226 : memref<20x64xf32, #tpu.memory_space<vmem>>) target(%dma_start3A_223 : memref<20x64xf32, #tpu.memory_space<hbm>>) target_semaphore(%arg7 : memref<!tpu.dma_semaphore, #tpu.memory_space<semaphore_mem>>)
      %add3A_227 = arith.constant 13 : i32
      %add3A_228 = arith.addi %add3A_12, %add3A_227 : i32
      %dma_start3A_229 = arith.constant 260 : i32
      %dma_start3A_230 = arith.constant 0 : i32
      %dma_start3A_231 = tpu.memref_slice %arg6[%dma_start3A_229, %dma_start3A_230] : memref<1280x64xf32, #tpu.memory_space<vmem>> -> memref<20x64xf32, #tpu.memory_space<vmem>>
      %dma_start3A_232 = arith.constant 0 : i32
      %dma_start3A_233 = arith.constant 0 : i32
      %dma_start3A_234 = tpu.memref_slice %arg4[%add3A_228, %dma_start3A_232, %dma_start3A_233] : memref<16384x20x64xf32, #tpu.memory_space<hbm>> -> memref<1x20x64xf32, #tpu.memory_space<hbm>>
      %dma_start3A_235 = tpu.memref_squeeze %dma_start3A_234 : memref<1x20x64xf32, #tpu.memory_space<hbm>> -> memref<20x64xf32, #tpu.memory_space<hbm>>
      %dma_start3A_236 = arith.constant 0 : i32
      %dma_start3A_237 = arith.constant 0 : i32
      %dma_start3A_238 = tpu.memref_slice %arg4[%add3A_228, %dma_start3A_236, %dma_start3A_237] : memref<16384x20x64xf32, #tpu.memory_space<hbm>> -> memref<1x20x64xf32, #tpu.memory_space<hbm>>
      %dma_start3A_239 = tpu.memref_squeeze %dma_start3A_238 : memref<1x20x64xf32, #tpu.memory_space<hbm>> -> memref<20x64xf32, #tpu.memory_space<hbm>>
      %dma_start3A_240 = arith.constant 260 : i32
      %dma_start3A_241 = arith.constant 0 : i32
      %dma_start3A_242 = tpu.memref_slice %arg6[%dma_start3A_240, %dma_start3A_241] : memref<1280x64xf32, #tpu.memory_space<vmem>> -> memref<20x64xf32, #tpu.memory_space<vmem>>
      tpu.enqueue_dma source(%dma_start3A_242 : memref<20x64xf32, #tpu.memory_space<vmem>>) target(%dma_start3A_239 : memref<20x64xf32, #tpu.memory_space<hbm>>) target_semaphore(%arg7 : memref<!tpu.dma_semaphore, #tpu.memory_space<semaphore_mem>>)
      %add3A_243 = arith.constant 14 : i32
      %add3A_244 = arith.addi %add3A_12, %add3A_243 : i32
      %dma_start3A_245 = arith.constant 280 : i32
      %dma_start3A_246 = arith.constant 0 : i32
      %dma_start3A_247 = tpu.memref_slice %arg6[%dma_start3A_245, %dma_start3A_246] : memref<1280x64xf32, #tpu.memory_space<vmem>> -> memref<20x64xf32, #tpu.memory_space<vmem>>
      %dma_start3A_248 = arith.constant 0 : i32
      %dma_start3A_249 = arith.constant 0 : i32
      %dma_start3A_250 = tpu.memref_slice %arg4[%add3A_244, %dma_start3A_248, %dma_start3A_249] : memref<16384x20x64xf32, #tpu.memory_space<hbm>> -> memref<1x20x64xf32, #tpu.memory_space<hbm>>
      %dma_start3A_251 = tpu.memref_squeeze %dma_start3A_250 : memref<1x20x64xf32, #tpu.memory_space<hbm>> -> memref<20x64xf32, #tpu.memory_space<hbm>>
      %dma_start3A_252 = arith.constant 0 : i32
      %dma_start3A_253 = arith.constant 0 : i32
      %dma_start3A_254 = tpu.memref_slice %arg4[%add3A_244, %dma_start3A_252, %dma_start3A_253] : memref<16384x20x64xf32, #tpu.memory_space<hbm>> -> memref<1x20x64xf32, #tpu.memory_space<hbm>>
      %dma_start3A_255 = tpu.memref_squeeze %dma_start3A_254 : memref<1x20x64xf32, #tpu.memory_space<hbm>> -> memref<20x64xf32, #tpu.memory_space<hbm>>
      %dma_start3A_256 = arith.constant 280 : i32
      %dma_start3A_257 = arith.constant 0 : i32
      %dma_start3A_258 = tpu.memref_slice %arg6[%dma_start3A_256, %dma_start3A_257] : memref<1280x64xf32, #tpu.memory_space<vmem>> -> memref<20x64xf32, #tpu.memory_space<vmem>>
      tpu.enqueue_dma source(%dma_start3A_258 : memref<20x64xf32, #tpu.memory_space<vmem>>) target(%dma_start3A_255 : memref<20x64xf32, #tpu.memory_space<hbm>>) target_semaphore(%arg7 : memref<!tpu.dma_semaphore, #tpu.memory_space<semaphore_mem>>)
      %add3A_259 = arith.constant 15 : i32
      %add3A_260 = arith.addi %add3A_12, %add3A_259 : i32
      %dma_start3A_261 = arith.constant 300 : i32
      %dma_start3A_262 = arith.constant 0 : i32
      %dma_start3A_263 = tpu.memref_slice %arg6[%dma_start3A_261, %dma_start3A_262] : memref<1280x64xf32, #tpu.memory_space<vmem>> -> memref<20x64xf32, #tpu.memory_space<vmem>>
      %dma_start3A_264 = arith.constant 0 : i32
      %dma_start3A_265 = arith.constant 0 : i32
      %dma_start3A_266 = tpu.memref_slice %arg4[%add3A_260, %dma_start3A_264, %dma_start3A_265] : memref<16384x20x64xf32, #tpu.memory_space<hbm>> -> memref<1x20x64xf32, #tpu.memory_space<hbm>>
      %dma_start3A_267 = tpu.memref_squeeze %dma_start3A_266 : memref<1x20x64xf32, #tpu.memory_space<hbm>> -> memref<20x64xf32, #tpu.memory_space<hbm>>
      %dma_start3A_268 = arith.constant 0 : i32
      %dma_start3A_269 = arith.constant 0 : i32
      %dma_start3A_270 = tpu.memref_slice %arg4[%add3A_260, %dma_start3A_268, %dma_start3A_269] : memref<16384x20x64xf32, #tpu.memory_space<hbm>> -> memref<1x20x64xf32, #tpu.memory_space<hbm>>
      %dma_start3A_271 = tpu.memref_squeeze %dma_start3A_270 : memref<1x20x64xf32, #tpu.memory_space<hbm>> -> memref<20x64xf32, #tpu.memory_space<hbm>>
      %dma_start3A_272 = arith.constant 300 : i32
      %dma_start3A_273 = arith.constant 0 : i32
      %dma_start3A_274 = tpu.memref_slice %arg6[%dma_start3A_272, %dma_start3A_273] : memref<1280x64xf32, #tpu.memory_space<vmem>> -> memref<20x64xf32, #tpu.memory_space<vmem>>
      tpu.enqueue_dma source(%dma_start3A_274 : memref<20x64xf32, #tpu.memory_space<vmem>>) target(%dma_start3A_271 : memref<20x64xf32, #tpu.memory_space<hbm>>) target_semaphore(%arg7 : memref<!tpu.dma_semaphore, #tpu.memory_space<semaphore_mem>>)
      %add3A_275 = arith.constant 16 : i32
      %add3A_276 = arith.addi %add3A_12, %add3A_275 : i32
      %dma_start3A_277 = arith.constant 320 : i32
      %dma_start3A_278 = arith.constant 0 : i32
      %dma_start3A_279 = tpu.memref_slice %arg6[%dma_start3A_277, %dma_start3A_278] : memref<1280x64xf32, #tpu.memory_space<vmem>> -> memref<20x64xf32, #tpu.memory_space<vmem>>
      %dma_start3A_280 = arith.constant 0 : i32
      %dma_start3A_281 = arith.constant 0 : i32
      %dma_start3A_282 = tpu.memref_slice %arg4[%add3A_276, %dma_start3A_280, %dma_start3A_281] : memref<16384x20x64xf32, #tpu.memory_space<hbm>> -> memref<1x20x64xf32, #tpu.memory_space<hbm>>
      %dma_start3A_283 = tpu.memref_squeeze %dma_start3A_282 : memref<1x20x64xf32, #tpu.memory_space<hbm>> -> memref<20x64xf32, #tpu.memory_space<hbm>>
      %dma_start3A_284 = arith.constant 0 : i32
      %dma_start3A_285 = arith.constant 0 : i32
      %dma_start3A_286 = tpu.memref_slice %arg4[%add3A_276, %dma_start3A_284, %dma_start3A_285] : memref<16384x20x64xf32, #tpu.memory_space<hbm>> -> memref<1x20x64xf32, #tpu.memory_space<hbm>>
      %dma_start3A_287 = tpu.memref_squeeze %dma_start3A_286 : memref<1x20x64xf32, #tpu.memory_space<hbm>> -> memref<20x64xf32, #tpu.memory_space<hbm>>
      %dma_start3A_288 = arith.constant 320 : i32
      %dma_start3A_289 = arith.constant 0 : i32
      %dma_start3A_290 = tpu.memref_slice %arg6[%dma_start3A_288, %dma_start3A_289] : memref<1280x64xf32, #tpu.memory_space<vmem>> -> memref<20x64xf32, #tpu.memory_space<vmem>>
      tpu.enqueue_dma source(%dma_start3A_290 : memref<20x64xf32, #tpu.memory_space<vmem>>) target(%dma_start3A_287 : memref<20x64xf32, #tpu.memory_space<hbm>>) target_semaphore(%arg7 : memref<!tpu.dma_semaphore, #tpu.memory_space<semaphore_mem>>)
      %add3A_291 = arith.constant 17 : i32
      %add3A_292 = arith.addi %add3A_12, %add3A_291 : i32
      %dma_start3A_293 = arith.constant 340 : i32
      %dma_start3A_294 = arith.constant 0 : i32
      %dma_start3A_295 = tpu.memref_slice %arg6[%dma_start3A_293, %dma_start3A_294] : memref<1280x64xf32, #tpu.memory_space<vmem>> -> memref<20x64xf32, #tpu.memory_space<vmem>>
      %dma_start3A_296 = arith.constant 0 : i32
      %dma_start3A_297 = arith.constant 0 : i32
      %dma_start3A_298 = tpu.memref_slice %arg4[%add3A_292, %dma_start3A_296, %dma_start3A_297] : memref<16384x20x64xf32, #tpu.memory_space<hbm>> -> memref<1x20x64xf32, #tpu.memory_space<hbm>>
      %dma_start3A_299 = tpu.memref_squeeze %dma_start3A_298 : memref<1x20x64xf32, #tpu.memory_space<hbm>> -> memref<20x64xf32, #tpu.memory_space<hbm>>
      %dma_start3A_300 = arith.constant 0 : i32
      %dma_start3A_301 = arith.constant 0 : i32
      %dma_start3A_302 = tpu.memref_slice %arg4[%add3A_292, %dma_start3A_300, %dma_start3A_301] : memref<16384x20x64xf32, #tpu.memory_space<hbm>> -> memref<1x20x64xf32, #tpu.memory_space<hbm>>
      %dma_start3A_303 = tpu.memref_squeeze %dma_start3A_302 : memref<1x20x64xf32, #tpu.memory_space<hbm>> -> memref<20x64xf32, #tpu.memory_space<hbm>>
      %dma_start3A_304 = arith.constant 340 : i32
      %dma_start3A_305 = arith.constant 0 : i32
      %dma_start3A_306 = tpu.memref_slice %arg6[%dma_start3A_304, %dma_start3A_305] : memref<1280x64xf32, #tpu.memory_space<vmem>> -> memref<20x64xf32, #tpu.memory_space<vmem>>
      tpu.enqueue_dma source(%dma_start3A_306 : memref<20x64xf32, #tpu.memory_space<vmem>>) target(%dma_start3A_303 : memref<20x64xf32, #tpu.memory_space<hbm>>) target_semaphore(%arg7 : memref<!tpu.dma_semaphore, #tpu.memory_space<semaphore_mem>>)
      %add3A_307 = arith.constant 18 : i32
      %add3A_308 = arith.addi %add3A_12, %add3A_307 : i32
      %dma_start3A_309 = arith.constant 360 : i32
      %dma_start3A_310 = arith.constant 0 : i32
      %dma_start3A_311 = tpu.memref_slice %arg6[%dma_start3A_309, %dma_start3A_310] : memref<1280x64xf32, #tpu.memory_space<vmem>> -> memref<20x64xf32, #tpu.memory_space<vmem>>
      %dma_start3A_312 = arith.constant 0 : i32
      %dma_start3A_313 = arith.constant 0 : i32
      %dma_start3A_314 = tpu.memref_slice %arg4[%add3A_308, %dma_start3A_312, %dma_start3A_313] : memref<16384x20x64xf32, #tpu.memory_space<hbm>> -> memref<1x20x64xf32, #tpu.memory_space<hbm>>
      %dma_start3A_315 = tpu.memref_squeeze %dma_start3A_314 : memref<1x20x64xf32, #tpu.memory_space<hbm>> -> memref<20x64xf32, #tpu.memory_space<hbm>>
      %dma_start3A_316 = arith.constant 0 : i32
      %dma_start3A_317 = arith.constant 0 : i32
      %dma_start3A_318 = tpu.memref_slice %arg4[%add3A_308, %dma_start3A_316, %dma_start3A_317] : memref<16384x20x64xf32, #tpu.memory_space<hbm>> -> memref<1x20x64xf32, #tpu.memory_space<hbm>>
      %dma_start3A_319 = tpu.memref_squeeze %dma_start3A_318 : memref<1x20x64xf32, #tpu.memory_space<hbm>> -> memref<20x64xf32, #tpu.memory_space<hbm>>
      %dma_start3A_320 = arith.constant 360 : i32
      %dma_start3A_321 = arith.constant 0 : i32
      %dma_start3A_322 = tpu.memref_slice %arg6[%dma_start3A_320, %dma_start3A_321] : memref<1280x64xf32, #tpu.memory_space<vmem>> -> memref<20x64xf32, #tpu.memory_space<vmem>>
      tpu.enqueue_dma source(%dma_start3A_322 : memref<20x64xf32, #tpu.memory_space<vmem>>) target(%dma_start3A_319 : memref<20x64xf32, #tpu.memory_space<hbm>>) target_semaphore(%arg7 : memref<!tpu.dma_semaphore, #tpu.memory_space<semaphore_mem>>)
      %add3A_323 = arith.constant 19 : i32
      %add3A_324 = arith.addi %add3A_12, %add3A_323 : i32
      %dma_start3A_325 = arith.constant 380 : i32
      %dma_start3A_326 = arith.constant 0 : i32
      %dma_start3A_327 = tpu.memref_slice %arg6[%dma_start3A_325, %dma_start3A_326] : memref<1280x64xf32, #tpu.memory_space<vmem>> -> memref<20x64xf32, #tpu.memory_space<vmem>>
      %dma_start3A_328 = arith.constant 0 : i32
      %dma_start3A_329 = arith.constant 0 : i32
      %dma_start3A_330 = tpu.memref_slice %arg4[%add3A_324, %dma_start3A_328, %dma_start3A_329] : memref<16384x20x64xf32, #tpu.memory_space<hbm>> -> memref<1x20x64xf32, #tpu.memory_space<hbm>>
      %dma_start3A_331 = tpu.memref_squeeze %dma_start3A_330 : memref<1x20x64xf32, #tpu.memory_space<hbm>> -> memref<20x64xf32, #tpu.memory_space<hbm>>
      %dma_start3A_332 = arith.constant 0 : i32
      %dma_start3A_333 = arith.constant 0 : i32
      %dma_start3A_334 = tpu.memref_slice %arg4[%add3A_324, %dma_start3A_332, %dma_start3A_333] : memref<16384x20x64xf32, #tpu.memory_space<hbm>> -> memref<1x20x64xf32, #tpu.memory_space<hbm>>
      %dma_start3A_335 = tpu.memref_squeeze %dma_start3A_334 : memref<1x20x64xf32, #tpu.memory_space<hbm>> -> memref<20x64xf32, #tpu.memory_space<hbm>>
      %dma_start3A_336 = arith.constant 380 : i32
      %dma_start3A_337 = arith.constant 0 : i32
      %dma_start3A_338 = tpu.memref_slice %arg6[%dma_start3A_336, %dma_start3A_337] : memref<1280x64xf32, #tpu.memory_space<vmem>> -> memref<20x64xf32, #tpu.memory_space<vmem>>
      tpu.enqueue_dma source(%dma_start3A_338 : memref<20x64xf32, #tpu.memory_space<vmem>>) target(%dma_start3A_335 : memref<20x64xf32, #tpu.memory_space<hbm>>) target_semaphore(%arg7 : memref<!tpu.dma_semaphore, #tpu.memory_space<semaphore_mem>>)
      %add3A_339 = arith.constant 20 : i32
      %add3A_340 = arith.addi %add3A_12, %add3A_339 : i32
      %dma_start3A_341 = arith.constant 400 : i32
      %dma_start3A_342 = arith.constant 0 : i32
      %dma_start3A_343 = tpu.memref_slice %arg6[%dma_start3A_341, %dma_start3A_342] : memref<1280x64xf32, #tpu.memory_space<vmem>> -> memref<20x64xf32, #tpu.memory_space<vmem>>
      %dma_start3A_344 = arith.constant 0 : i32
      %dma_start3A_345 = arith.constant 0 : i32
      %dma_start3A_346 = tpu.memref_slice %arg4[%add3A_340, %dma_start3A_344, %dma_start3A_345] : memref<16384x20x64xf32, #tpu.memory_space<hbm>> -> memref<1x20x64xf32, #tpu.memory_space<hbm>>
      %dma_start3A_347 = tpu.memref_squeeze %dma_start3A_346 : memref<1x20x64xf32, #tpu.memory_space<hbm>> -> memref<20x64xf32, #tpu.memory_space<hbm>>
      %dma_start3A_348 = arith.constant 0 : i32
      %dma_start3A_349 = arith.constant 0 : i32
      %dma_start3A_350 = tpu.memref_slice %arg4[%add3A_340, %dma_start3A_348, %dma_start3A_349] : memref<16384x20x64xf32, #tpu.memory_space<hbm>> -> memref<1x20x64xf32, #tpu.memory_space<hbm>>
      %dma_start3A_351 = tpu.memref_squeeze %dma_start3A_350 : memref<1x20x64xf32, #tpu.memory_space<hbm>> -> memref<20x64xf32, #tpu.memory_space<hbm>>
      %dma_start3A_352 = arith.constant 400 : i32
      %dma_start3A_353 = arith.constant 0 : i32
      %dma_start3A_354 = tpu.memref_slice %arg6[%dma_start3A_352, %dma_start3A_353] : memref<1280x64xf32, #tpu.memory_space<vmem>> -> memref<20x64xf32, #tpu.memory_space<vmem>>
      tpu.enqueue_dma source(%dma_start3A_354 : memref<20x64xf32, #tpu.memory_space<vmem>>) target(%dma_start3A_351 : memref<20x64xf32, #tpu.memory_space<hbm>>) target_semaphore(%arg7 : memref<!tpu.dma_semaphore, #tpu.memory_space<semaphore_mem>>)
      %add3A_355 = arith.constant 21 : i32
      %add3A_356 = arith.addi %add3A_12, %add3A_355 : i32
      %dma_start3A_357 = arith.constant 420 : i32
      %dma_start3A_358 = arith.constant 0 : i32
      %dma_start3A_359 = tpu.memref_slice %arg6[%dma_start3A_357, %dma_start3A_358] : memref<1280x64xf32, #tpu.memory_space<vmem>> -> memref<20x64xf32, #tpu.memory_space<vmem>>
      %dma_start3A_360 = arith.constant 0 : i32
      %dma_start3A_361 = arith.constant 0 : i32
      %dma_start3A_362 = tpu.memref_slice %arg4[%add3A_356, %dma_start3A_360, %dma_start3A_361] : memref<16384x20x64xf32, #tpu.memory_space<hbm>> -> memref<1x20x64xf32, #tpu.memory_space<hbm>>
      %dma_start3A_363 = tpu.memref_squeeze %dma_start3A_362 : memref<1x20x64xf32, #tpu.memory_space<hbm>> -> memref<20x64xf32, #tpu.memory_space<hbm>>
      %dma_start3A_364 = arith.constant 0 : i32
      %dma_start3A_365 = arith.constant 0 : i32
      %dma_start3A_366 = tpu.memref_slice %arg4[%add3A_356, %dma_start3A_364, %dma_start3A_365] : memref<16384x20x64xf32, #tpu.memory_space<hbm>> -> memref<1x20x64xf32, #tpu.memory_space<hbm>>
      %dma_start3A_367 = tpu.memref_squeeze %dma_start3A_366 : memref<1x20x64xf32, #tpu.memory_space<hbm>> -> memref<20x64xf32, #tpu.memory_space<hbm>>
      %dma_start3A_368 = arith.constant 420 : i32
      %dma_start3A_369 = arith.constant 0 : i32
      %dma_start3A_370 = tpu.memref_slice %arg6[%dma_start3A_368, %dma_start3A_369] : memref<1280x64xf32, #tpu.memory_space<vmem>> -> memref<20x64xf32, #tpu.memory_space<vmem>>
      tpu.enqueue_dma source(%dma_start3A_370 : memref<20x64xf32, #tpu.memory_space<vmem>>) target(%dma_start3A_367 : memref<20x64xf32, #tpu.memory_space<hbm>>) target_semaphore(%arg7 : memref<!tpu.dma_semaphore, #tpu.memory_space<semaphore_mem>>)
      %add3A_371 = arith.constant 22 : i32
      %add3A_372 = arith.addi %add3A_12, %add3A_371 : i32
      %dma_start3A_373 = arith.constant 440 : i32
      %dma_start3A_374 = arith.constant 0 : i32
      %dma_start3A_375 = tpu.memref_slice %arg6[%dma_start3A_373, %dma_start3A_374] : memref<1280x64xf32, #tpu.memory_space<vmem>> -> memref<20x64xf32, #tpu.memory_space<vmem>>
      %dma_start3A_376 = arith.constant 0 : i32
      %dma_start3A_377 = arith.constant 0 : i32
      %dma_start3A_378 = tpu.memref_slice %arg4[%add3A_372, %dma_start3A_376, %dma_start3A_377] : memref<16384x20x64xf32, #tpu.memory_space<hbm>> -> memref<1x20x64xf32, #tpu.memory_space<hbm>>
      %dma_start3A_379 = tpu.memref_squeeze %dma_start3A_378 : memref<1x20x64xf32, #tpu.memory_space<hbm>> -> memref<20x64xf32, #tpu.memory_space<hbm>>
      %dma_start3A_380 = arith.constant 0 : i32
      %dma_start3A_381 = arith.constant 0 : i32
      %dma_start3A_382 = tpu.memref_slice %arg4[%add3A_372, %dma_start3A_380, %dma_start3A_381] : memref<16384x20x64xf32, #tpu.memory_space<hbm>> -> memref<1x20x64xf32, #tpu.memory_space<hbm>>
      %dma_start3A_383 = tpu.memref_squeeze %dma_start3A_382 : memref<1x20x64xf32, #tpu.memory_space<hbm>> -> memref<20x64xf32, #tpu.memory_space<hbm>>
      %dma_start3A_384 = arith.constant 440 : i32
      %dma_start3A_385 = arith.constant 0 : i32
      %dma_start3A_386 = tpu.memref_slice %arg6[%dma_start3A_384, %dma_start3A_385] : memref<1280x64xf32, #tpu.memory_space<vmem>> -> memref<20x64xf32, #tpu.memory_space<vmem>>
      tpu.enqueue_dma source(%dma_start3A_386 : memref<20x64xf32, #tpu.memory_space<vmem>>) target(%dma_start3A_383 : memref<20x64xf32, #tpu.memory_space<hbm>>) target_semaphore(%arg7 : memref<!tpu.dma_semaphore, #tpu.memory_space<semaphore_mem>>)
      %add3A_387 = arith.constant 23 : i32
      %add3A_388 = arith.addi %add3A_12, %add3A_387 : i32
      %dma_start3A_389 = arith.constant 460 : i32
      %dma_start3A_390 = arith.constant 0 : i32
      %dma_start3A_391 = tpu.memref_slice %arg6[%dma_start3A_389, %dma_start3A_390] : memref<1280x64xf32, #tpu.memory_space<vmem>> -> memref<20x64xf32, #tpu.memory_space<vmem>>
      %dma_start3A_392 = arith.constant 0 : i32
      %dma_start3A_393 = arith.constant 0 : i32
      %dma_start3A_394 = tpu.memref_slice %arg4[%add3A_388, %dma_start3A_392, %dma_start3A_393] : memref<16384x20x64xf32, #tpu.memory_space<hbm>> -> memref<1x20x64xf32, #tpu.memory_space<hbm>>
      %dma_start3A_395 = tpu.memref_squeeze %dma_start3A_394 : memref<1x20x64xf32, #tpu.memory_space<hbm>> -> memref<20x64xf32, #tpu.memory_space<hbm>>
      %dma_start3A_396 = arith.constant 0 : i32
      %dma_start3A_397 = arith.constant 0 : i32
      %dma_start3A_398 = tpu.memref_slice %arg4[%add3A_388, %dma_start3A_396, %dma_start3A_397] : memref<16384x20x64xf32, #tpu.memory_space<hbm>> -> memref<1x20x64xf32, #tpu.memory_space<hbm>>
      %dma_start3A_399 = tpu.memref_squeeze %dma_start3A_398 : memref<1x20x64xf32, #tpu.memory_space<hbm>> -> memref<20x64xf32, #tpu.memory_space<hbm>>
      %dma_start3A_400 = arith.constant 460 : i32
      %dma_start3A_401 = arith.constant 0 : i32
      %dma_start3A_402 = tpu.memref_slice %arg6[%dma_start3A_400, %dma_start3A_401] : memref<1280x64xf32, #tpu.memory_space<vmem>> -> memref<20x64xf32, #tpu.memory_space<vmem>>
      tpu.enqueue_dma source(%dma_start3A_402 : memref<20x64xf32, #tpu.memory_space<vmem>>) target(%dma_start3A_399 : memref<20x64xf32, #tpu.memory_space<hbm>>) target_semaphore(%arg7 : memref<!tpu.dma_semaphore, #tpu.memory_space<semaphore_mem>>)
      %add3A_403 = arith.constant 24 : i32
      %add3A_404 = arith.addi %add3A_12, %add3A_403 : i32
      %dma_start3A_405 = arith.constant 480 : i32
      %dma_start3A_406 = arith.constant 0 : i32
      %dma_start3A_407 = tpu.memref_slice %arg6[%dma_start3A_405, %dma_start3A_406] : memref<1280x64xf32, #tpu.memory_space<vmem>> -> memref<20x64xf32, #tpu.memory_space<vmem>>
      %dma_start3A_408 = arith.constant 0 : i32
      %dma_start3A_409 = arith.constant 0 : i32
      %dma_start3A_410 = tpu.memref_slice %arg4[%add3A_404, %dma_start3A_408, %dma_start3A_409] : memref<16384x20x64xf32, #tpu.memory_space<hbm>> -> memref<1x20x64xf32, #tpu.memory_space<hbm>>
      %dma_start3A_411 = tpu.memref_squeeze %dma_start3A_410 : memref<1x20x64xf32, #tpu.memory_space<hbm>> -> memref<20x64xf32, #tpu.memory_space<hbm>>
      %dma_start3A_412 = arith.constant 0 : i32
      %dma_start3A_413 = arith.constant 0 : i32
      %dma_start3A_414 = tpu.memref_slice %arg4[%add3A_404, %dma_start3A_412, %dma_start3A_413] : memref<16384x20x64xf32, #tpu.memory_space<hbm>> -> memref<1x20x64xf32, #tpu.memory_space<hbm>>
      %dma_start3A_415 = tpu.memref_squeeze %dma_start3A_414 : memref<1x20x64xf32, #tpu.memory_space<hbm>> -> memref<20x64xf32, #tpu.memory_space<hbm>>
      %dma_start3A_416 = arith.constant 480 : i32
      %dma_start3A_417 = arith.constant 0 : i32
      %dma_start3A_418 = tpu.memref_slice %arg6[%dma_start3A_416, %dma_start3A_417] : memref<1280x64xf32, #tpu.memory_space<vmem>> -> memref<20x64xf32, #tpu.memory_space<vmem>>
      tpu.enqueue_dma source(%dma_start3A_418 : memref<20x64xf32, #tpu.memory_space<vmem>>) target(%dma_start3A_415 : memref<20x64xf32, #tpu.memory_space<hbm>>) target_semaphore(%arg7 : memref<!tpu.dma_semaphore, #tpu.memory_space<semaphore_mem>>)
      %add3A_419 = arith.constant 25 : i32
      %add3A_420 = arith.addi %add3A_12, %add3A_419 : i32
      %dma_start3A_421 = arith.constant 500 : i32
      %dma_start3A_422 = arith.constant 0 : i32
      %dma_start3A_423 = tpu.memref_slice %arg6[%dma_start3A_421, %dma_start3A_422] : memref<1280x64xf32, #tpu.memory_space<vmem>> -> memref<20x64xf32, #tpu.memory_space<vmem>>
      %dma_start3A_424 = arith.constant 0 : i32
      %dma_start3A_425 = arith.constant 0 : i32
      %dma_start3A_426 = tpu.memref_slice %arg4[%add3A_420, %dma_start3A_424, %dma_start3A_425] : memref<16384x20x64xf32, #tpu.memory_space<hbm>> -> memref<1x20x64xf32, #tpu.memory_space<hbm>>
      %dma_start3A_427 = tpu.memref_squeeze %dma_start3A_426 : memref<1x20x64xf32, #tpu.memory_space<hbm>> -> memref<20x64xf32, #tpu.memory_space<hbm>>
      %dma_start3A_428 = arith.constant 0 : i32
      %dma_start3A_429 = arith.constant 0 : i32
      %dma_start3A_430 = tpu.memref_slice %arg4[%add3A_420, %dma_start3A_428, %dma_start3A_429] : memref<16384x20x64xf32, #tpu.memory_space<hbm>> -> memref<1x20x64xf32, #tpu.memory_space<hbm>>
      %dma_start3A_431 = tpu.memref_squeeze %dma_start3A_430 : memref<1x20x64xf32, #tpu.memory_space<hbm>> -> memref<20x64xf32, #tpu.memory_space<hbm>>
      %dma_start3A_432 = arith.constant 500 : i32
      %dma_start3A_433 = arith.constant 0 : i32
      %dma_start3A_434 = tpu.memref_slice %arg6[%dma_start3A_432, %dma_start3A_433] : memref<1280x64xf32, #tpu.memory_space<vmem>> -> memref<20x64xf32, #tpu.memory_space<vmem>>
      tpu.enqueue_dma source(%dma_start3A_434 : memref<20x64xf32, #tpu.memory_space<vmem>>) target(%dma_start3A_431 : memref<20x64xf32, #tpu.memory_space<hbm>>) target_semaphore(%arg7 : memref<!tpu.dma_semaphore, #tpu.memory_space<semaphore_mem>>)
      %add3A_435 = arith.constant 26 : i32
      %add3A_436 = arith.addi %add3A_12, %add3A_435 : i32
      %dma_start3A_437 = arith.constant 520 : i32
      %dma_start3A_438 = arith.constant 0 : i32
      %dma_start3A_439 = tpu.memref_slice %arg6[%dma_start3A_437, %dma_start3A_438] : memref<1280x64xf32, #tpu.memory_space<vmem>> -> memref<20x64xf32, #tpu.memory_space<vmem>>
      %dma_start3A_440 = arith.constant 0 : i32
      %dma_start3A_441 = arith.constant 0 : i32
      %dma_start3A_442 = tpu.memref_slice %arg4[%add3A_436, %dma_start3A_440, %dma_start3A_441] : memref<16384x20x64xf32, #tpu.memory_space<hbm>> -> memref<1x20x64xf32, #tpu.memory_space<hbm>>
      %dma_start3A_443 = tpu.memref_squeeze %dma_start3A_442 : memref<1x20x64xf32, #tpu.memory_space<hbm>> -> memref<20x64xf32, #tpu.memory_space<hbm>>
      %dma_start3A_444 = arith.constant 0 : i32
      %dma_start3A_445 = arith.constant 0 : i32
      %dma_start3A_446 = tpu.memref_slice %arg4[%add3A_436, %dma_start3A_444, %dma_start3A_445] : memref<16384x20x64xf32, #tpu.memory_space<hbm>> -> memref<1x20x64xf32, #tpu.memory_space<hbm>>
      %dma_start3A_447 = tpu.memref_squeeze %dma_start3A_446 : memref<1x20x64xf32, #tpu.memory_space<hbm>> -> memref<20x64xf32, #tpu.memory_space<hbm>>
      %dma_start3A_448 = arith.constant 520 : i32
      %dma_start3A_449 = arith.constant 0 : i32
      %dma_start3A_450 = tpu.memref_slice %arg6[%dma_start3A_448, %dma_start3A_449] : memref<1280x64xf32, #tpu.memory_space<vmem>> -> memref<20x64xf32, #tpu.memory_space<vmem>>
      tpu.enqueue_dma source(%dma_start3A_450 : memref<20x64xf32, #tpu.memory_space<vmem>>) target(%dma_start3A_447 : memref<20x64xf32, #tpu.memory_space<hbm>>) target_semaphore(%arg7 : memref<!tpu.dma_semaphore, #tpu.memory_space<semaphore_mem>>)
      %add3A_451 = arith.constant 27 : i32
      %add3A_452 = arith.addi %add3A_12, %add3A_451 : i32
      %dma_start3A_453 = arith.constant 540 : i32
      %dma_start3A_454 = arith.constant 0 : i32
      %dma_start3A_455 = tpu.memref_slice %arg6[%dma_start3A_453, %dma_start3A_454] : memref<1280x64xf32, #tpu.memory_space<vmem>> -> memref<20x64xf32, #tpu.memory_space<vmem>>
      %dma_start3A_456 = arith.constant 0 : i32
      %dma_start3A_457 = arith.constant 0 : i32
      %dma_start3A_458 = tpu.memref_slice %arg4[%add3A_452, %dma_start3A_456, %dma_start3A_457] : memref<16384x20x64xf32, #tpu.memory_space<hbm>> -> memref<1x20x64xf32, #tpu.memory_space<hbm>>
      %dma_start3A_459 = tpu.memref_squeeze %dma_start3A_458 : memref<1x20x64xf32, #tpu.memory_space<hbm>> -> memref<20x64xf32, #tpu.memory_space<hbm>>
      %dma_start3A_460 = arith.constant 0 : i32
      %dma_start3A_461 = arith.constant 0 : i32
      %dma_start3A_462 = tpu.memref_slice %arg4[%add3A_452, %dma_start3A_460, %dma_start3A_461] : memref<16384x20x64xf32, #tpu.memory_space<hbm>> -> memref<1x20x64xf32, #tpu.memory_space<hbm>>
      %dma_start3A_463 = tpu.memref_squeeze %dma_start3A_462 : memref<1x20x64xf32, #tpu.memory_space<hbm>> -> memref<20x64xf32, #tpu.memory_space<hbm>>
      %dma_start3A_464 = arith.constant 540 : i32
      %dma_start3A_465 = arith.constant 0 : i32
      %dma_start3A_466 = tpu.memref_slice %arg6[%dma_start3A_464, %dma_start3A_465] : memref<1280x64xf32, #tpu.memory_space<vmem>> -> memref<20x64xf32, #tpu.memory_space<vmem>>
      tpu.enqueue_dma source(%dma_start3A_466 : memref<20x64xf32, #tpu.memory_space<vmem>>) target(%dma_start3A_463 : memref<20x64xf32, #tpu.memory_space<hbm>>) target_semaphore(%arg7 : memref<!tpu.dma_semaphore, #tpu.memory_space<semaphore_mem>>)
      %add3A_467 = arith.constant 28 : i32
      %add3A_468 = arith.addi %add3A_12, %add3A_467 : i32
      %dma_start3A_469 = arith.constant 560 : i32
      %dma_start3A_470 = arith.constant 0 : i32
      %dma_start3A_471 = tpu.memref_slice %arg6[%dma_start3A_469, %dma_start3A_470] : memref<1280x64xf32, #tpu.memory_space<vmem>> -> memref<20x64xf32, #tpu.memory_space<vmem>>
      %dma_start3A_472 = arith.constant 0 : i32
      %dma_start3A_473 = arith.constant 0 : i32
      %dma_start3A_474 = tpu.memref_slice %arg4[%add3A_468, %dma_start3A_472, %dma_start3A_473] : memref<16384x20x64xf32, #tpu.memory_space<hbm>> -> memref<1x20x64xf32, #tpu.memory_space<hbm>>
      %dma_start3A_475 = tpu.memref_squeeze %dma_start3A_474 : memref<1x20x64xf32, #tpu.memory_space<hbm>> -> memref<20x64xf32, #tpu.memory_space<hbm>>
      %dma_start3A_476 = arith.constant 0 : i32
      %dma_start3A_477 = arith.constant 0 : i32
      %dma_start3A_478 = tpu.memref_slice %arg4[%add3A_468, %dma_start3A_476, %dma_start3A_477] : memref<16384x20x64xf32, #tpu.memory_space<hbm>> -> memref<1x20x64xf32, #tpu.memory_space<hbm>>
      %dma_start3A_479 = tpu.memref_squeeze %dma_start3A_478 : memref<1x20x64xf32, #tpu.memory_space<hbm>> -> memref<20x64xf32, #tpu.memory_space<hbm>>
      %dma_start3A_480 = arith.constant 560 : i32
      %dma_start3A_481 = arith.constant 0 : i32
      %dma_start3A_482 = tpu.memref_slice %arg6[%dma_start3A_480, %dma_start3A_481] : memref<1280x64xf32, #tpu.memory_space<vmem>> -> memref<20x64xf32, #tpu.memory_space<vmem>>
      tpu.enqueue_dma source(%dma_start3A_482 : memref<20x64xf32, #tpu.memory_space<vmem>>) target(%dma_start3A_479 : memref<20x64xf32, #tpu.memory_space<hbm>>) target_semaphore(%arg7 : memref<!tpu.dma_semaphore, #tpu.memory_space<semaphore_mem>>)
      %add3A_483 = arith.constant 29 : i32
      %add3A_484 = arith.addi %add3A_12, %add3A_483 : i32
      %dma_start3A_485 = arith.constant 580 : i32
      %dma_start3A_486 = arith.constant 0 : i32
      %dma_start3A_487 = tpu.memref_slice %arg6[%dma_start3A_485, %dma_start3A_486] : memref<1280x64xf32, #tpu.memory_space<vmem>> -> memref<20x64xf32, #tpu.memory_space<vmem>>
      %dma_start3A_488 = arith.constant 0 : i32
      %dma_start3A_489 = arith.constant 0 : i32
      %dma_start3A_490 = tpu.memref_slice %arg4[%add3A_484, %dma_start3A_488, %dma_start3A_489] : memref<16384x20x64xf32, #tpu.memory_space<hbm>> -> memref<1x20x64xf32, #tpu.memory_space<hbm>>
      %dma_start3A_491 = tpu.memref_squeeze %dma_start3A_490 : memref<1x20x64xf32, #tpu.memory_space<hbm>> -> memref<20x64xf32, #tpu.memory_space<hbm>>
      %dma_start3A_492 = arith.constant 0 : i32
      %dma_start3A_493 = arith.constant 0 : i32
      %dma_start3A_494 = tpu.memref_slice %arg4[%add3A_484, %dma_start3A_492, %dma_start3A_493] : memref<16384x20x64xf32, #tpu.memory_space<hbm>> -> memref<1x20x64xf32, #tpu.memory_space<hbm>>
      %dma_start3A_495 = tpu.memref_squeeze %dma_start3A_494 : memref<1x20x64xf32, #tpu.memory_space<hbm>> -> memref<20x64xf32, #tpu.memory_space<hbm>>
      %dma_start3A_496 = arith.constant 580 : i32
      %dma_start3A_497 = arith.constant 0 : i32
      %dma_start3A_498 = tpu.memref_slice %arg6[%dma_start3A_496, %dma_start3A_497] : memref<1280x64xf32, #tpu.memory_space<vmem>> -> memref<20x64xf32, #tpu.memory_space<vmem>>
      tpu.enqueue_dma source(%dma_start3A_498 : memref<20x64xf32, #tpu.memory_space<vmem>>) target(%dma_start3A_495 : memref<20x64xf32, #tpu.memory_space<hbm>>) target_semaphore(%arg7 : memref<!tpu.dma_semaphore, #tpu.memory_space<semaphore_mem>>)
      %add3A_499 = arith.constant 30 : i32
      %add3A_500 = arith.addi %add3A_12, %add3A_499 : i32
      %dma_start3A_501 = arith.constant 600 : i32
      %dma_start3A_502 = arith.constant 0 : i32
      %dma_start3A_503 = tpu.memref_slice %arg6[%dma_start3A_501, %dma_start3A_502] : memref<1280x64xf32, #tpu.memory_space<vmem>> -> memref<20x64xf32, #tpu.memory_space<vmem>>
      %dma_start3A_504 = arith.constant 0 : i32
      %dma_start3A_505 = arith.constant 0 : i32
      %dma_start3A_506 = tpu.memref_slice %arg4[%add3A_500, %dma_start3A_504, %dma_start3A_505] : memref<16384x20x64xf32, #tpu.memory_space<hbm>> -> memref<1x20x64xf32, #tpu.memory_space<hbm>>
      %dma_start3A_507 = tpu.memref_squeeze %dma_start3A_506 : memref<1x20x64xf32, #tpu.memory_space<hbm>> -> memref<20x64xf32, #tpu.memory_space<hbm>>
      %dma_start3A_508 = arith.constant 0 : i32
      %dma_start3A_509 = arith.constant 0 : i32
      %dma_start3A_510 = tpu.memref_slice %arg4[%add3A_500, %dma_start3A_508, %dma_start3A_509] : memref<16384x20x64xf32, #tpu.memory_space<hbm>> -> memref<1x20x64xf32, #tpu.memory_space<hbm>>
      %dma_start3A_511 = tpu.memref_squeeze %dma_start3A_510 : memref<1x20x64xf32, #tpu.memory_space<hbm>> -> memref<20x64xf32, #tpu.memory_space<hbm>>
      %dma_start3A_512 = arith.constant 600 : i32
      %dma_start3A_513 = arith.constant 0 : i32
      %dma_start3A_514 = tpu.memref_slice %arg6[%dma_start3A_512, %dma_start3A_513] : memref<1280x64xf32, #tpu.memory_space<vmem>> -> memref<20x64xf32, #tpu.memory_space<vmem>>
      tpu.enqueue_dma source(%dma_start3A_514 : memref<20x64xf32, #tpu.memory_space<vmem>>) target(%dma_start3A_511 : memref<20x64xf32, #tpu.memory_space<hbm>>) target_semaphore(%arg7 : memref<!tpu.dma_semaphore, #tpu.memory_space<semaphore_mem>>)
      %add3A_515 = arith.constant 31 : i32
      %add3A_516 = arith.addi %add3A_12, %add3A_515 : i32
      %dma_start3A_517 = arith.constant 620 : i32
      %dma_start3A_518 = arith.constant 0 : i32
      %dma_start3A_519 = tpu.memref_slice %arg6[%dma_start3A_517, %dma_start3A_518] : memref<1280x64xf32, #tpu.memory_space<vmem>> -> memref<20x64xf32, #tpu.memory_space<vmem>>
      %dma_start3A_520 = arith.constant 0 : i32
      %dma_start3A_521 = arith.constant 0 : i32
      %dma_start3A_522 = tpu.memref_slice %arg4[%add3A_516, %dma_start3A_520, %dma_start3A_521] : memref<16384x20x64xf32, #tpu.memory_space<hbm>> -> memref<1x20x64xf32, #tpu.memory_space<hbm>>
      %dma_start3A_523 = tpu.memref_squeeze %dma_start3A_522 : memref<1x20x64xf32, #tpu.memory_space<hbm>> -> memref<20x64xf32, #tpu.memory_space<hbm>>
      %dma_start3A_524 = arith.constant 0 : i32
      %dma_start3A_525 = arith.constant 0 : i32
      %dma_start3A_526 = tpu.memref_slice %arg4[%add3A_516, %dma_start3A_524, %dma_start3A_525] : memref<16384x20x64xf32, #tpu.memory_space<hbm>> -> memref<1x20x64xf32, #tpu.memory_space<hbm>>
      %dma_start3A_527 = tpu.memref_squeeze %dma_start3A_526 : memref<1x20x64xf32, #tpu.memory_space<hbm>> -> memref<20x64xf32, #tpu.memory_space<hbm>>
      %dma_start3A_528 = arith.constant 620 : i32
      %dma_start3A_529 = arith.constant 0 : i32
      %dma_start3A_530 = tpu.memref_slice %arg6[%dma_start3A_528, %dma_start3A_529] : memref<1280x64xf32, #tpu.memory_space<vmem>> -> memref<20x64xf32, #tpu.memory_space<vmem>>
      tpu.enqueue_dma source(%dma_start3A_530 : memref<20x64xf32, #tpu.memory_space<vmem>>) target(%dma_start3A_527 : memref<20x64xf32, #tpu.memory_space<hbm>>) target_semaphore(%arg7 : memref<!tpu.dma_semaphore, #tpu.memory_space<semaphore_mem>>)
      %add3A_531 = arith.constant 32 : i32
      %add3A_532 = arith.addi %add3A_12, %add3A_531 : i32
      %dma_start3A_533 = arith.constant 640 : i32
      %dma_start3A_534 = arith.constant 0 : i32
      %dma_start3A_535 = tpu.memref_slice %arg6[%dma_start3A_533, %dma_start3A_534] : memref<1280x64xf32, #tpu.memory_space<vmem>> -> memref<20x64xf32, #tpu.memory_space<vmem>>
      %dma_start3A_536 = arith.constant 0 : i32
      %dma_start3A_537 = arith.constant 0 : i32
      %dma_start3A_538 = tpu.memref_slice %arg4[%add3A_532, %dma_start3A_536, %dma_start3A_537] : memref<16384x20x64xf32, #tpu.memory_space<hbm>> -> memref<1x20x64xf32, #tpu.memory_space<hbm>>
      %dma_start3A_539 = tpu.memref_squeeze %dma_start3A_538 : memref<1x20x64xf32, #tpu.memory_space<hbm>> -> memref<20x64xf32, #tpu.memory_space<hbm>>
      %dma_start3A_540 = arith.constant 0 : i32
      %dma_start3A_541 = arith.constant 0 : i32
      %dma_start3A_542 = tpu.memref_slice %arg4[%add3A_532, %dma_start3A_540, %dma_start3A_541] : memref<16384x20x64xf32, #tpu.memory_space<hbm>> -> memref<1x20x64xf32, #tpu.memory_space<hbm>>
      %dma_start3A_543 = tpu.memref_squeeze %dma_start3A_542 : memref<1x20x64xf32, #tpu.memory_space<hbm>> -> memref<20x64xf32, #tpu.memory_space<hbm>>
      %dma_start3A_544 = arith.constant 640 : i32
      %dma_start3A_545 = arith.constant 0 : i32
      %dma_start3A_546 = tpu.memref_slice %arg6[%dma_start3A_544, %dma_start3A_545] : memref<1280x64xf32, #tpu.memory_space<vmem>> -> memref<20x64xf32, #tpu.memory_space<vmem>>
      tpu.enqueue_dma source(%dma_start3A_546 : memref<20x64xf32, #tpu.memory_space<vmem>>) target(%dma_start3A_543 : memref<20x64xf32, #tpu.memory_space<hbm>>) target_semaphore(%arg7 : memref<!tpu.dma_semaphore, #tpu.memory_space<semaphore_mem>>)
      %add3A_547 = arith.constant 33 : i32
      %add3A_548 = arith.addi %add3A_12, %add3A_547 : i32
      %dma_start3A_549 = arith.constant 660 : i32
      %dma_start3A_550 = arith.constant 0 : i32
      %dma_start3A_551 = tpu.memref_slice %arg6[%dma_start3A_549, %dma_start3A_550] : memref<1280x64xf32, #tpu.memory_space<vmem>> -> memref<20x64xf32, #tpu.memory_space<vmem>>
      %dma_start3A_552 = arith.constant 0 : i32
      %dma_start3A_553 = arith.constant 0 : i32
      %dma_start3A_554 = tpu.memref_slice %arg4[%add3A_548, %dma_start3A_552, %dma_start3A_553] : memref<16384x20x64xf32, #tpu.memory_space<hbm>> -> memref<1x20x64xf32, #tpu.memory_space<hbm>>
      %dma_start3A_555 = tpu.memref_squeeze %dma_start3A_554 : memref<1x20x64xf32, #tpu.memory_space<hbm>> -> memref<20x64xf32, #tpu.memory_space<hbm>>
      %dma_start3A_556 = arith.constant 0 : i32
      %dma_start3A_557 = arith.constant 0 : i32
      %dma_start3A_558 = tpu.memref_slice %arg4[%add3A_548, %dma_start3A_556, %dma_start3A_557] : memref<16384x20x64xf32, #tpu.memory_space<hbm>> -> memref<1x20x64xf32, #tpu.memory_space<hbm>>
      %dma_start3A_559 = tpu.memref_squeeze %dma_start3A_558 : memref<1x20x64xf32, #tpu.memory_space<hbm>> -> memref<20x64xf32, #tpu.memory_space<hbm>>
      %dma_start3A_560 = arith.constant 660 : i32
      %dma_start3A_561 = arith.constant 0 : i32
      %dma_start3A_562 = tpu.memref_slice %arg6[%dma_start3A_560, %dma_start3A_561] : memref<1280x64xf32, #tpu.memory_space<vmem>> -> memref<20x64xf32, #tpu.memory_space<vmem>>
      tpu.enqueue_dma source(%dma_start3A_562 : memref<20x64xf32, #tpu.memory_space<vmem>>) target(%dma_start3A_559 : memref<20x64xf32, #tpu.memory_space<hbm>>) target_semaphore(%arg7 : memref<!tpu.dma_semaphore, #tpu.memory_space<semaphore_mem>>)
      %add3A_563 = arith.constant 34 : i32
      %add3A_564 = arith.addi %add3A_12, %add3A_563 : i32
      %dma_start3A_565 = arith.constant 680 : i32
      %dma_start3A_566 = arith.constant 0 : i32
      %dma_start3A_567 = tpu.memref_slice %arg6[%dma_start3A_565, %dma_start3A_566] : memref<1280x64xf32, #tpu.memory_space<vmem>> -> memref<20x64xf32, #tpu.memory_space<vmem>>
      %dma_start3A_568 = arith.constant 0 : i32
      %dma_start3A_569 = arith.constant 0 : i32
      %dma_start3A_570 = tpu.memref_slice %arg4[%add3A_564, %dma_start3A_568, %dma_start3A_569] : memref<16384x20x64xf32, #tpu.memory_space<hbm>> -> memref<1x20x64xf32, #tpu.memory_space<hbm>>
      %dma_start3A_571 = tpu.memref_squeeze %dma_start3A_570 : memref<1x20x64xf32, #tpu.memory_space<hbm>> -> memref<20x64xf32, #tpu.memory_space<hbm>>
      %dma_start3A_572 = arith.constant 0 : i32
      %dma_start3A_573 = arith.constant 0 : i32
      %dma_start3A_574 = tpu.memref_slice %arg4[%add3A_564, %dma_start3A_572, %dma_start3A_573] : memref<16384x20x64xf32, #tpu.memory_space<hbm>> -> memref<1x20x64xf32, #tpu.memory_space<hbm>>
      %dma_start3A_575 = tpu.memref_squeeze %dma_start3A_574 : memref<1x20x64xf32, #tpu.memory_space<hbm>> -> memref<20x64xf32, #tpu.memory_space<hbm>>
      %dma_start3A_576 = arith.constant 680 : i32
      %dma_start3A_577 = arith.constant 0 : i32
      %dma_start3A_578 = tpu.memref_slice %arg6[%dma_start3A_576, %dma_start3A_577] : memref<1280x64xf32, #tpu.memory_space<vmem>> -> memref<20x64xf32, #tpu.memory_space<vmem>>
      tpu.enqueue_dma source(%dma_start3A_578 : memref<20x64xf32, #tpu.memory_space<vmem>>) target(%dma_start3A_575 : memref<20x64xf32, #tpu.memory_space<hbm>>) target_semaphore(%arg7 : memref<!tpu.dma_semaphore, #tpu.memory_space<semaphore_mem>>)
      %add3A_579 = arith.constant 35 : i32
      %add3A_580 = arith.addi %add3A_12, %add3A_579 : i32
      %dma_start3A_581 = arith.constant 700 : i32
      %dma_start3A_582 = arith.constant 0 : i32
      %dma_start3A_583 = tpu.memref_slice %arg6[%dma_start3A_581, %dma_start3A_582] : memref<1280x64xf32, #tpu.memory_space<vmem>> -> memref<20x64xf32, #tpu.memory_space<vmem>>
      %dma_start3A_584 = arith.constant 0 : i32
      %dma_start3A_585 = arith.constant 0 : i32
      %dma_start3A_586 = tpu.memref_slice %arg4[%add3A_580, %dma_start3A_584, %dma_start3A_585] : memref<16384x20x64xf32, #tpu.memory_space<hbm>> -> memref<1x20x64xf32, #tpu.memory_space<hbm>>
      %dma_start3A_587 = tpu.memref_squeeze %dma_start3A_586 : memref<1x20x64xf32, #tpu.memory_space<hbm>> -> memref<20x64xf32, #tpu.memory_space<hbm>>
      %dma_start3A_588 = arith.constant 0 : i32
      %dma_start3A_589 = arith.constant 0 : i32
      %dma_start3A_590 = tpu.memref_slice %arg4[%add3A_580, %dma_start3A_588, %dma_start3A_589] : memref<16384x20x64xf32, #tpu.memory_space<hbm>> -> memref<1x20x64xf32, #tpu.memory_space<hbm>>
      %dma_start3A_591 = tpu.memref_squeeze %dma_start3A_590 : memref<1x20x64xf32, #tpu.memory_space<hbm>> -> memref<20x64xf32, #tpu.memory_space<hbm>>
      %dma_start3A_592 = arith.constant 700 : i32
      %dma_start3A_593 = arith.constant 0 : i32
      %dma_start3A_594 = tpu.memref_slice %arg6[%dma_start3A_592, %dma_start3A_593] : memref<1280x64xf32, #tpu.memory_space<vmem>> -> memref<20x64xf32, #tpu.memory_space<vmem>>
      tpu.enqueue_dma source(%dma_start3A_594 : memref<20x64xf32, #tpu.memory_space<vmem>>) target(%dma_start3A_591 : memref<20x64xf32, #tpu.memory_space<hbm>>) target_semaphore(%arg7 : memref<!tpu.dma_semaphore, #tpu.memory_space<semaphore_mem>>)
      %add3A_595 = arith.constant 36 : i32
      %add3A_596 = arith.addi %add3A_12, %add3A_595 : i32
      %dma_start3A_597 = arith.constant 720 : i32
      %dma_start3A_598 = arith.constant 0 : i32
      %dma_start3A_599 = tpu.memref_slice %arg6[%dma_start3A_597, %dma_start3A_598] : memref<1280x64xf32, #tpu.memory_space<vmem>> -> memref<20x64xf32, #tpu.memory_space<vmem>>
      %dma_start3A_600 = arith.constant 0 : i32
      %dma_start3A_601 = arith.constant 0 : i32
      %dma_start3A_602 = tpu.memref_slice %arg4[%add3A_596, %dma_start3A_600, %dma_start3A_601] : memref<16384x20x64xf32, #tpu.memory_space<hbm>> -> memref<1x20x64xf32, #tpu.memory_space<hbm>>
      %dma_start3A_603 = tpu.memref_squeeze %dma_start3A_602 : memref<1x20x64xf32, #tpu.memory_space<hbm>> -> memref<20x64xf32, #tpu.memory_space<hbm>>
      %dma_start3A_604 = arith.constant 0 : i32
      %dma_start3A_605 = arith.constant 0 : i32
      %dma_start3A_606 = tpu.memref_slice %arg4[%add3A_596, %dma_start3A_604, %dma_start3A_605] : memref<16384x20x64xf32, #tpu.memory_space<hbm>> -> memref<1x20x64xf32, #tpu.memory_space<hbm>>
      %dma_start3A_607 = tpu.memref_squeeze %dma_start3A_606 : memref<1x20x64xf32, #tpu.memory_space<hbm>> -> memref<20x64xf32, #tpu.memory_space<hbm>>
      %dma_start3A_608 = arith.constant 720 : i32
      %dma_start3A_609 = arith.constant 0 : i32
      %dma_start3A_610 = tpu.memref_slice %arg6[%dma_start3A_608, %dma_start3A_609] : memref<1280x64xf32, #tpu.memory_space<vmem>> -> memref<20x64xf32, #tpu.memory_space<vmem>>
      tpu.enqueue_dma source(%dma_start3A_610 : memref<20x64xf32, #tpu.memory_space<vmem>>) target(%dma_start3A_607 : memref<20x64xf32, #tpu.memory_space<hbm>>) target_semaphore(%arg7 : memref<!tpu.dma_semaphore, #tpu.memory_space<semaphore_mem>>)
      %add3A_611 = arith.constant 37 : i32
      %add3A_612 = arith.addi %add3A_12, %add3A_611 : i32
      %dma_start3A_613 = arith.constant 740 : i32
      %dma_start3A_614 = arith.constant 0 : i32
      %dma_start3A_615 = tpu.memref_slice %arg6[%dma_start3A_613, %dma_start3A_614] : memref<1280x64xf32, #tpu.memory_space<vmem>> -> memref<20x64xf32, #tpu.memory_space<vmem>>
      %dma_start3A_616 = arith.constant 0 : i32
      %dma_start3A_617 = arith.constant 0 : i32
      %dma_start3A_618 = tpu.memref_slice %arg4[%add3A_612, %dma_start3A_616, %dma_start3A_617] : memref<16384x20x64xf32, #tpu.memory_space<hbm>> -> memref<1x20x64xf32, #tpu.memory_space<hbm>>
      %dma_start3A_619 = tpu.memref_squeeze %dma_start3A_618 : memref<1x20x64xf32, #tpu.memory_space<hbm>> -> memref<20x64xf32, #tpu.memory_space<hbm>>
      %dma_start3A_620 = arith.constant 0 : i32
      %dma_start3A_621 = arith.constant 0 : i32
      %dma_start3A_622 = tpu.memref_slice %arg4[%add3A_612, %dma_start3A_620, %dma_start3A_621] : memref<16384x20x64xf32, #tpu.memory_space<hbm>> -> memref<1x20x64xf32, #tpu.memory_space<hbm>>
      %dma_start3A_623 = tpu.memref_squeeze %dma_start3A_622 : memref<1x20x64xf32, #tpu.memory_space<hbm>> -> memref<20x64xf32, #tpu.memory_space<hbm>>
      %dma_start3A_624 = arith.constant 740 : i32
      %dma_start3A_625 = arith.constant 0 : i32
      %dma_start3A_626 = tpu.memref_slice %arg6[%dma_start3A_624, %dma_start3A_625] : memref<1280x64xf32, #tpu.memory_space<vmem>> -> memref<20x64xf32, #tpu.memory_space<vmem>>
      tpu.enqueue_dma source(%dma_start3A_626 : memref<20x64xf32, #tpu.memory_space<vmem>>) target(%dma_start3A_623 : memref<20x64xf32, #tpu.memory_space<hbm>>) target_semaphore(%arg7 : memref<!tpu.dma_semaphore, #tpu.memory_space<semaphore_mem>>)
      %add3A_627 = arith.constant 38 : i32
      %add3A_628 = arith.addi %add3A_12, %add3A_627 : i32
      %dma_start3A_629 = arith.constant 760 : i32
      %dma_start3A_630 = arith.constant 0 : i32
      %dma_start3A_631 = tpu.memref_slice %arg6[%dma_start3A_629, %dma_start3A_630] : memref<1280x64xf32, #tpu.memory_space<vmem>> -> memref<20x64xf32, #tpu.memory_space<vmem>>
      %dma_start3A_632 = arith.constant 0 : i32
      %dma_start3A_633 = arith.constant 0 : i32
      %dma_start3A_634 = tpu.memref_slice %arg4[%add3A_628, %dma_start3A_632, %dma_start3A_633] : memref<16384x20x64xf32, #tpu.memory_space<hbm>> -> memref<1x20x64xf32, #tpu.memory_space<hbm>>
      %dma_start3A_635 = tpu.memref_squeeze %dma_start3A_634 : memref<1x20x64xf32, #tpu.memory_space<hbm>> -> memref<20x64xf32, #tpu.memory_space<hbm>>
      %dma_start3A_636 = arith.constant 0 : i32
      %dma_start3A_637 = arith.constant 0 : i32
      %dma_start3A_638 = tpu.memref_slice %arg4[%add3A_628, %dma_start3A_636, %dma_start3A_637] : memref<16384x20x64xf32, #tpu.memory_space<hbm>> -> memref<1x20x64xf32, #tpu.memory_space<hbm>>
      %dma_start3A_639 = tpu.memref_squeeze %dma_start3A_638 : memref<1x20x64xf32, #tpu.memory_space<hbm>> -> memref<20x64xf32, #tpu.memory_space<hbm>>
      %dma_start3A_640 = arith.constant 760 : i32
      %dma_start3A_641 = arith.constant 0 : i32
      %dma_start3A_642 = tpu.memref_slice %arg6[%dma_start3A_640, %dma_start3A_641] : memref<1280x64xf32, #tpu.memory_space<vmem>> -> memref<20x64xf32, #tpu.memory_space<vmem>>
      tpu.enqueue_dma source(%dma_start3A_642 : memref<20x64xf32, #tpu.memory_space<vmem>>) target(%dma_start3A_639 : memref<20x64xf32, #tpu.memory_space<hbm>>) target_semaphore(%arg7 : memref<!tpu.dma_semaphore, #tpu.memory_space<semaphore_mem>>)
      %add3A_643 = arith.constant 39 : i32
      %add3A_644 = arith.addi %add3A_12, %add3A_643 : i32
      %dma_start3A_645 = arith.constant 780 : i32
      %dma_start3A_646 = arith.constant 0 : i32
      %dma_start3A_647 = tpu.memref_slice %arg6[%dma_start3A_645, %dma_start3A_646] : memref<1280x64xf32, #tpu.memory_space<vmem>> -> memref<20x64xf32, #tpu.memory_space<vmem>>
      %dma_start3A_648 = arith.constant 0 : i32
      %dma_start3A_649 = arith.constant 0 : i32
      %dma_start3A_650 = tpu.memref_slice %arg4[%add3A_644, %dma_start3A_648, %dma_start3A_649] : memref<16384x20x64xf32, #tpu.memory_space<hbm>> -> memref<1x20x64xf32, #tpu.memory_space<hbm>>
      %dma_start3A_651 = tpu.memref_squeeze %dma_start3A_650 : memref<1x20x64xf32, #tpu.memory_space<hbm>> -> memref<20x64xf32, #tpu.memory_space<hbm>>
      %dma_start3A_652 = arith.constant 0 : i32
      %dma_start3A_653 = arith.constant 0 : i32
      %dma_start3A_654 = tpu.memref_slice %arg4[%add3A_644, %dma_start3A_652, %dma_start3A_653] : memref<16384x20x64xf32, #tpu.memory_space<hbm>> -> memref<1x20x64xf32, #tpu.memory_space<hbm>>
      %dma_start3A_655 = tpu.memref_squeeze %dma_start3A_654 : memref<1x20x64xf32, #tpu.memory_space<hbm>> -> memref<20x64xf32, #tpu.memory_space<hbm>>
      %dma_start3A_656 = arith.constant 780 : i32
      %dma_start3A_657 = arith.constant 0 : i32
      %dma_start3A_658 = tpu.memref_slice %arg6[%dma_start3A_656, %dma_start3A_657] : memref<1280x64xf32, #tpu.memory_space<vmem>> -> memref<20x64xf32, #tpu.memory_space<vmem>>
      tpu.enqueue_dma source(%dma_start3A_658 : memref<20x64xf32, #tpu.memory_space<vmem>>) target(%dma_start3A_655 : memref<20x64xf32, #tpu.memory_space<hbm>>) target_semaphore(%arg7 : memref<!tpu.dma_semaphore, #tpu.memory_space<semaphore_mem>>)
      %add3A_659 = arith.constant 40 : i32
      %add3A_660 = arith.addi %add3A_12, %add3A_659 : i32
      %dma_start3A_661 = arith.constant 800 : i32
      %dma_start3A_662 = arith.constant 0 : i32
      %dma_start3A_663 = tpu.memref_slice %arg6[%dma_start3A_661, %dma_start3A_662] : memref<1280x64xf32, #tpu.memory_space<vmem>> -> memref<20x64xf32, #tpu.memory_space<vmem>>
      %dma_start3A_664 = arith.constant 0 : i32
      %dma_start3A_665 = arith.constant 0 : i32
      %dma_start3A_666 = tpu.memref_slice %arg4[%add3A_660, %dma_start3A_664, %dma_start3A_665] : memref<16384x20x64xf32, #tpu.memory_space<hbm>> -> memref<1x20x64xf32, #tpu.memory_space<hbm>>
      %dma_start3A_667 = tpu.memref_squeeze %dma_start3A_666 : memref<1x20x64xf32, #tpu.memory_space<hbm>> -> memref<20x64xf32, #tpu.memory_space<hbm>>
      %dma_start3A_668 = arith.constant 0 : i32
      %dma_start3A_669 = arith.constant 0 : i32
      %dma_start3A_670 = tpu.memref_slice %arg4[%add3A_660, %dma_start3A_668, %dma_start3A_669] : memref<16384x20x64xf32, #tpu.memory_space<hbm>> -> memref<1x20x64xf32, #tpu.memory_space<hbm>>
      %dma_start3A_671 = tpu.memref_squeeze %dma_start3A_670 : memref<1x20x64xf32, #tpu.memory_space<hbm>> -> memref<20x64xf32, #tpu.memory_space<hbm>>
      %dma_start3A_672 = arith.constant 800 : i32
      %dma_start3A_673 = arith.constant 0 : i32
      %dma_start3A_674 = tpu.memref_slice %arg6[%dma_start3A_672, %dma_start3A_673] : memref<1280x64xf32, #tpu.memory_space<vmem>> -> memref<20x64xf32, #tpu.memory_space<vmem>>
      tpu.enqueue_dma source(%dma_start3A_674 : memref<20x64xf32, #tpu.memory_space<vmem>>) target(%dma_start3A_671 : memref<20x64xf32, #tpu.memory_space<hbm>>) target_semaphore(%arg7 : memref<!tpu.dma_semaphore, #tpu.memory_space<semaphore_mem>>)
      %add3A_675 = arith.constant 41 : i32
      %add3A_676 = arith.addi %add3A_12, %add3A_675 : i32
      %dma_start3A_677 = arith.constant 820 : i32
      %dma_start3A_678 = arith.constant 0 : i32
      %dma_start3A_679 = tpu.memref_slice %arg6[%dma_start3A_677, %dma_start3A_678] : memref<1280x64xf32, #tpu.memory_space<vmem>> -> memref<20x64xf32, #tpu.memory_space<vmem>>
      %dma_start3A_680 = arith.constant 0 : i32
      %dma_start3A_681 = arith.constant 0 : i32
      %dma_start3A_682 = tpu.memref_slice %arg4[%add3A_676, %dma_start3A_680, %dma_start3A_681] : memref<16384x20x64xf32, #tpu.memory_space<hbm>> -> memref<1x20x64xf32, #tpu.memory_space<hbm>>
      %dma_start3A_683 = tpu.memref_squeeze %dma_start3A_682 : memref<1x20x64xf32, #tpu.memory_space<hbm>> -> memref<20x64xf32, #tpu.memory_space<hbm>>
      %dma_start3A_684 = arith.constant 0 : i32
      %dma_start3A_685 = arith.constant 0 : i32
      %dma_start3A_686 = tpu.memref_slice %arg4[%add3A_676, %dma_start3A_684, %dma_start3A_685] : memref<16384x20x64xf32, #tpu.memory_space<hbm>> -> memref<1x20x64xf32, #tpu.memory_space<hbm>>
      %dma_start3A_687 = tpu.memref_squeeze %dma_start3A_686 : memref<1x20x64xf32, #tpu.memory_space<hbm>> -> memref<20x64xf32, #tpu.memory_space<hbm>>
      %dma_start3A_688 = arith.constant 820 : i32
      %dma_start3A_689 = arith.constant 0 : i32
      %dma_start3A_690 = tpu.memref_slice %arg6[%dma_start3A_688, %dma_start3A_689] : memref<1280x64xf32, #tpu.memory_space<vmem>> -> memref<20x64xf32, #tpu.memory_space<vmem>>
      tpu.enqueue_dma source(%dma_start3A_690 : memref<20x64xf32, #tpu.memory_space<vmem>>) target(%dma_start3A_687 : memref<20x64xf32, #tpu.memory_space<hbm>>) target_semaphore(%arg7 : memref<!tpu.dma_semaphore, #tpu.memory_space<semaphore_mem>>)
      %add3A_691 = arith.constant 42 : i32
      %add3A_692 = arith.addi %add3A_12, %add3A_691 : i32
      %dma_start3A_693 = arith.constant 840 : i32
      %dma_start3A_694 = arith.constant 0 : i32
      %dma_start3A_695 = tpu.memref_slice %arg6[%dma_start3A_693, %dma_start3A_694] : memref<1280x64xf32, #tpu.memory_space<vmem>> -> memref<20x64xf32, #tpu.memory_space<vmem>>
      %dma_start3A_696 = arith.constant 0 : i32
      %dma_start3A_697 = arith.constant 0 : i32
      %dma_start3A_698 = tpu.memref_slice %arg4[%add3A_692, %dma_start3A_696, %dma_start3A_697] : memref<16384x20x64xf32, #tpu.memory_space<hbm>> -> memref<1x20x64xf32, #tpu.memory_space<hbm>>
      %dma_start3A_699 = tpu.memref_squeeze %dma_start3A_698 : memref<1x20x64xf32, #tpu.memory_space<hbm>> -> memref<20x64xf32, #tpu.memory_space<hbm>>
      %dma_start3A_700 = arith.constant 0 : i32
      %dma_start3A_701 = arith.constant 0 : i32
      %dma_start3A_702 = tpu.memref_slice %arg4[%add3A_692, %dma_start3A_700, %dma_start3A_701] : memref<16384x20x64xf32, #tpu.memory_space<hbm>> -> memref<1x20x64xf32, #tpu.memory_space<hbm>>
      %dma_start3A_703 = tpu.memref_squeeze %dma_start3A_702 : memref<1x20x64xf32, #tpu.memory_space<hbm>> -> memref<20x64xf32, #tpu.memory_space<hbm>>
      %dma_start3A_704 = arith.constant 840 : i32
      %dma_start3A_705 = arith.constant 0 : i32
      %dma_start3A_706 = tpu.memref_slice %arg6[%dma_start3A_704, %dma_start3A_705] : memref<1280x64xf32, #tpu.memory_space<vmem>> -> memref<20x64xf32, #tpu.memory_space<vmem>>
      tpu.enqueue_dma source(%dma_start3A_706 : memref<20x64xf32, #tpu.memory_space<vmem>>) target(%dma_start3A_703 : memref<20x64xf32, #tpu.memory_space<hbm>>) target_semaphore(%arg7 : memref<!tpu.dma_semaphore, #tpu.memory_space<semaphore_mem>>)
      %add3A_707 = arith.constant 43 : i32
      %add3A_708 = arith.addi %add3A_12, %add3A_707 : i32
      %dma_start3A_709 = arith.constant 860 : i32
      %dma_start3A_710 = arith.constant 0 : i32
      %dma_start3A_711 = tpu.memref_slice %arg6[%dma_start3A_709, %dma_start3A_710] : memref<1280x64xf32, #tpu.memory_space<vmem>> -> memref<20x64xf32, #tpu.memory_space<vmem>>
      %dma_start3A_712 = arith.constant 0 : i32
      %dma_start3A_713 = arith.constant 0 : i32
      %dma_start3A_714 = tpu.memref_slice %arg4[%add3A_708, %dma_start3A_712, %dma_start3A_713] : memref<16384x20x64xf32, #tpu.memory_space<hbm>> -> memref<1x20x64xf32, #tpu.memory_space<hbm>>
      %dma_start3A_715 = tpu.memref_squeeze %dma_start3A_714 : memref<1x20x64xf32, #tpu.memory_space<hbm>> -> memref<20x64xf32, #tpu.memory_space<hbm>>
      %dma_start3A_716 = arith.constant 0 : i32
      %dma_start3A_717 = arith.constant 0 : i32
      %dma_start3A_718 = tpu.memref_slice %arg4[%add3A_708, %dma_start3A_716, %dma_start3A_717] : memref<16384x20x64xf32, #tpu.memory_space<hbm>> -> memref<1x20x64xf32, #tpu.memory_space<hbm>>
      %dma_start3A_719 = tpu.memref_squeeze %dma_start3A_718 : memref<1x20x64xf32, #tpu.memory_space<hbm>> -> memref<20x64xf32, #tpu.memory_space<hbm>>
      %dma_start3A_720 = arith.constant 860 : i32
      %dma_start3A_721 = arith.constant 0 : i32
      %dma_start3A_722 = tpu.memref_slice %arg6[%dma_start3A_720, %dma_start3A_721] : memref<1280x64xf32, #tpu.memory_space<vmem>> -> memref<20x64xf32, #tpu.memory_space<vmem>>
      tpu.enqueue_dma source(%dma_start3A_722 : memref<20x64xf32, #tpu.memory_space<vmem>>) target(%dma_start3A_719 : memref<20x64xf32, #tpu.memory_space<hbm>>) target_semaphore(%arg7 : memref<!tpu.dma_semaphore, #tpu.memory_space<semaphore_mem>>)
      %add3A_723 = arith.constant 44 : i32
      %add3A_724 = arith.addi %add3A_12, %add3A_723 : i32
      %dma_start3A_725 = arith.constant 880 : i32
      %dma_start3A_726 = arith.constant 0 : i32
      %dma_start3A_727 = tpu.memref_slice %arg6[%dma_start3A_725, %dma_start3A_726] : memref<1280x64xf32, #tpu.memory_space<vmem>> -> memref<20x64xf32, #tpu.memory_space<vmem>>
      %dma_start3A_728 = arith.constant 0 : i32
      %dma_start3A_729 = arith.constant 0 : i32
      %dma_start3A_730 = tpu.memref_slice %arg4[%add3A_724, %dma_start3A_728, %dma_start3A_729] : memref<16384x20x64xf32, #tpu.memory_space<hbm>> -> memref<1x20x64xf32, #tpu.memory_space<hbm>>
      %dma_start3A_731 = tpu.memref_squeeze %dma_start3A_730 : memref<1x20x64xf32, #tpu.memory_space<hbm>> -> memref<20x64xf32, #tpu.memory_space<hbm>>
      %dma_start3A_732 = arith.constant 0 : i32
      %dma_start3A_733 = arith.constant 0 : i32
      %dma_start3A_734 = tpu.memref_slice %arg4[%add3A_724, %dma_start3A_732, %dma_start3A_733] : memref<16384x20x64xf32, #tpu.memory_space<hbm>> -> memref<1x20x64xf32, #tpu.memory_space<hbm>>
      %dma_start3A_735 = tpu.memref_squeeze %dma_start3A_734 : memref<1x20x64xf32, #tpu.memory_space<hbm>> -> memref<20x64xf32, #tpu.memory_space<hbm>>
      %dma_start3A_736 = arith.constant 880 : i32
      %dma_start3A_737 = arith.constant 0 : i32
      %dma_start3A_738 = tpu.memref_slice %arg6[%dma_start3A_736, %dma_start3A_737] : memref<1280x64xf32, #tpu.memory_space<vmem>> -> memref<20x64xf32, #tpu.memory_space<vmem>>
      tpu.enqueue_dma source(%dma_start3A_738 : memref<20x64xf32, #tpu.memory_space<vmem>>) target(%dma_start3A_735 : memref<20x64xf32, #tpu.memory_space<hbm>>) target_semaphore(%arg7 : memref<!tpu.dma_semaphore, #tpu.memory_space<semaphore_mem>>)
      %add3A_739 = arith.constant 45 : i32
      %add3A_740 = arith.addi %add3A_12, %add3A_739 : i32
      %dma_start3A_741 = arith.constant 900 : i32
      %dma_start3A_742 = arith.constant 0 : i32
      %dma_start3A_743 = tpu.memref_slice %arg6[%dma_start3A_741, %dma_start3A_742] : memref<1280x64xf32, #tpu.memory_space<vmem>> -> memref<20x64xf32, #tpu.memory_space<vmem>>
      %dma_start3A_744 = arith.constant 0 : i32
      %dma_start3A_745 = arith.constant 0 : i32
      %dma_start3A_746 = tpu.memref_slice %arg4[%add3A_740, %dma_start3A_744, %dma_start3A_745] : memref<16384x20x64xf32, #tpu.memory_space<hbm>> -> memref<1x20x64xf32, #tpu.memory_space<hbm>>
      %dma_start3A_747 = tpu.memref_squeeze %dma_start3A_746 : memref<1x20x64xf32, #tpu.memory_space<hbm>> -> memref<20x64xf32, #tpu.memory_space<hbm>>
      %dma_start3A_748 = arith.constant 0 : i32
      %dma_start3A_749 = arith.constant 0 : i32
      %dma_start3A_750 = tpu.memref_slice %arg4[%add3A_740, %dma_start3A_748, %dma_start3A_749] : memref<16384x20x64xf32, #tpu.memory_space<hbm>> -> memref<1x20x64xf32, #tpu.memory_space<hbm>>
      %dma_start3A_751 = tpu.memref_squeeze %dma_start3A_750 : memref<1x20x64xf32, #tpu.memory_space<hbm>> -> memref<20x64xf32, #tpu.memory_space<hbm>>
      %dma_start3A_752 = arith.constant 900 : i32
      %dma_start3A_753 = arith.constant 0 : i32
      %dma_start3A_754 = tpu.memref_slice %arg6[%dma_start3A_752, %dma_start3A_753] : memref<1280x64xf32, #tpu.memory_space<vmem>> -> memref<20x64xf32, #tpu.memory_space<vmem>>
      tpu.enqueue_dma source(%dma_start3A_754 : memref<20x64xf32, #tpu.memory_space<vmem>>) target(%dma_start3A_751 : memref<20x64xf32, #tpu.memory_space<hbm>>) target_semaphore(%arg7 : memref<!tpu.dma_semaphore, #tpu.memory_space<semaphore_mem>>)
      %add3A_755 = arith.constant 46 : i32
      %add3A_756 = arith.addi %add3A_12, %add3A_755 : i32
      %dma_start3A_757 = arith.constant 920 : i32
      %dma_start3A_758 = arith.constant 0 : i32
      %dma_start3A_759 = tpu.memref_slice %arg6[%dma_start3A_757, %dma_start3A_758] : memref<1280x64xf32, #tpu.memory_space<vmem>> -> memref<20x64xf32, #tpu.memory_space<vmem>>
      %dma_start3A_760 = arith.constant 0 : i32
      %dma_start3A_761 = arith.constant 0 : i32
      %dma_start3A_762 = tpu.memref_slice %arg4[%add3A_756, %dma_start3A_760, %dma_start3A_761] : memref<16384x20x64xf32, #tpu.memory_space<hbm>> -> memref<1x20x64xf32, #tpu.memory_space<hbm>>
      %dma_start3A_763 = tpu.memref_squeeze %dma_start3A_762 : memref<1x20x64xf32, #tpu.memory_space<hbm>> -> memref<20x64xf32, #tpu.memory_space<hbm>>
      %dma_start3A_764 = arith.constant 0 : i32
      %dma_start3A_765 = arith.constant 0 : i32
      %dma_start3A_766 = tpu.memref_slice %arg4[%add3A_756, %dma_start3A_764, %dma_start3A_765] : memref<16384x20x64xf32, #tpu.memory_space<hbm>> -> memref<1x20x64xf32, #tpu.memory_space<hbm>>
      %dma_start3A_767 = tpu.memref_squeeze %dma_start3A_766 : memref<1x20x64xf32, #tpu.memory_space<hbm>> -> memref<20x64xf32, #tpu.memory_space<hbm>>
      %dma_start3A_768 = arith.constant 920 : i32
      %dma_start3A_769 = arith.constant 0 : i32
      %dma_start3A_770 = tpu.memref_slice %arg6[%dma_start3A_768, %dma_start3A_769] : memref<1280x64xf32, #tpu.memory_space<vmem>> -> memref<20x64xf32, #tpu.memory_space<vmem>>
      tpu.enqueue_dma source(%dma_start3A_770 : memref<20x64xf32, #tpu.memory_space<vmem>>) target(%dma_start3A_767 : memref<20x64xf32, #tpu.memory_space<hbm>>) target_semaphore(%arg7 : memref<!tpu.dma_semaphore, #tpu.memory_space<semaphore_mem>>)
      %add3A_771 = arith.constant 47 : i32
      %add3A_772 = arith.addi %add3A_12, %add3A_771 : i32
      %dma_start3A_773 = arith.constant 940 : i32
      %dma_start3A_774 = arith.constant 0 : i32
      %dma_start3A_775 = tpu.memref_slice %arg6[%dma_start3A_773, %dma_start3A_774] : memref<1280x64xf32, #tpu.memory_space<vmem>> -> memref<20x64xf32, #tpu.memory_space<vmem>>
      %dma_start3A_776 = arith.constant 0 : i32
      %dma_start3A_777 = arith.constant 0 : i32
      %dma_start3A_778 = tpu.memref_slice %arg4[%add3A_772, %dma_start3A_776, %dma_start3A_777] : memref<16384x20x64xf32, #tpu.memory_space<hbm>> -> memref<1x20x64xf32, #tpu.memory_space<hbm>>
      %dma_start3A_779 = tpu.memref_squeeze %dma_start3A_778 : memref<1x20x64xf32, #tpu.memory_space<hbm>> -> memref<20x64xf32, #tpu.memory_space<hbm>>
      %dma_start3A_780 = arith.constant 0 : i32
      %dma_start3A_781 = arith.constant 0 : i32
      %dma_start3A_782 = tpu.memref_slice %arg4[%add3A_772, %dma_start3A_780, %dma_start3A_781] : memref<16384x20x64xf32, #tpu.memory_space<hbm>> -> memref<1x20x64xf32, #tpu.memory_space<hbm>>
      %dma_start3A_783 = tpu.memref_squeeze %dma_start3A_782 : memref<1x20x64xf32, #tpu.memory_space<hbm>> -> memref<20x64xf32, #tpu.memory_space<hbm>>
      %dma_start3A_784 = arith.constant 940 : i32
      %dma_start3A_785 = arith.constant 0 : i32
      %dma_start3A_786 = tpu.memref_slice %arg6[%dma_start3A_784, %dma_start3A_785] : memref<1280x64xf32, #tpu.memory_space<vmem>> -> memref<20x64xf32, #tpu.memory_space<vmem>>
      tpu.enqueue_dma source(%dma_start3A_786 : memref<20x64xf32, #tpu.memory_space<vmem>>) target(%dma_start3A_783 : memref<20x64xf32, #tpu.memory_space<hbm>>) target_semaphore(%arg7 : memref<!tpu.dma_semaphore, #tpu.memory_space<semaphore_mem>>)
      %add3A_787 = arith.constant 48 : i32
      %add3A_788 = arith.addi %add3A_12, %add3A_787 : i32
      %dma_start3A_789 = arith.constant 960 : i32
      %dma_start3A_790 = arith.constant 0 : i32
      %dma_start3A_791 = tpu.memref_slice %arg6[%dma_start3A_789, %dma_start3A_790] : memref<1280x64xf32, #tpu.memory_space<vmem>> -> memref<20x64xf32, #tpu.memory_space<vmem>>
      %dma_start3A_792 = arith.constant 0 : i32
      %dma_start3A_793 = arith.constant 0 : i32
      %dma_start3A_794 = tpu.memref_slice %arg4[%add3A_788, %dma_start3A_792, %dma_start3A_793] : memref<16384x20x64xf32, #tpu.memory_space<hbm>> -> memref<1x20x64xf32, #tpu.memory_space<hbm>>
      %dma_start3A_795 = tpu.memref_squeeze %dma_start3A_794 : memref<1x20x64xf32, #tpu.memory_space<hbm>> -> memref<20x64xf32, #tpu.memory_space<hbm>>
      %dma_start3A_796 = arith.constant 0 : i32
      %dma_start3A_797 = arith.constant 0 : i32
      %dma_start3A_798 = tpu.memref_slice %arg4[%add3A_788, %dma_start3A_796, %dma_start3A_797] : memref<16384x20x64xf32, #tpu.memory_space<hbm>> -> memref<1x20x64xf32, #tpu.memory_space<hbm>>
      %dma_start3A_799 = tpu.memref_squeeze %dma_start3A_798 : memref<1x20x64xf32, #tpu.memory_space<hbm>> -> memref<20x64xf32, #tpu.memory_space<hbm>>
      %dma_start3A_800 = arith.constant 960 : i32
      %dma_start3A_801 = arith.constant 0 : i32
      %dma_start3A_802 = tpu.memref_slice %arg6[%dma_start3A_800, %dma_start3A_801] : memref<1280x64xf32, #tpu.memory_space<vmem>> -> memref<20x64xf32, #tpu.memory_space<vmem>>
      tpu.enqueue_dma source(%dma_start3A_802 : memref<20x64xf32, #tpu.memory_space<vmem>>) target(%dma_start3A_799 : memref<20x64xf32, #tpu.memory_space<hbm>>) target_semaphore(%arg7 : memref<!tpu.dma_semaphore, #tpu.memory_space<semaphore_mem>>)
      %add3A_803 = arith.constant 49 : i32
      %add3A_804 = arith.addi %add3A_12, %add3A_803 : i32
      %dma_start3A_805 = arith.constant 980 : i32
      %dma_start3A_806 = arith.constant 0 : i32
      %dma_start3A_807 = tpu.memref_slice %arg6[%dma_start3A_805, %dma_start3A_806] : memref<1280x64xf32, #tpu.memory_space<vmem>> -> memref<20x64xf32, #tpu.memory_space<vmem>>
      %dma_start3A_808 = arith.constant 0 : i32
      %dma_start3A_809 = arith.constant 0 : i32
      %dma_start3A_810 = tpu.memref_slice %arg4[%add3A_804, %dma_start3A_808, %dma_start3A_809] : memref<16384x20x64xf32, #tpu.memory_space<hbm>> -> memref<1x20x64xf32, #tpu.memory_space<hbm>>
      %dma_start3A_811 = tpu.memref_squeeze %dma_start3A_810 : memref<1x20x64xf32, #tpu.memory_space<hbm>> -> memref<20x64xf32, #tpu.memory_space<hbm>>
      %dma_start3A_812 = arith.constant 0 : i32
      %dma_start3A_813 = arith.constant 0 : i32
      %dma_start3A_814 = tpu.memref_slice %arg4[%add3A_804, %dma_start3A_812, %dma_start3A_813] : memref<16384x20x64xf32, #tpu.memory_space<hbm>> -> memref<1x20x64xf32, #tpu.memory_space<hbm>>
      %dma_start3A_815 = tpu.memref_squeeze %dma_start3A_814 : memref<1x20x64xf32, #tpu.memory_space<hbm>> -> memref<20x64xf32, #tpu.memory_space<hbm>>
      %dma_start3A_816 = arith.constant 980 : i32
      %dma_start3A_817 = arith.constant 0 : i32
      %dma_start3A_818 = tpu.memref_slice %arg6[%dma_start3A_816, %dma_start3A_817] : memref<1280x64xf32, #tpu.memory_space<vmem>> -> memref<20x64xf32, #tpu.memory_space<vmem>>
      tpu.enqueue_dma source(%dma_start3A_818 : memref<20x64xf32, #tpu.memory_space<vmem>>) target(%dma_start3A_815 : memref<20x64xf32, #tpu.memory_space<hbm>>) target_semaphore(%arg7 : memref<!tpu.dma_semaphore, #tpu.memory_space<semaphore_mem>>)
      %add3A_819 = arith.constant 50 : i32
      %add3A_820 = arith.addi %add3A_12, %add3A_819 : i32
      %dma_start3A_821 = arith.constant 1000 : i32
      %dma_start3A_822 = arith.constant 0 : i32
      %dma_start3A_823 = tpu.memref_slice %arg6[%dma_start3A_821, %dma_start3A_822] : memref<1280x64xf32, #tpu.memory_space<vmem>> -> memref<20x64xf32, #tpu.memory_space<vmem>>
      %dma_start3A_824 = arith.constant 0 : i32
      %dma_start3A_825 = arith.constant 0 : i32
      %dma_start3A_826 = tpu.memref_slice %arg4[%add3A_820, %dma_start3A_824, %dma_start3A_825] : memref<16384x20x64xf32, #tpu.memory_space<hbm>> -> memref<1x20x64xf32, #tpu.memory_space<hbm>>
      %dma_start3A_827 = tpu.memref_squeeze %dma_start3A_826 : memref<1x20x64xf32, #tpu.memory_space<hbm>> -> memref<20x64xf32, #tpu.memory_space<hbm>>
      %dma_start3A_828 = arith.constant 0 : i32
      %dma_start3A_829 = arith.constant 0 : i32
      %dma_start3A_830 = tpu.memref_slice %arg4[%add3A_820, %dma_start3A_828, %dma_start3A_829] : memref<16384x20x64xf32, #tpu.memory_space<hbm>> -> memref<1x20x64xf32, #tpu.memory_space<hbm>>
      %dma_start3A_831 = tpu.memref_squeeze %dma_start3A_830 : memref<1x20x64xf32, #tpu.memory_space<hbm>> -> memref<20x64xf32, #tpu.memory_space<hbm>>
      %dma_start3A_832 = arith.constant 1000 : i32
      %dma_start3A_833 = arith.constant 0 : i32
      %dma_start3A_834 = tpu.memref_slice %arg6[%dma_start3A_832, %dma_start3A_833] : memref<1280x64xf32, #tpu.memory_space<vmem>> -> memref<20x64xf32, #tpu.memory_space<vmem>>
      tpu.enqueue_dma source(%dma_start3A_834 : memref<20x64xf32, #tpu.memory_space<vmem>>) target(%dma_start3A_831 : memref<20x64xf32, #tpu.memory_space<hbm>>) target_semaphore(%arg7 : memref<!tpu.dma_semaphore, #tpu.memory_space<semaphore_mem>>)
      %add3A_835 = arith.constant 51 : i32
      %add3A_836 = arith.addi %add3A_12, %add3A_835 : i32
      %dma_start3A_837 = arith.constant 1020 : i32
      %dma_start3A_838 = arith.constant 0 : i32
      %dma_start3A_839 = tpu.memref_slice %arg6[%dma_start3A_837, %dma_start3A_838] : memref<1280x64xf32, #tpu.memory_space<vmem>> -> memref<20x64xf32, #tpu.memory_space<vmem>>
      %dma_start3A_840 = arith.constant 0 : i32
      %dma_start3A_841 = arith.constant 0 : i32
      %dma_start3A_842 = tpu.memref_slice %arg4[%add3A_836, %dma_start3A_840, %dma_start3A_841] : memref<16384x20x64xf32, #tpu.memory_space<hbm>> -> memref<1x20x64xf32, #tpu.memory_space<hbm>>
      %dma_start3A_843 = tpu.memref_squeeze %dma_start3A_842 : memref<1x20x64xf32, #tpu.memory_space<hbm>> -> memref<20x64xf32, #tpu.memory_space<hbm>>
      %dma_start3A_844 = arith.constant 0 : i32
      %dma_start3A_845 = arith.constant 0 : i32
      %dma_start3A_846 = tpu.memref_slice %arg4[%add3A_836, %dma_start3A_844, %dma_start3A_845] : memref<16384x20x64xf32, #tpu.memory_space<hbm>> -> memref<1x20x64xf32, #tpu.memory_space<hbm>>
      %dma_start3A_847 = tpu.memref_squeeze %dma_start3A_846 : memref<1x20x64xf32, #tpu.memory_space<hbm>> -> memref<20x64xf32, #tpu.memory_space<hbm>>
      %dma_start3A_848 = arith.constant 1020 : i32
      %dma_start3A_849 = arith.constant 0 : i32
      %dma_start3A_850 = tpu.memref_slice %arg6[%dma_start3A_848, %dma_start3A_849] : memref<1280x64xf32, #tpu.memory_space<vmem>> -> memref<20x64xf32, #tpu.memory_space<vmem>>
      tpu.enqueue_dma source(%dma_start3A_850 : memref<20x64xf32, #tpu.memory_space<vmem>>) target(%dma_start3A_847 : memref<20x64xf32, #tpu.memory_space<hbm>>) target_semaphore(%arg7 : memref<!tpu.dma_semaphore, #tpu.memory_space<semaphore_mem>>)
      %add3A_851 = arith.constant 52 : i32
      %add3A_852 = arith.addi %add3A_12, %add3A_851 : i32
      %dma_start3A_853 = arith.constant 1040 : i32
      %dma_start3A_854 = arith.constant 0 : i32
      %dma_start3A_855 = tpu.memref_slice %arg6[%dma_start3A_853, %dma_start3A_854] : memref<1280x64xf32, #tpu.memory_space<vmem>> -> memref<20x64xf32, #tpu.memory_space<vmem>>
      %dma_start3A_856 = arith.constant 0 : i32
      %dma_start3A_857 = arith.constant 0 : i32
      %dma_start3A_858 = tpu.memref_slice %arg4[%add3A_852, %dma_start3A_856, %dma_start3A_857] : memref<16384x20x64xf32, #tpu.memory_space<hbm>> -> memref<1x20x64xf32, #tpu.memory_space<hbm>>
      %dma_start3A_859 = tpu.memref_squeeze %dma_start3A_858 : memref<1x20x64xf32, #tpu.memory_space<hbm>> -> memref<20x64xf32, #tpu.memory_space<hbm>>
      %dma_start3A_860 = arith.constant 0 : i32
      %dma_start3A_861 = arith.constant 0 : i32
      %dma_start3A_862 = tpu.memref_slice %arg4[%add3A_852, %dma_start3A_860, %dma_start3A_861] : memref<16384x20x64xf32, #tpu.memory_space<hbm>> -> memref<1x20x64xf32, #tpu.memory_space<hbm>>
      %dma_start3A_863 = tpu.memref_squeeze %dma_start3A_862 : memref<1x20x64xf32, #tpu.memory_space<hbm>> -> memref<20x64xf32, #tpu.memory_space<hbm>>
      %dma_start3A_864 = arith.constant 1040 : i32
      %dma_start3A_865 = arith.constant 0 : i32
      %dma_start3A_866 = tpu.memref_slice %arg6[%dma_start3A_864, %dma_start3A_865] : memref<1280x64xf32, #tpu.memory_space<vmem>> -> memref<20x64xf32, #tpu.memory_space<vmem>>
      tpu.enqueue_dma source(%dma_start3A_866 : memref<20x64xf32, #tpu.memory_space<vmem>>) target(%dma_start3A_863 : memref<20x64xf32, #tpu.memory_space<hbm>>) target_semaphore(%arg7 : memref<!tpu.dma_semaphore, #tpu.memory_space<semaphore_mem>>)
      %add3A_867 = arith.constant 53 : i32
      %add3A_868 = arith.addi %add3A_12, %add3A_867 : i32
      %dma_start3A_869 = arith.constant 1060 : i32
      %dma_start3A_870 = arith.constant 0 : i32
      %dma_start3A_871 = tpu.memref_slice %arg6[%dma_start3A_869, %dma_start3A_870] : memref<1280x64xf32, #tpu.memory_space<vmem>> -> memref<20x64xf32, #tpu.memory_space<vmem>>
      %dma_start3A_872 = arith.constant 0 : i32
      %dma_start3A_873 = arith.constant 0 : i32
      %dma_start3A_874 = tpu.memref_slice %arg4[%add3A_868, %dma_start3A_872, %dma_start3A_873] : memref<16384x20x64xf32, #tpu.memory_space<hbm>> -> memref<1x20x64xf32, #tpu.memory_space<hbm>>
      %dma_start3A_875 = tpu.memref_squeeze %dma_start3A_874 : memref<1x20x64xf32, #tpu.memory_space<hbm>> -> memref<20x64xf32, #tpu.memory_space<hbm>>
      %dma_start3A_876 = arith.constant 0 : i32
      %dma_start3A_877 = arith.constant 0 : i32
      %dma_start3A_878 = tpu.memref_slice %arg4[%add3A_868, %dma_start3A_876, %dma_start3A_877] : memref<16384x20x64xf32, #tpu.memory_space<hbm>> -> memref<1x20x64xf32, #tpu.memory_space<hbm>>
      %dma_start3A_879 = tpu.memref_squeeze %dma_start3A_878 : memref<1x20x64xf32, #tpu.memory_space<hbm>> -> memref<20x64xf32, #tpu.memory_space<hbm>>
      %dma_start3A_880 = arith.constant 1060 : i32
      %dma_start3A_881 = arith.constant 0 : i32
      %dma_start3A_882 = tpu.memref_slice %arg6[%dma_start3A_880, %dma_start3A_881] : memref<1280x64xf32, #tpu.memory_space<vmem>> -> memref<20x64xf32, #tpu.memory_space<vmem>>
      tpu.enqueue_dma source(%dma_start3A_882 : memref<20x64xf32, #tpu.memory_space<vmem>>) target(%dma_start3A_879 : memref<20x64xf32, #tpu.memory_space<hbm>>) target_semaphore(%arg7 : memref<!tpu.dma_semaphore, #tpu.memory_space<semaphore_mem>>)
      %add3A_883 = arith.constant 54 : i32
      %add3A_884 = arith.addi %add3A_12, %add3A_883 : i32
      %dma_start3A_885 = arith.constant 1080 : i32
      %dma_start3A_886 = arith.constant 0 : i32
      %dma_start3A_887 = tpu.memref_slice %arg6[%dma_start3A_885, %dma_start3A_886] : memref<1280x64xf32, #tpu.memory_space<vmem>> -> memref<20x64xf32, #tpu.memory_space<vmem>>
      %dma_start3A_888 = arith.constant 0 : i32
      %dma_start3A_889 = arith.constant 0 : i32
      %dma_start3A_890 = tpu.memref_slice %arg4[%add3A_884, %dma_start3A_888, %dma_start3A_889] : memref<16384x20x64xf32, #tpu.memory_space<hbm>> -> memref<1x20x64xf32, #tpu.memory_space<hbm>>
      %dma_start3A_891 = tpu.memref_squeeze %dma_start3A_890 : memref<1x20x64xf32, #tpu.memory_space<hbm>> -> memref<20x64xf32, #tpu.memory_space<hbm>>
      %dma_start3A_892 = arith.constant 0 : i32
      %dma_start3A_893 = arith.constant 0 : i32
      %dma_start3A_894 = tpu.memref_slice %arg4[%add3A_884, %dma_start3A_892, %dma_start3A_893] : memref<16384x20x64xf32, #tpu.memory_space<hbm>> -> memref<1x20x64xf32, #tpu.memory_space<hbm>>
      %dma_start3A_895 = tpu.memref_squeeze %dma_start3A_894 : memref<1x20x64xf32, #tpu.memory_space<hbm>> -> memref<20x64xf32, #tpu.memory_space<hbm>>
      %dma_start3A_896 = arith.constant 1080 : i32
      %dma_start3A_897 = arith.constant 0 : i32
      %dma_start3A_898 = tpu.memref_slice %arg6[%dma_start3A_896, %dma_start3A_897] : memref<1280x64xf32, #tpu.memory_space<vmem>> -> memref<20x64xf32, #tpu.memory_space<vmem>>
      tpu.enqueue_dma source(%dma_start3A_898 : memref<20x64xf32, #tpu.memory_space<vmem>>) target(%dma_start3A_895 : memref<20x64xf32, #tpu.memory_space<hbm>>) target_semaphore(%arg7 : memref<!tpu.dma_semaphore, #tpu.memory_space<semaphore_mem>>)
      %add3A_899 = arith.constant 55 : i32
      %add3A_900 = arith.addi %add3A_12, %add3A_899 : i32
      %dma_start3A_901 = arith.constant 1100 : i32
      %dma_start3A_902 = arith.constant 0 : i32
      %dma_start3A_903 = tpu.memref_slice %arg6[%dma_start3A_901, %dma_start3A_902] : memref<1280x64xf32, #tpu.memory_space<vmem>> -> memref<20x64xf32, #tpu.memory_space<vmem>>
      %dma_start3A_904 = arith.constant 0 : i32
      %dma_start3A_905 = arith.constant 0 : i32
      %dma_start3A_906 = tpu.memref_slice %arg4[%add3A_900, %dma_start3A_904, %dma_start3A_905] : memref<16384x20x64xf32, #tpu.memory_space<hbm>> -> memref<1x20x64xf32, #tpu.memory_space<hbm>>
      %dma_start3A_907 = tpu.memref_squeeze %dma_start3A_906 : memref<1x20x64xf32, #tpu.memory_space<hbm>> -> memref<20x64xf32, #tpu.memory_space<hbm>>
      %dma_start3A_908 = arith.constant 0 : i32
      %dma_start3A_909 = arith.constant 0 : i32
      %dma_start3A_910 = tpu.memref_slice %arg4[%add3A_900, %dma_start3A_908, %dma_start3A_909] : memref<16384x20x64xf32, #tpu.memory_space<hbm>> -> memref<1x20x64xf32, #tpu.memory_space<hbm>>
      %dma_start3A_911 = tpu.memref_squeeze %dma_start3A_910 : memref<1x20x64xf32, #tpu.memory_space<hbm>> -> memref<20x64xf32, #tpu.memory_space<hbm>>
      %dma_start3A_912 = arith.constant 1100 : i32
      %dma_start3A_913 = arith.constant 0 : i32
      %dma_start3A_914 = tpu.memref_slice %arg6[%dma_start3A_912, %dma_start3A_913] : memref<1280x64xf32, #tpu.memory_space<vmem>> -> memref<20x64xf32, #tpu.memory_space<vmem>>
      tpu.enqueue_dma source(%dma_start3A_914 : memref<20x64xf32, #tpu.memory_space<vmem>>) target(%dma_start3A_911 : memref<20x64xf32, #tpu.memory_space<hbm>>) target_semaphore(%arg7 : memref<!tpu.dma_semaphore, #tpu.memory_space<semaphore_mem>>)
      %add3A_915 = arith.constant 56 : i32
      %add3A_916 = arith.addi %add3A_12, %add3A_915 : i32
      %dma_start3A_917 = arith.constant 1120 : i32
      %dma_start3A_918 = arith.constant 0 : i32
      %dma_start3A_919 = tpu.memref_slice %arg6[%dma_start3A_917, %dma_start3A_918] : memref<1280x64xf32, #tpu.memory_space<vmem>> -> memref<20x64xf32, #tpu.memory_space<vmem>>
      %dma_start3A_920 = arith.constant 0 : i32
      %dma_start3A_921 = arith.constant 0 : i32
      %dma_start3A_922 = tpu.memref_slice %arg4[%add3A_916, %dma_start3A_920, %dma_start3A_921] : memref<16384x20x64xf32, #tpu.memory_space<hbm>> -> memref<1x20x64xf32, #tpu.memory_space<hbm>>
      %dma_start3A_923 = tpu.memref_squeeze %dma_start3A_922 : memref<1x20x64xf32, #tpu.memory_space<hbm>> -> memref<20x64xf32, #tpu.memory_space<hbm>>
      %dma_start3A_924 = arith.constant 0 : i32
      %dma_start3A_925 = arith.constant 0 : i32
      %dma_start3A_926 = tpu.memref_slice %arg4[%add3A_916, %dma_start3A_924, %dma_start3A_925] : memref<16384x20x64xf32, #tpu.memory_space<hbm>> -> memref<1x20x64xf32, #tpu.memory_space<hbm>>
      %dma_start3A_927 = tpu.memref_squeeze %dma_start3A_926 : memref<1x20x64xf32, #tpu.memory_space<hbm>> -> memref<20x64xf32, #tpu.memory_space<hbm>>
      %dma_start3A_928 = arith.constant 1120 : i32
      %dma_start3A_929 = arith.constant 0 : i32
      %dma_start3A_930 = tpu.memref_slice %arg6[%dma_start3A_928, %dma_start3A_929] : memref<1280x64xf32, #tpu.memory_space<vmem>> -> memref<20x64xf32, #tpu.memory_space<vmem>>
      tpu.enqueue_dma source(%dma_start3A_930 : memref<20x64xf32, #tpu.memory_space<vmem>>) target(%dma_start3A_927 : memref<20x64xf32, #tpu.memory_space<hbm>>) target_semaphore(%arg7 : memref<!tpu.dma_semaphore, #tpu.memory_space<semaphore_mem>>)
      %add3A_931 = arith.constant 57 : i32
      %add3A_932 = arith.addi %add3A_12, %add3A_931 : i32
      %dma_start3A_933 = arith.constant 1140 : i32
      %dma_start3A_934 = arith.constant 0 : i32
      %dma_start3A_935 = tpu.memref_slice %arg6[%dma_start3A_933, %dma_start3A_934] : memref<1280x64xf32, #tpu.memory_space<vmem>> -> memref<20x64xf32, #tpu.memory_space<vmem>>
      %dma_start3A_936 = arith.constant 0 : i32
      %dma_start3A_937 = arith.constant 0 : i32
      %dma_start3A_938 = tpu.memref_slice %arg4[%add3A_932, %dma_start3A_936, %dma_start3A_937] : memref<16384x20x64xf32, #tpu.memory_space<hbm>> -> memref<1x20x64xf32, #tpu.memory_space<hbm>>
      %dma_start3A_939 = tpu.memref_squeeze %dma_start3A_938 : memref<1x20x64xf32, #tpu.memory_space<hbm>> -> memref<20x64xf32, #tpu.memory_space<hbm>>
      %dma_start3A_940 = arith.constant 0 : i32
      %dma_start3A_941 = arith.constant 0 : i32
      %dma_start3A_942 = tpu.memref_slice %arg4[%add3A_932, %dma_start3A_940, %dma_start3A_941] : memref<16384x20x64xf32, #tpu.memory_space<hbm>> -> memref<1x20x64xf32, #tpu.memory_space<hbm>>
      %dma_start3A_943 = tpu.memref_squeeze %dma_start3A_942 : memref<1x20x64xf32, #tpu.memory_space<hbm>> -> memref<20x64xf32, #tpu.memory_space<hbm>>
      %dma_start3A_944 = arith.constant 1140 : i32
      %dma_start3A_945 = arith.constant 0 : i32
      %dma_start3A_946 = tpu.memref_slice %arg6[%dma_start3A_944, %dma_start3A_945] : memref<1280x64xf32, #tpu.memory_space<vmem>> -> memref<20x64xf32, #tpu.memory_space<vmem>>
      tpu.enqueue_dma source(%dma_start3A_946 : memref<20x64xf32, #tpu.memory_space<vmem>>) target(%dma_start3A_943 : memref<20x64xf32, #tpu.memory_space<hbm>>) target_semaphore(%arg7 : memref<!tpu.dma_semaphore, #tpu.memory_space<semaphore_mem>>)
      %add3A_947 = arith.constant 58 : i32
      %add3A_948 = arith.addi %add3A_12, %add3A_947 : i32
      %dma_start3A_949 = arith.constant 1160 : i32
      %dma_start3A_950 = arith.constant 0 : i32
      %dma_start3A_951 = tpu.memref_slice %arg6[%dma_start3A_949, %dma_start3A_950] : memref<1280x64xf32, #tpu.memory_space<vmem>> -> memref<20x64xf32, #tpu.memory_space<vmem>>
      %dma_start3A_952 = arith.constant 0 : i32
      %dma_start3A_953 = arith.constant 0 : i32
      %dma_start3A_954 = tpu.memref_slice %arg4[%add3A_948, %dma_start3A_952, %dma_start3A_953] : memref<16384x20x64xf32, #tpu.memory_space<hbm>> -> memref<1x20x64xf32, #tpu.memory_space<hbm>>
      %dma_start3A_955 = tpu.memref_squeeze %dma_start3A_954 : memref<1x20x64xf32, #tpu.memory_space<hbm>> -> memref<20x64xf32, #tpu.memory_space<hbm>>
      %dma_start3A_956 = arith.constant 0 : i32
      %dma_start3A_957 = arith.constant 0 : i32
      %dma_start3A_958 = tpu.memref_slice %arg4[%add3A_948, %dma_start3A_956, %dma_start3A_957] : memref<16384x20x64xf32, #tpu.memory_space<hbm>> -> memref<1x20x64xf32, #tpu.memory_space<hbm>>
      %dma_start3A_959 = tpu.memref_squeeze %dma_start3A_958 : memref<1x20x64xf32, #tpu.memory_space<hbm>> -> memref<20x64xf32, #tpu.memory_space<hbm>>
      %dma_start3A_960 = arith.constant 1160 : i32
      %dma_start3A_961 = arith.constant 0 : i32
      %dma_start3A_962 = tpu.memref_slice %arg6[%dma_start3A_960, %dma_start3A_961] : memref<1280x64xf32, #tpu.memory_space<vmem>> -> memref<20x64xf32, #tpu.memory_space<vmem>>
      tpu.enqueue_dma source(%dma_start3A_962 : memref<20x64xf32, #tpu.memory_space<vmem>>) target(%dma_start3A_959 : memref<20x64xf32, #tpu.memory_space<hbm>>) target_semaphore(%arg7 : memref<!tpu.dma_semaphore, #tpu.memory_space<semaphore_mem>>)
      %add3A_963 = arith.constant 59 : i32
      %add3A_964 = arith.addi %add3A_12, %add3A_963 : i32
      %dma_start3A_965 = arith.constant 1180 : i32
      %dma_start3A_966 = arith.constant 0 : i32
      %dma_start3A_967 = tpu.memref_slice %arg6[%dma_start3A_965, %dma_start3A_966] : memref<1280x64xf32, #tpu.memory_space<vmem>> -> memref<20x64xf32, #tpu.memory_space<vmem>>
      %dma_start3A_968 = arith.constant 0 : i32
      %dma_start3A_969 = arith.constant 0 : i32
      %dma_start3A_970 = tpu.memref_slice %arg4[%add3A_964, %dma_start3A_968, %dma_start3A_969] : memref<16384x20x64xf32, #tpu.memory_space<hbm>> -> memref<1x20x64xf32, #tpu.memory_space<hbm>>
      %dma_start3A_971 = tpu.memref_squeeze %dma_start3A_970 : memref<1x20x64xf32, #tpu.memory_space<hbm>> -> memref<20x64xf32, #tpu.memory_space<hbm>>
      %dma_start3A_972 = arith.constant 0 : i32
      %dma_start3A_973 = arith.constant 0 : i32
      %dma_start3A_974 = tpu.memref_slice %arg4[%add3A_964, %dma_start3A_972, %dma_start3A_973] : memref<16384x20x64xf32, #tpu.memory_space<hbm>> -> memref<1x20x64xf32, #tpu.memory_space<hbm>>
      %dma_start3A_975 = tpu.memref_squeeze %dma_start3A_974 : memref<1x20x64xf32, #tpu.memory_space<hbm>> -> memref<20x64xf32, #tpu.memory_space<hbm>>
      %dma_start3A_976 = arith.constant 1180 : i32
      %dma_start3A_977 = arith.constant 0 : i32
      %dma_start3A_978 = tpu.memref_slice %arg6[%dma_start3A_976, %dma_start3A_977] : memref<1280x64xf32, #tpu.memory_space<vmem>> -> memref<20x64xf32, #tpu.memory_space<vmem>>
      tpu.enqueue_dma source(%dma_start3A_978 : memref<20x64xf32, #tpu.memory_space<vmem>>) target(%dma_start3A_975 : memref<20x64xf32, #tpu.memory_space<hbm>>) target_semaphore(%arg7 : memref<!tpu.dma_semaphore, #tpu.memory_space<semaphore_mem>>)
      %add3A_979 = arith.constant 60 : i32
      %add3A_980 = arith.addi %add3A_12, %add3A_979 : i32
      %dma_start3A_981 = arith.constant 1200 : i32
      %dma_start3A_982 = arith.constant 0 : i32
      %dma_start3A_983 = tpu.memref_slice %arg6[%dma_start3A_981, %dma_start3A_982] : memref<1280x64xf32, #tpu.memory_space<vmem>> -> memref<20x64xf32, #tpu.memory_space<vmem>>
      %dma_start3A_984 = arith.constant 0 : i32
      %dma_start3A_985 = arith.constant 0 : i32
      %dma_start3A_986 = tpu.memref_slice %arg4[%add3A_980, %dma_start3A_984, %dma_start3A_985] : memref<16384x20x64xf32, #tpu.memory_space<hbm>> -> memref<1x20x64xf32, #tpu.memory_space<hbm>>
      %dma_start3A_987 = tpu.memref_squeeze %dma_start3A_986 : memref<1x20x64xf32, #tpu.memory_space<hbm>> -> memref<20x64xf32, #tpu.memory_space<hbm>>
      %dma_start3A_988 = arith.constant 0 : i32
      %dma_start3A_989 = arith.constant 0 : i32
      %dma_start3A_990 = tpu.memref_slice %arg4[%add3A_980, %dma_start3A_988, %dma_start3A_989] : memref<16384x20x64xf32, #tpu.memory_space<hbm>> -> memref<1x20x64xf32, #tpu.memory_space<hbm>>
      %dma_start3A_991 = tpu.memref_squeeze %dma_start3A_990 : memref<1x20x64xf32, #tpu.memory_space<hbm>> -> memref<20x64xf32, #tpu.memory_space<hbm>>
      %dma_start3A_992 = arith.constant 1200 : i32
      %dma_start3A_993 = arith.constant 0 : i32
      %dma_start3A_994 = tpu.memref_slice %arg6[%dma_start3A_992, %dma_start3A_993] : memref<1280x64xf32, #tpu.memory_space<vmem>> -> memref<20x64xf32, #tpu.memory_space<vmem>>
      tpu.enqueue_dma source(%dma_start3A_994 : memref<20x64xf32, #tpu.memory_space<vmem>>) target(%dma_start3A_991 : memref<20x64xf32, #tpu.memory_space<hbm>>) target_semaphore(%arg7 : memref<!tpu.dma_semaphore, #tpu.memory_space<semaphore_mem>>)
      %add3A_995 = arith.constant 61 : i32
      %add3A_996 = arith.addi %add3A_12, %add3A_995 : i32
      %dma_start3A_997 = arith.constant 1220 : i32
      %dma_start3A_998 = arith.constant 0 : i32
      %dma_start3A_999 = tpu.memref_slice %arg6[%dma_start3A_997, %dma_start3A_998] : memref<1280x64xf32, #tpu.memory_space<vmem>> -> memref<20x64xf32, #tpu.memory_space<vmem>>
      %dma_start3A_1000 = arith.constant 0 : i32
      %dma_start3A_1001 = arith.constant 0 : i32
      %dma_start3A_1002 = tpu.memref_slice %arg4[%add3A_996, %dma_start3A_1000, %dma_start3A_1001] : memref<16384x20x64xf32, #tpu.memory_space<hbm>> -> memref<1x20x64xf32, #tpu.memory_space<hbm>>
      %dma_start3A_1003 = tpu.memref_squeeze %dma_start3A_1002 : memref<1x20x64xf32, #tpu.memory_space<hbm>> -> memref<20x64xf32, #tpu.memory_space<hbm>>
      %dma_start3A_1004 = arith.constant 0 : i32
      %dma_start3A_1005 = arith.constant 0 : i32
      %dma_start3A_1006 = tpu.memref_slice %arg4[%add3A_996, %dma_start3A_1004, %dma_start3A_1005] : memref<16384x20x64xf32, #tpu.memory_space<hbm>> -> memref<1x20x64xf32, #tpu.memory_space<hbm>>
      %dma_start3A_1007 = tpu.memref_squeeze %dma_start3A_1006 : memref<1x20x64xf32, #tpu.memory_space<hbm>> -> memref<20x64xf32, #tpu.memory_space<hbm>>
      %dma_start3A_1008 = arith.constant 1220 : i32
      %dma_start3A_1009 = arith.constant 0 : i32
      %dma_start3A_1010 = tpu.memref_slice %arg6[%dma_start3A_1008, %dma_start3A_1009] : memref<1280x64xf32, #tpu.memory_space<vmem>> -> memref<20x64xf32, #tpu.memory_space<vmem>>
      tpu.enqueue_dma source(%dma_start3A_1010 : memref<20x64xf32, #tpu.memory_space<vmem>>) target(%dma_start3A_1007 : memref<20x64xf32, #tpu.memory_space<hbm>>) target_semaphore(%arg7 : memref<!tpu.dma_semaphore, #tpu.memory_space<semaphore_mem>>)
      %add3A_1011 = arith.constant 62 : i32
      %add3A_1012 = arith.addi %add3A_12, %add3A_1011 : i32
      %dma_start3A_1013 = arith.constant 1240 : i32
      %dma_start3A_1014 = arith.constant 0 : i32
      %dma_start3A_1015 = tpu.memref_slice %arg6[%dma_start3A_1013, %dma_start3A_1014] : memref<1280x64xf32, #tpu.memory_space<vmem>> -> memref<20x64xf32, #tpu.memory_space<vmem>>
      %dma_start3A_1016 = arith.constant 0 : i32
      %dma_start3A_1017 = arith.constant 0 : i32
      %dma_start3A_1018 = tpu.memref_slice %arg4[%add3A_1012, %dma_start3A_1016, %dma_start3A_1017] : memref<16384x20x64xf32, #tpu.memory_space<hbm>> -> memref<1x20x64xf32, #tpu.memory_space<hbm>>
      %dma_start3A_1019 = tpu.memref_squeeze %dma_start3A_1018 : memref<1x20x64xf32, #tpu.memory_space<hbm>> -> memref<20x64xf32, #tpu.memory_space<hbm>>
      %dma_start3A_1020 = arith.constant 0 : i32
      %dma_start3A_1021 = arith.constant 0 : i32
      %dma_start3A_1022 = tpu.memref_slice %arg4[%add3A_1012, %dma_start3A_1020, %dma_start3A_1021] : memref<16384x20x64xf32, #tpu.memory_space<hbm>> -> memref<1x20x64xf32, #tpu.memory_space<hbm>>
      %dma_start3A_1023 = tpu.memref_squeeze %dma_start3A_1022 : memref<1x20x64xf32, #tpu.memory_space<hbm>> -> memref<20x64xf32, #tpu.memory_space<hbm>>
      %dma_start3A_1024 = arith.constant 1240 : i32
      %dma_start3A_1025 = arith.constant 0 : i32
      %dma_start3A_1026 = tpu.memref_slice %arg6[%dma_start3A_1024, %dma_start3A_1025] : memref<1280x64xf32, #tpu.memory_space<vmem>> -> memref<20x64xf32, #tpu.memory_space<vmem>>
      tpu.enqueue_dma source(%dma_start3A_1026 : memref<20x64xf32, #tpu.memory_space<vmem>>) target(%dma_start3A_1023 : memref<20x64xf32, #tpu.memory_space<hbm>>) target_semaphore(%arg7 : memref<!tpu.dma_semaphore, #tpu.memory_space<semaphore_mem>>)
      %add3A_1027 = arith.constant 63 : i32
      %add3A_1028 = arith.addi %add3A_12, %add3A_1027 : i32
      %dma_start3A_1029 = arith.constant 1260 : i32
      %dma_start3A_1030 = arith.constant 0 : i32
      %dma_start3A_1031 = tpu.memref_slice %arg6[%dma_start3A_1029, %dma_start3A_1030] : memref<1280x64xf32, #tpu.memory_space<vmem>> -> memref<20x64xf32, #tpu.memory_space<vmem>>
      %dma_start3A_1032 = arith.constant 0 : i32
      %dma_start3A_1033 = arith.constant 0 : i32
      %dma_start3A_1034 = tpu.memref_slice %arg4[%add3A_1028, %dma_start3A_1032, %dma_start3A_1033] : memref<16384x20x64xf32, #tpu.memory_space<hbm>> -> memref<1x20x64xf32, #tpu.memory_space<hbm>>
      %dma_start3A_1035 = tpu.memref_squeeze %dma_start3A_1034 : memref<1x20x64xf32, #tpu.memory_space<hbm>> -> memref<20x64xf32, #tpu.memory_space<hbm>>
      %dma_start3A_1036 = arith.constant 0 : i32
      %dma_start3A_1037 = arith.constant 0 : i32
      %dma_start3A_1038 = tpu.memref_slice %arg4[%add3A_1028, %dma_start3A_1036, %dma_start3A_1037] : memref<16384x20x64xf32, #tpu.memory_space<hbm>> -> memref<1x20x64xf32, #tpu.memory_space<hbm>>
      %dma_start3A_1039 = tpu.memref_squeeze %dma_start3A_1038 : memref<1x20x64xf32, #tpu.memory_space<hbm>> -> memref<20x64xf32, #tpu.memory_space<hbm>>
      %dma_start3A_1040 = arith.constant 1260 : i32
      %dma_start3A_1041 = arith.constant 0 : i32
      %dma_start3A_1042 = tpu.memref_slice %arg6[%dma_start3A_1040, %dma_start3A_1041] : memref<1280x64xf32, #tpu.memory_space<vmem>> -> memref<20x64xf32, #tpu.memory_space<vmem>>
      tpu.enqueue_dma source(%dma_start3A_1042 : memref<20x64xf32, #tpu.memory_space<vmem>>) target(%dma_start3A_1039 : memref<20x64xf32, #tpu.memory_space<hbm>>) target_semaphore(%arg7 : memref<!tpu.dma_semaphore, #tpu.memory_space<semaphore_mem>>)
      %dma_wait3A_1043 = arith.constant 0 : i32
      %dma_wait3A_1044 = arith.constant 0 : i32
      %dma_wait3A_1045 = tpu.memref_slice %arg6[%dma_wait3A_1043, %dma_wait3A_1044] : memref<1280x64xf32, #tpu.memory_space<vmem>> -> memref<20x64xf32, #tpu.memory_space<vmem>>
      %dma_wait3A_1046 = arith.constant 0 : i32
      %dma_wait3A_1047 = arith.constant 0 : i32
      %dma_wait3A_1048 = tpu.memref_slice %arg4[%add3A_20, %dma_wait3A_1046, %dma_wait3A_1047] : memref<16384x20x64xf32, #tpu.memory_space<hbm>> -> memref<1x20x64xf32, #tpu.memory_space<hbm>>
      %dma_wait3A_1049 = tpu.memref_squeeze %dma_wait3A_1048 : memref<1x20x64xf32, #tpu.memory_space<hbm>> -> memref<20x64xf32, #tpu.memory_space<hbm>>
      %dma_wait3A_1050 = arith.constant 0 : i32
      %dma_wait3A_1051 = arith.constant 0 : i32
      %dma_wait3A_1052 = tpu.memref_slice %arg4[%add3A_20, %dma_wait3A_1050, %dma_wait3A_1051] : memref<16384x20x64xf32, #tpu.memory_space<hbm>> -> memref<1x20x64xf32, #tpu.memory_space<hbm>>
      %dma_wait3A_1053 = tpu.memref_squeeze %dma_wait3A_1052 : memref<1x20x64xf32, #tpu.memory_space<hbm>> -> memref<20x64xf32, #tpu.memory_space<hbm>>
      %dma_wait3A_1054 = arith.constant 0 : i32
      %dma_wait3A_1055 = arith.constant 0 : i32
      %dma_wait3A_1056 = tpu.memref_slice %arg6[%dma_wait3A_1054, %dma_wait3A_1055] : memref<1280x64xf32, #tpu.memory_space<vmem>> -> memref<20x64xf32, #tpu.memory_space<vmem>>
      tpu.wait_dma2 semaphore(%arg7 : memref<!tpu.dma_semaphore, #tpu.memory_space<semaphore_mem>>) src(%dma_wait3A_1056 : memref<20x64xf32, #tpu.memory_space<vmem>>) dst(%dma_wait3A_1053 : memref<20x64xf32, #tpu.memory_space<hbm>>)
      %dma_wait3A_1057 = arith.constant 20 : i32
      %dma_wait3A_1058 = arith.constant 0 : i32
      %dma_wait3A_1059 = tpu.memref_slice %arg6[%dma_wait3A_1057, %dma_wait3A_1058] : memref<1280x64xf32, #tpu.memory_space<vmem>> -> memref<20x64xf32, #tpu.memory_space<vmem>>
      %dma_wait3A_1060 = arith.constant 0 : i32
      %dma_wait3A_1061 = arith.constant 0 : i32
      %dma_wait3A_1062 = tpu.memref_slice %arg4[%add3A_36, %dma_wait3A_1060, %dma_wait3A_1061] : memref<16384x20x64xf32, #tpu.memory_space<hbm>> -> memref<1x20x64xf32, #tpu.memory_space<hbm>>
      %dma_wait3A_1063 = tpu.memref_squeeze %dma_wait3A_1062 : memref<1x20x64xf32, #tpu.memory_space<hbm>> -> memref<20x64xf32, #tpu.memory_space<hbm>>
      %dma_wait3A_1064 = arith.constant 0 : i32
      %dma_wait3A_1065 = arith.constant 0 : i32
      %dma_wait3A_1066 = tpu.memref_slice %arg4[%add3A_36, %dma_wait3A_1064, %dma_wait3A_1065] : memref<16384x20x64xf32, #tpu.memory_space<hbm>> -> memref<1x20x64xf32, #tpu.memory_space<hbm>>
      %dma_wait3A_1067 = tpu.memref_squeeze %dma_wait3A_1066 : memref<1x20x64xf32, #tpu.memory_space<hbm>> -> memref<20x64xf32, #tpu.memory_space<hbm>>
      %dma_wait3A_1068 = arith.constant 20 : i32
      %dma_wait3A_1069 = arith.constant 0 : i32
      %dma_wait3A_1070 = tpu.memref_slice %arg6[%dma_wait3A_1068, %dma_wait3A_1069] : memref<1280x64xf32, #tpu.memory_space<vmem>> -> memref<20x64xf32, #tpu.memory_space<vmem>>
      tpu.wait_dma2 semaphore(%arg7 : memref<!tpu.dma_semaphore, #tpu.memory_space<semaphore_mem>>) src(%dma_wait3A_1070 : memref<20x64xf32, #tpu.memory_space<vmem>>) dst(%dma_wait3A_1067 : memref<20x64xf32, #tpu.memory_space<hbm>>)
      %dma_wait3A_1071 = arith.constant 40 : i32
      %dma_wait3A_1072 = arith.constant 0 : i32
      %dma_wait3A_1073 = tpu.memref_slice %arg6[%dma_wait3A_1071, %dma_wait3A_1072] : memref<1280x64xf32, #tpu.memory_space<vmem>> -> memref<20x64xf32, #tpu.memory_space<vmem>>
      %dma_wait3A_1074 = arith.constant 0 : i32
      %dma_wait3A_1075 = arith.constant 0 : i32
      %dma_wait3A_1076 = tpu.memref_slice %arg4[%add3A_52, %dma_wait3A_1074, %dma_wait3A_1075] : memref<16384x20x64xf32, #tpu.memory_space<hbm>> -> memref<1x20x64xf32, #tpu.memory_space<hbm>>
      %dma_wait3A_1077 = tpu.memref_squeeze %dma_wait3A_1076 : memref<1x20x64xf32, #tpu.memory_space<hbm>> -> memref<20x64xf32, #tpu.memory_space<hbm>>
      %dma_wait3A_1078 = arith.constant 0 : i32
      %dma_wait3A_1079 = arith.constant 0 : i32
      %dma_wait3A_1080 = tpu.memref_slice %arg4[%add3A_52, %dma_wait3A_1078, %dma_wait3A_1079] : memref<16384x20x64xf32, #tpu.memory_space<hbm>> -> memref<1x20x64xf32, #tpu.memory_space<hbm>>
      %dma_wait3A_1081 = tpu.memref_squeeze %dma_wait3A_1080 : memref<1x20x64xf32, #tpu.memory_space<hbm>> -> memref<20x64xf32, #tpu.memory_space<hbm>>
      %dma_wait3A_1082 = arith.constant 40 : i32
      %dma_wait3A_1083 = arith.constant 0 : i32
      %dma_wait3A_1084 = tpu.memref_slice %arg6[%dma_wait3A_1082, %dma_wait3A_1083] : memref<1280x64xf32, #tpu.memory_space<vmem>> -> memref<20x64xf32, #tpu.memory_space<vmem>>
      tpu.wait_dma2 semaphore(%arg7 : memref<!tpu.dma_semaphore, #tpu.memory_space<semaphore_mem>>) src(%dma_wait3A_1084 : memref<20x64xf32, #tpu.memory_space<vmem>>) dst(%dma_wait3A_1081 : memref<20x64xf32, #tpu.memory_space<hbm>>)
      %dma_wait3A_1085 = arith.constant 60 : i32
      %dma_wait3A_1086 = arith.constant 0 : i32
      %dma_wait3A_1087 = tpu.memref_slice %arg6[%dma_wait3A_1085, %dma_wait3A_1086] : memref<1280x64xf32, #tpu.memory_space<vmem>> -> memref<20x64xf32, #tpu.memory_space<vmem>>
      %dma_wait3A_1088 = arith.constant 0 : i32
      %dma_wait3A_1089 = arith.constant 0 : i32
      %dma_wait3A_1090 = tpu.memref_slice %arg4[%add3A_68, %dma_wait3A_1088, %dma_wait3A_1089] : memref<16384x20x64xf32, #tpu.memory_space<hbm>> -> memref<1x20x64xf32, #tpu.memory_space<hbm>>
      %dma_wait3A_1091 = tpu.memref_squeeze %dma_wait3A_1090 : memref<1x20x64xf32, #tpu.memory_space<hbm>> -> memref<20x64xf32, #tpu.memory_space<hbm>>
      %dma_wait3A_1092 = arith.constant 0 : i32
      %dma_wait3A_1093 = arith.constant 0 : i32
      %dma_wait3A_1094 = tpu.memref_slice %arg4[%add3A_68, %dma_wait3A_1092, %dma_wait3A_1093] : memref<16384x20x64xf32, #tpu.memory_space<hbm>> -> memref<1x20x64xf32, #tpu.memory_space<hbm>>
      %dma_wait3A_1095 = tpu.memref_squeeze %dma_wait3A_1094 : memref<1x20x64xf32, #tpu.memory_space<hbm>> -> memref<20x64xf32, #tpu.memory_space<hbm>>
      %dma_wait3A_1096 = arith.constant 60 : i32
      %dma_wait3A_1097 = arith.constant 0 : i32
      %dma_wait3A_1098 = tpu.memref_slice %arg6[%dma_wait3A_1096, %dma_wait3A_1097] : memref<1280x64xf32, #tpu.memory_space<vmem>> -> memref<20x64xf32, #tpu.memory_space<vmem>>
      tpu.wait_dma2 semaphore(%arg7 : memref<!tpu.dma_semaphore, #tpu.memory_space<semaphore_mem>>) src(%dma_wait3A_1098 : memref<20x64xf32, #tpu.memory_space<vmem>>) dst(%dma_wait3A_1095 : memref<20x64xf32, #tpu.memory_space<hbm>>)
      %dma_wait3A_1099 = arith.constant 80 : i32
      %dma_wait3A_1100 = arith.constant 0 : i32
      %dma_wait3A_1101 = tpu.memref_slice %arg6[%dma_wait3A_1099, %dma_wait3A_1100] : memref<1280x64xf32, #tpu.memory_space<vmem>> -> memref<20x64xf32, #tpu.memory_space<vmem>>
      %dma_wait3A_1102 = arith.constant 0 : i32
      %dma_wait3A_1103 = arith.constant 0 : i32
      %dma_wait3A_1104 = tpu.memref_slice %arg4[%add3A_84, %dma_wait3A_1102, %dma_wait3A_1103] : memref<16384x20x64xf32, #tpu.memory_space<hbm>> -> memref<1x20x64xf32, #tpu.memory_space<hbm>>
      %dma_wait3A_1105 = tpu.memref_squeeze %dma_wait3A_1104 : memref<1x20x64xf32, #tpu.memory_space<hbm>> -> memref<20x64xf32, #tpu.memory_space<hbm>>
      %dma_wait3A_1106 = arith.constant 0 : i32
      %dma_wait3A_1107 = arith.constant 0 : i32
      %dma_wait3A_1108 = tpu.memref_slice %arg4[%add3A_84, %dma_wait3A_1106, %dma_wait3A_1107] : memref<16384x20x64xf32, #tpu.memory_space<hbm>> -> memref<1x20x64xf32, #tpu.memory_space<hbm>>
      %dma_wait3A_1109 = tpu.memref_squeeze %dma_wait3A_1108 : memref<1x20x64xf32, #tpu.memory_space<hbm>> -> memref<20x64xf32, #tpu.memory_space<hbm>>
      %dma_wait3A_1110 = arith.constant 80 : i32
      %dma_wait3A_1111 = arith.constant 0 : i32
      %dma_wait3A_1112 = tpu.memref_slice %arg6[%dma_wait3A_1110, %dma_wait3A_1111] : memref<1280x64xf32, #tpu.memory_space<vmem>> -> memref<20x64xf32, #tpu.memory_space<vmem>>
      tpu.wait_dma2 semaphore(%arg7 : memref<!tpu.dma_semaphore, #tpu.memory_space<semaphore_mem>>) src(%dma_wait3A_1112 : memref<20x64xf32, #tpu.memory_space<vmem>>) dst(%dma_wait3A_1109 : memref<20x64xf32, #tpu.memory_space<hbm>>)
      %dma_wait3A_1113 = arith.constant 100 : i32
      %dma_wait3A_1114 = arith.constant 0 : i32
      %dma_wait3A_1115 = tpu.memref_slice %arg6[%dma_wait3A_1113, %dma_wait3A_1114] : memref<1280x64xf32, #tpu.memory_space<vmem>> -> memref<20x64xf32, #tpu.memory_space<vmem>>
      %dma_wait3A_1116 = arith.constant 0 : i32
      %dma_wait3A_1117 = arith.constant 0 : i32
      %dma_wait3A_1118 = tpu.memref_slice %arg4[%add3A_100, %dma_wait3A_1116, %dma_wait3A_1117] : memref<16384x20x64xf32, #tpu.memory_space<hbm>> -> memref<1x20x64xf32, #tpu.memory_space<hbm>>
      %dma_wait3A_1119 = tpu.memref_squeeze %dma_wait3A_1118 : memref<1x20x64xf32, #tpu.memory_space<hbm>> -> memref<20x64xf32, #tpu.memory_space<hbm>>
      %dma_wait3A_1120 = arith.constant 0 : i32
      %dma_wait3A_1121 = arith.constant 0 : i32
      %dma_wait3A_1122 = tpu.memref_slice %arg4[%add3A_100, %dma_wait3A_1120, %dma_wait3A_1121] : memref<16384x20x64xf32, #tpu.memory_space<hbm>> -> memref<1x20x64xf32, #tpu.memory_space<hbm>>
      %dma_wait3A_1123 = tpu.memref_squeeze %dma_wait3A_1122 : memref<1x20x64xf32, #tpu.memory_space<hbm>> -> memref<20x64xf32, #tpu.memory_space<hbm>>
      %dma_wait3A_1124 = arith.constant 100 : i32
      %dma_wait3A_1125 = arith.constant 0 : i32
      %dma_wait3A_1126 = tpu.memref_slice %arg6[%dma_wait3A_1124, %dma_wait3A_1125] : memref<1280x64xf32, #tpu.memory_space<vmem>> -> memref<20x64xf32, #tpu.memory_space<vmem>>
      tpu.wait_dma2 semaphore(%arg7 : memref<!tpu.dma_semaphore, #tpu.memory_space<semaphore_mem>>) src(%dma_wait3A_1126 : memref<20x64xf32, #tpu.memory_space<vmem>>) dst(%dma_wait3A_1123 : memref<20x64xf32, #tpu.memory_space<hbm>>)
      %dma_wait3A_1127 = arith.constant 120 : i32
      %dma_wait3A_1128 = arith.constant 0 : i32
      %dma_wait3A_1129 = tpu.memref_slice %arg6[%dma_wait3A_1127, %dma_wait3A_1128] : memref<1280x64xf32, #tpu.memory_space<vmem>> -> memref<20x64xf32, #tpu.memory_space<vmem>>
      %dma_wait3A_1130 = arith.constant 0 : i32
      %dma_wait3A_1131 = arith.constant 0 : i32
      %dma_wait3A_1132 = tpu.memref_slice %arg4[%add3A_116, %dma_wait3A_1130, %dma_wait3A_1131] : memref<16384x20x64xf32, #tpu.memory_space<hbm>> -> memref<1x20x64xf32, #tpu.memory_space<hbm>>
      %dma_wait3A_1133 = tpu.memref_squeeze %dma_wait3A_1132 : memref<1x20x64xf32, #tpu.memory_space<hbm>> -> memref<20x64xf32, #tpu.memory_space<hbm>>
      %dma_wait3A_1134 = arith.constant 0 : i32
      %dma_wait3A_1135 = arith.constant 0 : i32
      %dma_wait3A_1136 = tpu.memref_slice %arg4[%add3A_116, %dma_wait3A_1134, %dma_wait3A_1135] : memref<16384x20x64xf32, #tpu.memory_space<hbm>> -> memref<1x20x64xf32, #tpu.memory_space<hbm>>
      %dma_wait3A_1137 = tpu.memref_squeeze %dma_wait3A_1136 : memref<1x20x64xf32, #tpu.memory_space<hbm>> -> memref<20x64xf32, #tpu.memory_space<hbm>>
      %dma_wait3A_1138 = arith.constant 120 : i32
      %dma_wait3A_1139 = arith.constant 0 : i32
      %dma_wait3A_1140 = tpu.memref_slice %arg6[%dma_wait3A_1138, %dma_wait3A_1139] : memref<1280x64xf32, #tpu.memory_space<vmem>> -> memref<20x64xf32, #tpu.memory_space<vmem>>
      tpu.wait_dma2 semaphore(%arg7 : memref<!tpu.dma_semaphore, #tpu.memory_space<semaphore_mem>>) src(%dma_wait3A_1140 : memref<20x64xf32, #tpu.memory_space<vmem>>) dst(%dma_wait3A_1137 : memref<20x64xf32, #tpu.memory_space<hbm>>)
      %dma_wait3A_1141 = arith.constant 140 : i32
      %dma_wait3A_1142 = arith.constant 0 : i32
      %dma_wait3A_1143 = tpu.memref_slice %arg6[%dma_wait3A_1141, %dma_wait3A_1142] : memref<1280x64xf32, #tpu.memory_space<vmem>> -> memref<20x64xf32, #tpu.memory_space<vmem>>
      %dma_wait3A_1144 = arith.constant 0 : i32
      %dma_wait3A_1145 = arith.constant 0 : i32
      %dma_wait3A_1146 = tpu.memref_slice %arg4[%add3A_132, %dma_wait3A_1144, %dma_wait3A_1145] : memref<16384x20x64xf32, #tpu.memory_space<hbm>> -> memref<1x20x64xf32, #tpu.memory_space<hbm>>
      %dma_wait3A_1147 = tpu.memref_squeeze %dma_wait3A_1146 : memref<1x20x64xf32, #tpu.memory_space<hbm>> -> memref<20x64xf32, #tpu.memory_space<hbm>>
      %dma_wait3A_1148 = arith.constant 0 : i32
      %dma_wait3A_1149 = arith.constant 0 : i32
      %dma_wait3A_1150 = tpu.memref_slice %arg4[%add3A_132, %dma_wait3A_1148, %dma_wait3A_1149] : memref<16384x20x64xf32, #tpu.memory_space<hbm>> -> memref<1x20x64xf32, #tpu.memory_space<hbm>>
      %dma_wait3A_1151 = tpu.memref_squeeze %dma_wait3A_1150 : memref<1x20x64xf32, #tpu.memory_space<hbm>> -> memref<20x64xf32, #tpu.memory_space<hbm>>
      %dma_wait3A_1152 = arith.constant 140 : i32
      %dma_wait3A_1153 = arith.constant 0 : i32
      %dma_wait3A_1154 = tpu.memref_slice %arg6[%dma_wait3A_1152, %dma_wait3A_1153] : memref<1280x64xf32, #tpu.memory_space<vmem>> -> memref<20x64xf32, #tpu.memory_space<vmem>>
      tpu.wait_dma2 semaphore(%arg7 : memref<!tpu.dma_semaphore, #tpu.memory_space<semaphore_mem>>) src(%dma_wait3A_1154 : memref<20x64xf32, #tpu.memory_space<vmem>>) dst(%dma_wait3A_1151 : memref<20x64xf32, #tpu.memory_space<hbm>>)
      %dma_wait3A_1155 = arith.constant 160 : i32
      %dma_wait3A_1156 = arith.constant 0 : i32
      %dma_wait3A_1157 = tpu.memref_slice %arg6[%dma_wait3A_1155, %dma_wait3A_1156] : memref<1280x64xf32, #tpu.memory_space<vmem>> -> memref<20x64xf32, #tpu.memory_space<vmem>>
      %dma_wait3A_1158 = arith.constant 0 : i32
      %dma_wait3A_1159 = arith.constant 0 : i32
      %dma_wait3A_1160 = tpu.memref_slice %arg4[%add3A_148, %dma_wait3A_1158, %dma_wait3A_1159] : memref<16384x20x64xf32, #tpu.memory_space<hbm>> -> memref<1x20x64xf32, #tpu.memory_space<hbm>>
      %dma_wait3A_1161 = tpu.memref_squeeze %dma_wait3A_1160 : memref<1x20x64xf32, #tpu.memory_space<hbm>> -> memref<20x64xf32, #tpu.memory_space<hbm>>
      %dma_wait3A_1162 = arith.constant 0 : i32
      %dma_wait3A_1163 = arith.constant 0 : i32
      %dma_wait3A_1164 = tpu.memref_slice %arg4[%add3A_148, %dma_wait3A_1162, %dma_wait3A_1163] : memref<16384x20x64xf32, #tpu.memory_space<hbm>> -> memref<1x20x64xf32, #tpu.memory_space<hbm>>
      %dma_wait3A_1165 = tpu.memref_squeeze %dma_wait3A_1164 : memref<1x20x64xf32, #tpu.memory_space<hbm>> -> memref<20x64xf32, #tpu.memory_space<hbm>>
      %dma_wait3A_1166 = arith.constant 160 : i32
      %dma_wait3A_1167 = arith.constant 0 : i32
      %dma_wait3A_1168 = tpu.memref_slice %arg6[%dma_wait3A_1166, %dma_wait3A_1167] : memref<1280x64xf32, #tpu.memory_space<vmem>> -> memref<20x64xf32, #tpu.memory_space<vmem>>
      tpu.wait_dma2 semaphore(%arg7 : memref<!tpu.dma_semaphore, #tpu.memory_space<semaphore_mem>>) src(%dma_wait3A_1168 : memref<20x64xf32, #tpu.memory_space<vmem>>) dst(%dma_wait3A_1165 : memref<20x64xf32, #tpu.memory_space<hbm>>)
      %dma_wait3A_1169 = arith.constant 180 : i32
      %dma_wait3A_1170 = arith.constant 0 : i32
      %dma_wait3A_1171 = tpu.memref_slice %arg6[%dma_wait3A_1169, %dma_wait3A_1170] : memref<1280x64xf32, #tpu.memory_space<vmem>> -> memref<20x64xf32, #tpu.memory_space<vmem>>
      %dma_wait3A_1172 = arith.constant 0 : i32
      %dma_wait3A_1173 = arith.constant 0 : i32
      %dma_wait3A_1174 = tpu.memref_slice %arg4[%add3A_164, %dma_wait3A_1172, %dma_wait3A_1173] : memref<16384x20x64xf32, #tpu.memory_space<hbm>> -> memref<1x20x64xf32, #tpu.memory_space<hbm>>
      %dma_wait3A_1175 = tpu.memref_squeeze %dma_wait3A_1174 : memref<1x20x64xf32, #tpu.memory_space<hbm>> -> memref<20x64xf32, #tpu.memory_space<hbm>>
      %dma_wait3A_1176 = arith.constant 0 : i32
      %dma_wait3A_1177 = arith.constant 0 : i32
      %dma_wait3A_1178 = tpu.memref_slice %arg4[%add3A_164, %dma_wait3A_1176, %dma_wait3A_1177] : memref<16384x20x64xf32, #tpu.memory_space<hbm>> -> memref<1x20x64xf32, #tpu.memory_space<hbm>>
      %dma_wait3A_1179 = tpu.memref_squeeze %dma_wait3A_1178 : memref<1x20x64xf32, #tpu.memory_space<hbm>> -> memref<20x64xf32, #tpu.memory_space<hbm>>
      %dma_wait3A_1180 = arith.constant 180 : i32
      %dma_wait3A_1181 = arith.constant 0 : i32
      %dma_wait3A_1182 = tpu.memref_slice %arg6[%dma_wait3A_1180, %dma_wait3A_1181] : memref<1280x64xf32, #tpu.memory_space<vmem>> -> memref<20x64xf32, #tpu.memory_space<vmem>>
      tpu.wait_dma2 semaphore(%arg7 : memref<!tpu.dma_semaphore, #tpu.memory_space<semaphore_mem>>) src(%dma_wait3A_1182 : memref<20x64xf32, #tpu.memory_space<vmem>>) dst(%dma_wait3A_1179 : memref<20x64xf32, #tpu.memory_space<hbm>>)
      %dma_wait3A_1183 = arith.constant 200 : i32
      %dma_wait3A_1184 = arith.constant 0 : i32
      %dma_wait3A_1185 = tpu.memref_slice %arg6[%dma_wait3A_1183, %dma_wait3A_1184] : memref<1280x64xf32, #tpu.memory_space<vmem>> -> memref<20x64xf32, #tpu.memory_space<vmem>>
      %dma_wait3A_1186 = arith.constant 0 : i32
      %dma_wait3A_1187 = arith.constant 0 : i32
      %dma_wait3A_1188 = tpu.memref_slice %arg4[%add3A_180, %dma_wait3A_1186, %dma_wait3A_1187] : memref<16384x20x64xf32, #tpu.memory_space<hbm>> -> memref<1x20x64xf32, #tpu.memory_space<hbm>>
      %dma_wait3A_1189 = tpu.memref_squeeze %dma_wait3A_1188 : memref<1x20x64xf32, #tpu.memory_space<hbm>> -> memref<20x64xf32, #tpu.memory_space<hbm>>
      %dma_wait3A_1190 = arith.constant 0 : i32
      %dma_wait3A_1191 = arith.constant 0 : i32
      %dma_wait3A_1192 = tpu.memref_slice %arg4[%add3A_180, %dma_wait3A_1190, %dma_wait3A_1191] : memref<16384x20x64xf32, #tpu.memory_space<hbm>> -> memref<1x20x64xf32, #tpu.memory_space<hbm>>
      %dma_wait3A_1193 = tpu.memref_squeeze %dma_wait3A_1192 : memref<1x20x64xf32, #tpu.memory_space<hbm>> -> memref<20x64xf32, #tpu.memory_space<hbm>>
      %dma_wait3A_1194 = arith.constant 200 : i32
      %dma_wait3A_1195 = arith.constant 0 : i32
      %dma_wait3A_1196 = tpu.memref_slice %arg6[%dma_wait3A_1194, %dma_wait3A_1195] : memref<1280x64xf32, #tpu.memory_space<vmem>> -> memref<20x64xf32, #tpu.memory_space<vmem>>
      tpu.wait_dma2 semaphore(%arg7 : memref<!tpu.dma_semaphore, #tpu.memory_space<semaphore_mem>>) src(%dma_wait3A_1196 : memref<20x64xf32, #tpu.memory_space<vmem>>) dst(%dma_wait3A_1193 : memref<20x64xf32, #tpu.memory_space<hbm>>)
      %dma_wait3A_1197 = arith.constant 220 : i32
      %dma_wait3A_1198 = arith.constant 0 : i32
      %dma_wait3A_1199 = tpu.memref_slice %arg6[%dma_wait3A_1197, %dma_wait3A_1198] : memref<1280x64xf32, #tpu.memory_space<vmem>> -> memref<20x64xf32, #tpu.memory_space<vmem>>
      %dma_wait3A_1200 = arith.constant 0 : i32
      %dma_wait3A_1201 = arith.constant 0 : i32
      %dma_wait3A_1202 = tpu.memref_slice %arg4[%add3A_196, %dma_wait3A_1200, %dma_wait3A_1201] : memref<16384x20x64xf32, #tpu.memory_space<hbm>> -> memref<1x20x64xf32, #tpu.memory_space<hbm>>
      %dma_wait3A_1203 = tpu.memref_squeeze %dma_wait3A_1202 : memref<1x20x64xf32, #tpu.memory_space<hbm>> -> memref<20x64xf32, #tpu.memory_space<hbm>>
      %dma_wait3A_1204 = arith.constant 0 : i32
      %dma_wait3A_1205 = arith.constant 0 : i32
      %dma_wait3A_1206 = tpu.memref_slice %arg4[%add3A_196, %dma_wait3A_1204, %dma_wait3A_1205] : memref<16384x20x64xf32, #tpu.memory_space<hbm>> -> memref<1x20x64xf32, #tpu.memory_space<hbm>>
      %dma_wait3A_1207 = tpu.memref_squeeze %dma_wait3A_1206 : memref<1x20x64xf32, #tpu.memory_space<hbm>> -> memref<20x64xf32, #tpu.memory_space<hbm>>
      %dma_wait3A_1208 = arith.constant 220 : i32
      %dma_wait3A_1209 = arith.constant 0 : i32
      %dma_wait3A_1210 = tpu.memref_slice %arg6[%dma_wait3A_1208, %dma_wait3A_1209] : memref<1280x64xf32, #tpu.memory_space<vmem>> -> memref<20x64xf32, #tpu.memory_space<vmem>>
      tpu.wait_dma2 semaphore(%arg7 : memref<!tpu.dma_semaphore, #tpu.memory_space<semaphore_mem>>) src(%dma_wait3A_1210 : memref<20x64xf32, #tpu.memory_space<vmem>>) dst(%dma_wait3A_1207 : memref<20x64xf32, #tpu.memory_space<hbm>>)
      %dma_wait3A_1211 = arith.constant 240 : i32
      %dma_wait3A_1212 = arith.constant 0 : i32
      %dma_wait3A_1213 = tpu.memref_slice %arg6[%dma_wait3A_1211, %dma_wait3A_1212] : memref<1280x64xf32, #tpu.memory_space<vmem>> -> memref<20x64xf32, #tpu.memory_space<vmem>>
      %dma_wait3A_1214 = arith.constant 0 : i32
      %dma_wait3A_1215 = arith.constant 0 : i32
      %dma_wait3A_1216 = tpu.memref_slice %arg4[%add3A_212, %dma_wait3A_1214, %dma_wait3A_1215] : memref<16384x20x64xf32, #tpu.memory_space<hbm>> -> memref<1x20x64xf32, #tpu.memory_space<hbm>>
      %dma_wait3A_1217 = tpu.memref_squeeze %dma_wait3A_1216 : memref<1x20x64xf32, #tpu.memory_space<hbm>> -> memref<20x64xf32, #tpu.memory_space<hbm>>
      %dma_wait3A_1218 = arith.constant 0 : i32
      %dma_wait3A_1219 = arith.constant 0 : i32
      %dma_wait3A_1220 = tpu.memref_slice %arg4[%add3A_212, %dma_wait3A_1218, %dma_wait3A_1219] : memref<16384x20x64xf32, #tpu.memory_space<hbm>> -> memref<1x20x64xf32, #tpu.memory_space<hbm>>
      %dma_wait3A_1221 = tpu.memref_squeeze %dma_wait3A_1220 : memref<1x20x64xf32, #tpu.memory_space<hbm>> -> memref<20x64xf32, #tpu.memory_space<hbm>>
      %dma_wait3A_1222 = arith.constant 240 : i32
      %dma_wait3A_1223 = arith.constant 0 : i32
      %dma_wait3A_1224 = tpu.memref_slice %arg6[%dma_wait3A_1222, %dma_wait3A_1223] : memref<1280x64xf32, #tpu.memory_space<vmem>> -> memref<20x64xf32, #tpu.memory_space<vmem>>
      tpu.wait_dma2 semaphore(%arg7 : memref<!tpu.dma_semaphore, #tpu.memory_space<semaphore_mem>>) src(%dma_wait3A_1224 : memref<20x64xf32, #tpu.memory_space<vmem>>) dst(%dma_wait3A_1221 : memref<20x64xf32, #tpu.memory_space<hbm>>)
      %dma_wait3A_1225 = arith.constant 260 : i32
      %dma_wait3A_1226 = arith.constant 0 : i32
      %dma_wait3A_1227 = tpu.memref_slice %arg6[%dma_wait3A_1225, %dma_wait3A_1226] : memref<1280x64xf32, #tpu.memory_space<vmem>> -> memref<20x64xf32, #tpu.memory_space<vmem>>
      %dma_wait3A_1228 = arith.constant 0 : i32
      %dma_wait3A_1229 = arith.constant 0 : i32
      %dma_wait3A_1230 = tpu.memref_slice %arg4[%add3A_228, %dma_wait3A_1228, %dma_wait3A_1229] : memref<16384x20x64xf32, #tpu.memory_space<hbm>> -> memref<1x20x64xf32, #tpu.memory_space<hbm>>
      %dma_wait3A_1231 = tpu.memref_squeeze %dma_wait3A_1230 : memref<1x20x64xf32, #tpu.memory_space<hbm>> -> memref<20x64xf32, #tpu.memory_space<hbm>>
      %dma_wait3A_1232 = arith.constant 0 : i32
      %dma_wait3A_1233 = arith.constant 0 : i32
      %dma_wait3A_1234 = tpu.memref_slice %arg4[%add3A_228, %dma_wait3A_1232, %dma_wait3A_1233] : memref<16384x20x64xf32, #tpu.memory_space<hbm>> -> memref<1x20x64xf32, #tpu.memory_space<hbm>>
      %dma_wait3A_1235 = tpu.memref_squeeze %dma_wait3A_1234 : memref<1x20x64xf32, #tpu.memory_space<hbm>> -> memref<20x64xf32, #tpu.memory_space<hbm>>
      %dma_wait3A_1236 = arith.constant 260 : i32
      %dma_wait3A_1237 = arith.constant 0 : i32
      %dma_wait3A_1238 = tpu.memref_slice %arg6[%dma_wait3A_1236, %dma_wait3A_1237] : memref<1280x64xf32, #tpu.memory_space<vmem>> -> memref<20x64xf32, #tpu.memory_space<vmem>>
      tpu.wait_dma2 semaphore(%arg7 : memref<!tpu.dma_semaphore, #tpu.memory_space<semaphore_mem>>) src(%dma_wait3A_1238 : memref<20x64xf32, #tpu.memory_space<vmem>>) dst(%dma_wait3A_1235 : memref<20x64xf32, #tpu.memory_space<hbm>>)
      %dma_wait3A_1239 = arith.constant 280 : i32
      %dma_wait3A_1240 = arith.constant 0 : i32
      %dma_wait3A_1241 = tpu.memref_slice %arg6[%dma_wait3A_1239, %dma_wait3A_1240] : memref<1280x64xf32, #tpu.memory_space<vmem>> -> memref<20x64xf32, #tpu.memory_space<vmem>>
      %dma_wait3A_1242 = arith.constant 0 : i32
      %dma_wait3A_1243 = arith.constant 0 : i32
      %dma_wait3A_1244 = tpu.memref_slice %arg4[%add3A_244, %dma_wait3A_1242, %dma_wait3A_1243] : memref<16384x20x64xf32, #tpu.memory_space<hbm>> -> memref<1x20x64xf32, #tpu.memory_space<hbm>>
      %dma_wait3A_1245 = tpu.memref_squeeze %dma_wait3A_1244 : memref<1x20x64xf32, #tpu.memory_space<hbm>> -> memref<20x64xf32, #tpu.memory_space<hbm>>
      %dma_wait3A_1246 = arith.constant 0 : i32
      %dma_wait3A_1247 = arith.constant 0 : i32
      %dma_wait3A_1248 = tpu.memref_slice %arg4[%add3A_244, %dma_wait3A_1246, %dma_wait3A_1247] : memref<16384x20x64xf32, #tpu.memory_space<hbm>> -> memref<1x20x64xf32, #tpu.memory_space<hbm>>
      %dma_wait3A_1249 = tpu.memref_squeeze %dma_wait3A_1248 : memref<1x20x64xf32, #tpu.memory_space<hbm>> -> memref<20x64xf32, #tpu.memory_space<hbm>>
      %dma_wait3A_1250 = arith.constant 280 : i32
      %dma_wait3A_1251 = arith.constant 0 : i32
      %dma_wait3A_1252 = tpu.memref_slice %arg6[%dma_wait3A_1250, %dma_wait3A_1251] : memref<1280x64xf32, #tpu.memory_space<vmem>> -> memref<20x64xf32, #tpu.memory_space<vmem>>
      tpu.wait_dma2 semaphore(%arg7 : memref<!tpu.dma_semaphore, #tpu.memory_space<semaphore_mem>>) src(%dma_wait3A_1252 : memref<20x64xf32, #tpu.memory_space<vmem>>) dst(%dma_wait3A_1249 : memref<20x64xf32, #tpu.memory_space<hbm>>)
      %dma_wait3A_1253 = arith.constant 300 : i32
      %dma_wait3A_1254 = arith.constant 0 : i32
      %dma_wait3A_1255 = tpu.memref_slice %arg6[%dma_wait3A_1253, %dma_wait3A_1254] : memref<1280x64xf32, #tpu.memory_space<vmem>> -> memref<20x64xf32, #tpu.memory_space<vmem>>
      %dma_wait3A_1256 = arith.constant 0 : i32
      %dma_wait3A_1257 = arith.constant 0 : i32
      %dma_wait3A_1258 = tpu.memref_slice %arg4[%add3A_260, %dma_wait3A_1256, %dma_wait3A_1257] : memref<16384x20x64xf32, #tpu.memory_space<hbm>> -> memref<1x20x64xf32, #tpu.memory_space<hbm>>
      %dma_wait3A_1259 = tpu.memref_squeeze %dma_wait3A_1258 : memref<1x20x64xf32, #tpu.memory_space<hbm>> -> memref<20x64xf32, #tpu.memory_space<hbm>>
      %dma_wait3A_1260 = arith.constant 0 : i32
      %dma_wait3A_1261 = arith.constant 0 : i32
      %dma_wait3A_1262 = tpu.memref_slice %arg4[%add3A_260, %dma_wait3A_1260, %dma_wait3A_1261] : memref<16384x20x64xf32, #tpu.memory_space<hbm>> -> memref<1x20x64xf32, #tpu.memory_space<hbm>>
      %dma_wait3A_1263 = tpu.memref_squeeze %dma_wait3A_1262 : memref<1x20x64xf32, #tpu.memory_space<hbm>> -> memref<20x64xf32, #tpu.memory_space<hbm>>
      %dma_wait3A_1264 = arith.constant 300 : i32
      %dma_wait3A_1265 = arith.constant 0 : i32
      %dma_wait3A_1266 = tpu.memref_slice %arg6[%dma_wait3A_1264, %dma_wait3A_1265] : memref<1280x64xf32, #tpu.memory_space<vmem>> -> memref<20x64xf32, #tpu.memory_space<vmem>>
      tpu.wait_dma2 semaphore(%arg7 : memref<!tpu.dma_semaphore, #tpu.memory_space<semaphore_mem>>) src(%dma_wait3A_1266 : memref<20x64xf32, #tpu.memory_space<vmem>>) dst(%dma_wait3A_1263 : memref<20x64xf32, #tpu.memory_space<hbm>>)
      %dma_wait3A_1267 = arith.constant 320 : i32
      %dma_wait3A_1268 = arith.constant 0 : i32
      %dma_wait3A_1269 = tpu.memref_slice %arg6[%dma_wait3A_1267, %dma_wait3A_1268] : memref<1280x64xf32, #tpu.memory_space<vmem>> -> memref<20x64xf32, #tpu.memory_space<vmem>>
      %dma_wait3A_1270 = arith.constant 0 : i32
      %dma_wait3A_1271 = arith.constant 0 : i32
      %dma_wait3A_1272 = tpu.memref_slice %arg4[%add3A_276, %dma_wait3A_1270, %dma_wait3A_1271] : memref<16384x20x64xf32, #tpu.memory_space<hbm>> -> memref<1x20x64xf32, #tpu.memory_space<hbm>>
      %dma_wait3A_1273 = tpu.memref_squeeze %dma_wait3A_1272 : memref<1x20x64xf32, #tpu.memory_space<hbm>> -> memref<20x64xf32, #tpu.memory_space<hbm>>
      %dma_wait3A_1274 = arith.constant 0 : i32
      %dma_wait3A_1275 = arith.constant 0 : i32
      %dma_wait3A_1276 = tpu.memref_slice %arg4[%add3A_276, %dma_wait3A_1274, %dma_wait3A_1275] : memref<16384x20x64xf32, #tpu.memory_space<hbm>> -> memref<1x20x64xf32, #tpu.memory_space<hbm>>
      %dma_wait3A_1277 = tpu.memref_squeeze %dma_wait3A_1276 : memref<1x20x64xf32, #tpu.memory_space<hbm>> -> memref<20x64xf32, #tpu.memory_space<hbm>>
      %dma_wait3A_1278 = arith.constant 320 : i32
      %dma_wait3A_1279 = arith.constant 0 : i32
      %dma_wait3A_1280 = tpu.memref_slice %arg6[%dma_wait3A_1278, %dma_wait3A_1279] : memref<1280x64xf32, #tpu.memory_space<vmem>> -> memref<20x64xf32, #tpu.memory_space<vmem>>
      tpu.wait_dma2 semaphore(%arg7 : memref<!tpu.dma_semaphore, #tpu.memory_space<semaphore_mem>>) src(%dma_wait3A_1280 : memref<20x64xf32, #tpu.memory_space<vmem>>) dst(%dma_wait3A_1277 : memref<20x64xf32, #tpu.memory_space<hbm>>)
      %dma_wait3A_1281 = arith.constant 340 : i32
      %dma_wait3A_1282 = arith.constant 0 : i32
      %dma_wait3A_1283 = tpu.memref_slice %arg6[%dma_wait3A_1281, %dma_wait3A_1282] : memref<1280x64xf32, #tpu.memory_space<vmem>> -> memref<20x64xf32, #tpu.memory_space<vmem>>
      %dma_wait3A_1284 = arith.constant 0 : i32
      %dma_wait3A_1285 = arith.constant 0 : i32
      %dma_wait3A_1286 = tpu.memref_slice %arg4[%add3A_292, %dma_wait3A_1284, %dma_wait3A_1285] : memref<16384x20x64xf32, #tpu.memory_space<hbm>> -> memref<1x20x64xf32, #tpu.memory_space<hbm>>
      %dma_wait3A_1287 = tpu.memref_squeeze %dma_wait3A_1286 : memref<1x20x64xf32, #tpu.memory_space<hbm>> -> memref<20x64xf32, #tpu.memory_space<hbm>>
      %dma_wait3A_1288 = arith.constant 0 : i32
      %dma_wait3A_1289 = arith.constant 0 : i32
      %dma_wait3A_1290 = tpu.memref_slice %arg4[%add3A_292, %dma_wait3A_1288, %dma_wait3A_1289] : memref<16384x20x64xf32, #tpu.memory_space<hbm>> -> memref<1x20x64xf32, #tpu.memory_space<hbm>>
      %dma_wait3A_1291 = tpu.memref_squeeze %dma_wait3A_1290 : memref<1x20x64xf32, #tpu.memory_space<hbm>> -> memref<20x64xf32, #tpu.memory_space<hbm>>
      %dma_wait3A_1292 = arith.constant 340 : i32
      %dma_wait3A_1293 = arith.constant 0 : i32
      %dma_wait3A_1294 = tpu.memref_slice %arg6[%dma_wait3A_1292, %dma_wait3A_1293] : memref<1280x64xf32, #tpu.memory_space<vmem>> -> memref<20x64xf32, #tpu.memory_space<vmem>>
      tpu.wait_dma2 semaphore(%arg7 : memref<!tpu.dma_semaphore, #tpu.memory_space<semaphore_mem>>) src(%dma_wait3A_1294 : memref<20x64xf32, #tpu.memory_space<vmem>>) dst(%dma_wait3A_1291 : memref<20x64xf32, #tpu.memory_space<hbm>>)
      %dma_wait3A_1295 = arith.constant 360 : i32
      %dma_wait3A_1296 = arith.constant 0 : i32
      %dma_wait3A_1297 = tpu.memref_slice %arg6[%dma_wait3A_1295, %dma_wait3A_1296] : memref<1280x64xf32, #tpu.memory_space<vmem>> -> memref<20x64xf32, #tpu.memory_space<vmem>>
      %dma_wait3A_1298 = arith.constant 0 : i32
      %dma_wait3A_1299 = arith.constant 0 : i32
      %dma_wait3A_1300 = tpu.memref_slice %arg4[%add3A_308, %dma_wait3A_1298, %dma_wait3A_1299] : memref<16384x20x64xf32, #tpu.memory_space<hbm>> -> memref<1x20x64xf32, #tpu.memory_space<hbm>>
      %dma_wait3A_1301 = tpu.memref_squeeze %dma_wait3A_1300 : memref<1x20x64xf32, #tpu.memory_space<hbm>> -> memref<20x64xf32, #tpu.memory_space<hbm>>
      %dma_wait3A_1302 = arith.constant 0 : i32
      %dma_wait3A_1303 = arith.constant 0 : i32
      %dma_wait3A_1304 = tpu.memref_slice %arg4[%add3A_308, %dma_wait3A_1302, %dma_wait3A_1303] : memref<16384x20x64xf32, #tpu.memory_space<hbm>> -> memref<1x20x64xf32, #tpu.memory_space<hbm>>
      %dma_wait3A_1305 = tpu.memref_squeeze %dma_wait3A_1304 : memref<1x20x64xf32, #tpu.memory_space<hbm>> -> memref<20x64xf32, #tpu.memory_space<hbm>>
      %dma_wait3A_1306 = arith.constant 360 : i32
      %dma_wait3A_1307 = arith.constant 0 : i32
      %dma_wait3A_1308 = tpu.memref_slice %arg6[%dma_wait3A_1306, %dma_wait3A_1307] : memref<1280x64xf32, #tpu.memory_space<vmem>> -> memref<20x64xf32, #tpu.memory_space<vmem>>
      tpu.wait_dma2 semaphore(%arg7 : memref<!tpu.dma_semaphore, #tpu.memory_space<semaphore_mem>>) src(%dma_wait3A_1308 : memref<20x64xf32, #tpu.memory_space<vmem>>) dst(%dma_wait3A_1305 : memref<20x64xf32, #tpu.memory_space<hbm>>)
      %dma_wait3A_1309 = arith.constant 380 : i32
      %dma_wait3A_1310 = arith.constant 0 : i32
      %dma_wait3A_1311 = tpu.memref_slice %arg6[%dma_wait3A_1309, %dma_wait3A_1310] : memref<1280x64xf32, #tpu.memory_space<vmem>> -> memref<20x64xf32, #tpu.memory_space<vmem>>
      %dma_wait3A_1312 = arith.constant 0 : i32
      %dma_wait3A_1313 = arith.constant 0 : i32
      %dma_wait3A_1314 = tpu.memref_slice %arg4[%add3A_324, %dma_wait3A_1312, %dma_wait3A_1313] : memref<16384x20x64xf32, #tpu.memory_space<hbm>> -> memref<1x20x64xf32, #tpu.memory_space<hbm>>
      %dma_wait3A_1315 = tpu.memref_squeeze %dma_wait3A_1314 : memref<1x20x64xf32, #tpu.memory_space<hbm>> -> memref<20x64xf32, #tpu.memory_space<hbm>>
      %dma_wait3A_1316 = arith.constant 0 : i32
      %dma_wait3A_1317 = arith.constant 0 : i32
      %dma_wait3A_1318 = tpu.memref_slice %arg4[%add3A_324, %dma_wait3A_1316, %dma_wait3A_1317] : memref<16384x20x64xf32, #tpu.memory_space<hbm>> -> memref<1x20x64xf32, #tpu.memory_space<hbm>>
      %dma_wait3A_1319 = tpu.memref_squeeze %dma_wait3A_1318 : memref<1x20x64xf32, #tpu.memory_space<hbm>> -> memref<20x64xf32, #tpu.memory_space<hbm>>
      %dma_wait3A_1320 = arith.constant 380 : i32
      %dma_wait3A_1321 = arith.constant 0 : i32
      %dma_wait3A_1322 = tpu.memref_slice %arg6[%dma_wait3A_1320, %dma_wait3A_1321] : memref<1280x64xf32, #tpu.memory_space<vmem>> -> memref<20x64xf32, #tpu.memory_space<vmem>>
      tpu.wait_dma2 semaphore(%arg7 : memref<!tpu.dma_semaphore, #tpu.memory_space<semaphore_mem>>) src(%dma_wait3A_1322 : memref<20x64xf32, #tpu.memory_space<vmem>>) dst(%dma_wait3A_1319 : memref<20x64xf32, #tpu.memory_space<hbm>>)
      %dma_wait3A_1323 = arith.constant 400 : i32
      %dma_wait3A_1324 = arith.constant 0 : i32
      %dma_wait3A_1325 = tpu.memref_slice %arg6[%dma_wait3A_1323, %dma_wait3A_1324] : memref<1280x64xf32, #tpu.memory_space<vmem>> -> memref<20x64xf32, #tpu.memory_space<vmem>>
      %dma_wait3A_1326 = arith.constant 0 : i32
      %dma_wait3A_1327 = arith.constant 0 : i32
      %dma_wait3A_1328 = tpu.memref_slice %arg4[%add3A_340, %dma_wait3A_1326, %dma_wait3A_1327] : memref<16384x20x64xf32, #tpu.memory_space<hbm>> -> memref<1x20x64xf32, #tpu.memory_space<hbm>>
      %dma_wait3A_1329 = tpu.memref_squeeze %dma_wait3A_1328 : memref<1x20x64xf32, #tpu.memory_space<hbm>> -> memref<20x64xf32, #tpu.memory_space<hbm>>
      %dma_wait3A_1330 = arith.constant 0 : i32
      %dma_wait3A_1331 = arith.constant 0 : i32
      %dma_wait3A_1332 = tpu.memref_slice %arg4[%add3A_340, %dma_wait3A_1330, %dma_wait3A_1331] : memref<16384x20x64xf32, #tpu.memory_space<hbm>> -> memref<1x20x64xf32, #tpu.memory_space<hbm>>
      %dma_wait3A_1333 = tpu.memref_squeeze %dma_wait3A_1332 : memref<1x20x64xf32, #tpu.memory_space<hbm>> -> memref<20x64xf32, #tpu.memory_space<hbm>>
      %dma_wait3A_1334 = arith.constant 400 : i32
      %dma_wait3A_1335 = arith.constant 0 : i32
      %dma_wait3A_1336 = tpu.memref_slice %arg6[%dma_wait3A_1334, %dma_wait3A_1335] : memref<1280x64xf32, #tpu.memory_space<vmem>> -> memref<20x64xf32, #tpu.memory_space<vmem>>
      tpu.wait_dma2 semaphore(%arg7 : memref<!tpu.dma_semaphore, #tpu.memory_space<semaphore_mem>>) src(%dma_wait3A_1336 : memref<20x64xf32, #tpu.memory_space<vmem>>) dst(%dma_wait3A_1333 : memref<20x64xf32, #tpu.memory_space<hbm>>)
      %dma_wait3A_1337 = arith.constant 420 : i32
      %dma_wait3A_1338 = arith.constant 0 : i32
      %dma_wait3A_1339 = tpu.memref_slice %arg6[%dma_wait3A_1337, %dma_wait3A_1338] : memref<1280x64xf32, #tpu.memory_space<vmem>> -> memref<20x64xf32, #tpu.memory_space<vmem>>
      %dma_wait3A_1340 = arith.constant 0 : i32
      %dma_wait3A_1341 = arith.constant 0 : i32
      %dma_wait3A_1342 = tpu.memref_slice %arg4[%add3A_356, %dma_wait3A_1340, %dma_wait3A_1341] : memref<16384x20x64xf32, #tpu.memory_space<hbm>> -> memref<1x20x64xf32, #tpu.memory_space<hbm>>
      %dma_wait3A_1343 = tpu.memref_squeeze %dma_wait3A_1342 : memref<1x20x64xf32, #tpu.memory_space<hbm>> -> memref<20x64xf32, #tpu.memory_space<hbm>>
      %dma_wait3A_1344 = arith.constant 0 : i32
      %dma_wait3A_1345 = arith.constant 0 : i32
      %dma_wait3A_1346 = tpu.memref_slice %arg4[%add3A_356, %dma_wait3A_1344, %dma_wait3A_1345] : memref<16384x20x64xf32, #tpu.memory_space<hbm>> -> memref<1x20x64xf32, #tpu.memory_space<hbm>>
      %dma_wait3A_1347 = tpu.memref_squeeze %dma_wait3A_1346 : memref<1x20x64xf32, #tpu.memory_space<hbm>> -> memref<20x64xf32, #tpu.memory_space<hbm>>
      %dma_wait3A_1348 = arith.constant 420 : i32
      %dma_wait3A_1349 = arith.constant 0 : i32
      %dma_wait3A_1350 = tpu.memref_slice %arg6[%dma_wait3A_1348, %dma_wait3A_1349] : memref<1280x64xf32, #tpu.memory_space<vmem>> -> memref<20x64xf32, #tpu.memory_space<vmem>>
      tpu.wait_dma2 semaphore(%arg7 : memref<!tpu.dma_semaphore, #tpu.memory_space<semaphore_mem>>) src(%dma_wait3A_1350 : memref<20x64xf32, #tpu.memory_space<vmem>>) dst(%dma_wait3A_1347 : memref<20x64xf32, #tpu.memory_space<hbm>>)
      %dma_wait3A_1351 = arith.constant 440 : i32
      %dma_wait3A_1352 = arith.constant 0 : i32
      %dma_wait3A_1353 = tpu.memref_slice %arg6[%dma_wait3A_1351, %dma_wait3A_1352] : memref<1280x64xf32, #tpu.memory_space<vmem>> -> memref<20x64xf32, #tpu.memory_space<vmem>>
      %dma_wait3A_1354 = arith.constant 0 : i32
      %dma_wait3A_1355 = arith.constant 0 : i32
      %dma_wait3A_1356 = tpu.memref_slice %arg4[%add3A_372, %dma_wait3A_1354, %dma_wait3A_1355] : memref<16384x20x64xf32, #tpu.memory_space<hbm>> -> memref<1x20x64xf32, #tpu.memory_space<hbm>>
      %dma_wait3A_1357 = tpu.memref_squeeze %dma_wait3A_1356 : memref<1x20x64xf32, #tpu.memory_space<hbm>> -> memref<20x64xf32, #tpu.memory_space<hbm>>
      %dma_wait3A_1358 = arith.constant 0 : i32
      %dma_wait3A_1359 = arith.constant 0 : i32
      %dma_wait3A_1360 = tpu.memref_slice %arg4[%add3A_372, %dma_wait3A_1358, %dma_wait3A_1359] : memref<16384x20x64xf32, #tpu.memory_space<hbm>> -> memref<1x20x64xf32, #tpu.memory_space<hbm>>
      %dma_wait3A_1361 = tpu.memref_squeeze %dma_wait3A_1360 : memref<1x20x64xf32, #tpu.memory_space<hbm>> -> memref<20x64xf32, #tpu.memory_space<hbm>>
      %dma_wait3A_1362 = arith.constant 440 : i32
      %dma_wait3A_1363 = arith.constant 0 : i32
      %dma_wait3A_1364 = tpu.memref_slice %arg6[%dma_wait3A_1362, %dma_wait3A_1363] : memref<1280x64xf32, #tpu.memory_space<vmem>> -> memref<20x64xf32, #tpu.memory_space<vmem>>
      tpu.wait_dma2 semaphore(%arg7 : memref<!tpu.dma_semaphore, #tpu.memory_space<semaphore_mem>>) src(%dma_wait3A_1364 : memref<20x64xf32, #tpu.memory_space<vmem>>) dst(%dma_wait3A_1361 : memref<20x64xf32, #tpu.memory_space<hbm>>)
      %dma_wait3A_1365 = arith.constant 460 : i32
      %dma_wait3A_1366 = arith.constant 0 : i32
      %dma_wait3A_1367 = tpu.memref_slice %arg6[%dma_wait3A_1365, %dma_wait3A_1366] : memref<1280x64xf32, #tpu.memory_space<vmem>> -> memref<20x64xf32, #tpu.memory_space<vmem>>
      %dma_wait3A_1368 = arith.constant 0 : i32
      %dma_wait3A_1369 = arith.constant 0 : i32
      %dma_wait3A_1370 = tpu.memref_slice %arg4[%add3A_388, %dma_wait3A_1368, %dma_wait3A_1369] : memref<16384x20x64xf32, #tpu.memory_space<hbm>> -> memref<1x20x64xf32, #tpu.memory_space<hbm>>
      %dma_wait3A_1371 = tpu.memref_squeeze %dma_wait3A_1370 : memref<1x20x64xf32, #tpu.memory_space<hbm>> -> memref<20x64xf32, #tpu.memory_space<hbm>>
      %dma_wait3A_1372 = arith.constant 0 : i32
      %dma_wait3A_1373 = arith.constant 0 : i32
      %dma_wait3A_1374 = tpu.memref_slice %arg4[%add3A_388, %dma_wait3A_1372, %dma_wait3A_1373] : memref<16384x20x64xf32, #tpu.memory_space<hbm>> -> memref<1x20x64xf32, #tpu.memory_space<hbm>>
      %dma_wait3A_1375 = tpu.memref_squeeze %dma_wait3A_1374 : memref<1x20x64xf32, #tpu.memory_space<hbm>> -> memref<20x64xf32, #tpu.memory_space<hbm>>
      %dma_wait3A_1376 = arith.constant 460 : i32
      %dma_wait3A_1377 = arith.constant 0 : i32
      %dma_wait3A_1378 = tpu.memref_slice %arg6[%dma_wait3A_1376, %dma_wait3A_1377] : memref<1280x64xf32, #tpu.memory_space<vmem>> -> memref<20x64xf32, #tpu.memory_space<vmem>>
      tpu.wait_dma2 semaphore(%arg7 : memref<!tpu.dma_semaphore, #tpu.memory_space<semaphore_mem>>) src(%dma_wait3A_1378 : memref<20x64xf32, #tpu.memory_space<vmem>>) dst(%dma_wait3A_1375 : memref<20x64xf32, #tpu.memory_space<hbm>>)
      %dma_wait3A_1379 = arith.constant 480 : i32
      %dma_wait3A_1380 = arith.constant 0 : i32
      %dma_wait3A_1381 = tpu.memref_slice %arg6[%dma_wait3A_1379, %dma_wait3A_1380] : memref<1280x64xf32, #tpu.memory_space<vmem>> -> memref<20x64xf32, #tpu.memory_space<vmem>>
      %dma_wait3A_1382 = arith.constant 0 : i32
      %dma_wait3A_1383 = arith.constant 0 : i32
      %dma_wait3A_1384 = tpu.memref_slice %arg4[%add3A_404, %dma_wait3A_1382, %dma_wait3A_1383] : memref<16384x20x64xf32, #tpu.memory_space<hbm>> -> memref<1x20x64xf32, #tpu.memory_space<hbm>>
      %dma_wait3A_1385 = tpu.memref_squeeze %dma_wait3A_1384 : memref<1x20x64xf32, #tpu.memory_space<hbm>> -> memref<20x64xf32, #tpu.memory_space<hbm>>
      %dma_wait3A_1386 = arith.constant 0 : i32
      %dma_wait3A_1387 = arith.constant 0 : i32
      %dma_wait3A_1388 = tpu.memref_slice %arg4[%add3A_404, %dma_wait3A_1386, %dma_wait3A_1387] : memref<16384x20x64xf32, #tpu.memory_space<hbm>> -> memref<1x20x64xf32, #tpu.memory_space<hbm>>
      %dma_wait3A_1389 = tpu.memref_squeeze %dma_wait3A_1388 : memref<1x20x64xf32, #tpu.memory_space<hbm>> -> memref<20x64xf32, #tpu.memory_space<hbm>>
      %dma_wait3A_1390 = arith.constant 480 : i32
      %dma_wait3A_1391 = arith.constant 0 : i32
      %dma_wait3A_1392 = tpu.memref_slice %arg6[%dma_wait3A_1390, %dma_wait3A_1391] : memref<1280x64xf32, #tpu.memory_space<vmem>> -> memref<20x64xf32, #tpu.memory_space<vmem>>
      tpu.wait_dma2 semaphore(%arg7 : memref<!tpu.dma_semaphore, #tpu.memory_space<semaphore_mem>>) src(%dma_wait3A_1392 : memref<20x64xf32, #tpu.memory_space<vmem>>) dst(%dma_wait3A_1389 : memref<20x64xf32, #tpu.memory_space<hbm>>)
      %dma_wait3A_1393 = arith.constant 500 : i32
      %dma_wait3A_1394 = arith.constant 0 : i32
      %dma_wait3A_1395 = tpu.memref_slice %arg6[%dma_wait3A_1393, %dma_wait3A_1394] : memref<1280x64xf32, #tpu.memory_space<vmem>> -> memref<20x64xf32, #tpu.memory_space<vmem>>
      %dma_wait3A_1396 = arith.constant 0 : i32
      %dma_wait3A_1397 = arith.constant 0 : i32
      %dma_wait3A_1398 = tpu.memref_slice %arg4[%add3A_420, %dma_wait3A_1396, %dma_wait3A_1397] : memref<16384x20x64xf32, #tpu.memory_space<hbm>> -> memref<1x20x64xf32, #tpu.memory_space<hbm>>
      %dma_wait3A_1399 = tpu.memref_squeeze %dma_wait3A_1398 : memref<1x20x64xf32, #tpu.memory_space<hbm>> -> memref<20x64xf32, #tpu.memory_space<hbm>>
      %dma_wait3A_1400 = arith.constant 0 : i32
      %dma_wait3A_1401 = arith.constant 0 : i32
      %dma_wait3A_1402 = tpu.memref_slice %arg4[%add3A_420, %dma_wait3A_1400, %dma_wait3A_1401] : memref<16384x20x64xf32, #tpu.memory_space<hbm>> -> memref<1x20x64xf32, #tpu.memory_space<hbm>>
      %dma_wait3A_1403 = tpu.memref_squeeze %dma_wait3A_1402 : memref<1x20x64xf32, #tpu.memory_space<hbm>> -> memref<20x64xf32, #tpu.memory_space<hbm>>
      %dma_wait3A_1404 = arith.constant 500 : i32
      %dma_wait3A_1405 = arith.constant 0 : i32
      %dma_wait3A_1406 = tpu.memref_slice %arg6[%dma_wait3A_1404, %dma_wait3A_1405] : memref<1280x64xf32, #tpu.memory_space<vmem>> -> memref<20x64xf32, #tpu.memory_space<vmem>>
      tpu.wait_dma2 semaphore(%arg7 : memref<!tpu.dma_semaphore, #tpu.memory_space<semaphore_mem>>) src(%dma_wait3A_1406 : memref<20x64xf32, #tpu.memory_space<vmem>>) dst(%dma_wait3A_1403 : memref<20x64xf32, #tpu.memory_space<hbm>>)
      %dma_wait3A_1407 = arith.constant 520 : i32
      %dma_wait3A_1408 = arith.constant 0 : i32
      %dma_wait3A_1409 = tpu.memref_slice %arg6[%dma_wait3A_1407, %dma_wait3A_1408] : memref<1280x64xf32, #tpu.memory_space<vmem>> -> memref<20x64xf32, #tpu.memory_space<vmem>>
      %dma_wait3A_1410 = arith.constant 0 : i32
      %dma_wait3A_1411 = arith.constant 0 : i32
      %dma_wait3A_1412 = tpu.memref_slice %arg4[%add3A_436, %dma_wait3A_1410, %dma_wait3A_1411] : memref<16384x20x64xf32, #tpu.memory_space<hbm>> -> memref<1x20x64xf32, #tpu.memory_space<hbm>>
      %dma_wait3A_1413 = tpu.memref_squeeze %dma_wait3A_1412 : memref<1x20x64xf32, #tpu.memory_space<hbm>> -> memref<20x64xf32, #tpu.memory_space<hbm>>
      %dma_wait3A_1414 = arith.constant 0 : i32
      %dma_wait3A_1415 = arith.constant 0 : i32
      %dma_wait3A_1416 = tpu.memref_slice %arg4[%add3A_436, %dma_wait3A_1414, %dma_wait3A_1415] : memref<16384x20x64xf32, #tpu.memory_space<hbm>> -> memref<1x20x64xf32, #tpu.memory_space<hbm>>
      %dma_wait3A_1417 = tpu.memref_squeeze %dma_wait3A_1416 : memref<1x20x64xf32, #tpu.memory_space<hbm>> -> memref<20x64xf32, #tpu.memory_space<hbm>>
      %dma_wait3A_1418 = arith.constant 520 : i32
      %dma_wait3A_1419 = arith.constant 0 : i32
      %dma_wait3A_1420 = tpu.memref_slice %arg6[%dma_wait3A_1418, %dma_wait3A_1419] : memref<1280x64xf32, #tpu.memory_space<vmem>> -> memref<20x64xf32, #tpu.memory_space<vmem>>
      tpu.wait_dma2 semaphore(%arg7 : memref<!tpu.dma_semaphore, #tpu.memory_space<semaphore_mem>>) src(%dma_wait3A_1420 : memref<20x64xf32, #tpu.memory_space<vmem>>) dst(%dma_wait3A_1417 : memref<20x64xf32, #tpu.memory_space<hbm>>)
      %dma_wait3A_1421 = arith.constant 540 : i32
      %dma_wait3A_1422 = arith.constant 0 : i32
      %dma_wait3A_1423 = tpu.memref_slice %arg6[%dma_wait3A_1421, %dma_wait3A_1422] : memref<1280x64xf32, #tpu.memory_space<vmem>> -> memref<20x64xf32, #tpu.memory_space<vmem>>
      %dma_wait3A_1424 = arith.constant 0 : i32
      %dma_wait3A_1425 = arith.constant 0 : i32
      %dma_wait3A_1426 = tpu.memref_slice %arg4[%add3A_452, %dma_wait3A_1424, %dma_wait3A_1425] : memref<16384x20x64xf32, #tpu.memory_space<hbm>> -> memref<1x20x64xf32, #tpu.memory_space<hbm>>
      %dma_wait3A_1427 = tpu.memref_squeeze %dma_wait3A_1426 : memref<1x20x64xf32, #tpu.memory_space<hbm>> -> memref<20x64xf32, #tpu.memory_space<hbm>>
      %dma_wait3A_1428 = arith.constant 0 : i32
      %dma_wait3A_1429 = arith.constant 0 : i32
      %dma_wait3A_1430 = tpu.memref_slice %arg4[%add3A_452, %dma_wait3A_1428, %dma_wait3A_1429] : memref<16384x20x64xf32, #tpu.memory_space<hbm>> -> memref<1x20x64xf32, #tpu.memory_space<hbm>>
      %dma_wait3A_1431 = tpu.memref_squeeze %dma_wait3A_1430 : memref<1x20x64xf32, #tpu.memory_space<hbm>> -> memref<20x64xf32, #tpu.memory_space<hbm>>
      %dma_wait3A_1432 = arith.constant 540 : i32
      %dma_wait3A_1433 = arith.constant 0 : i32
      %dma_wait3A_1434 = tpu.memref_slice %arg6[%dma_wait3A_1432, %dma_wait3A_1433] : memref<1280x64xf32, #tpu.memory_space<vmem>> -> memref<20x64xf32, #tpu.memory_space<vmem>>
      tpu.wait_dma2 semaphore(%arg7 : memref<!tpu.dma_semaphore, #tpu.memory_space<semaphore_mem>>) src(%dma_wait3A_1434 : memref<20x64xf32, #tpu.memory_space<vmem>>) dst(%dma_wait3A_1431 : memref<20x64xf32, #tpu.memory_space<hbm>>)
      %dma_wait3A_1435 = arith.constant 560 : i32
      %dma_wait3A_1436 = arith.constant 0 : i32
      %dma_wait3A_1437 = tpu.memref_slice %arg6[%dma_wait3A_1435, %dma_wait3A_1436] : memref<1280x64xf32, #tpu.memory_space<vmem>> -> memref<20x64xf32, #tpu.memory_space<vmem>>
      %dma_wait3A_1438 = arith.constant 0 : i32
      %dma_wait3A_1439 = arith.constant 0 : i32
      %dma_wait3A_1440 = tpu.memref_slice %arg4[%add3A_468, %dma_wait3A_1438, %dma_wait3A_1439] : memref<16384x20x64xf32, #tpu.memory_space<hbm>> -> memref<1x20x64xf32, #tpu.memory_space<hbm>>
      %dma_wait3A_1441 = tpu.memref_squeeze %dma_wait3A_1440 : memref<1x20x64xf32, #tpu.memory_space<hbm>> -> memref<20x64xf32, #tpu.memory_space<hbm>>
      %dma_wait3A_1442 = arith.constant 0 : i32
      %dma_wait3A_1443 = arith.constant 0 : i32
      %dma_wait3A_1444 = tpu.memref_slice %arg4[%add3A_468, %dma_wait3A_1442, %dma_wait3A_1443] : memref<16384x20x64xf32, #tpu.memory_space<hbm>> -> memref<1x20x64xf32, #tpu.memory_space<hbm>>
      %dma_wait3A_1445 = tpu.memref_squeeze %dma_wait3A_1444 : memref<1x20x64xf32, #tpu.memory_space<hbm>> -> memref<20x64xf32, #tpu.memory_space<hbm>>
      %dma_wait3A_1446 = arith.constant 560 : i32
      %dma_wait3A_1447 = arith.constant 0 : i32
      %dma_wait3A_1448 = tpu.memref_slice %arg6[%dma_wait3A_1446, %dma_wait3A_1447] : memref<1280x64xf32, #tpu.memory_space<vmem>> -> memref<20x64xf32, #tpu.memory_space<vmem>>
      tpu.wait_dma2 semaphore(%arg7 : memref<!tpu.dma_semaphore, #tpu.memory_space<semaphore_mem>>) src(%dma_wait3A_1448 : memref<20x64xf32, #tpu.memory_space<vmem>>) dst(%dma_wait3A_1445 : memref<20x64xf32, #tpu.memory_space<hbm>>)
      %dma_wait3A_1449 = arith.constant 580 : i32
      %dma_wait3A_1450 = arith.constant 0 : i32
      %dma_wait3A_1451 = tpu.memref_slice %arg6[%dma_wait3A_1449, %dma_wait3A_1450] : memref<1280x64xf32, #tpu.memory_space<vmem>> -> memref<20x64xf32, #tpu.memory_space<vmem>>
      %dma_wait3A_1452 = arith.constant 0 : i32
      %dma_wait3A_1453 = arith.constant 0 : i32
      %dma_wait3A_1454 = tpu.memref_slice %arg4[%add3A_484, %dma_wait3A_1452, %dma_wait3A_1453] : memref<16384x20x64xf32, #tpu.memory_space<hbm>> -> memref<1x20x64xf32, #tpu.memory_space<hbm>>
      %dma_wait3A_1455 = tpu.memref_squeeze %dma_wait3A_1454 : memref<1x20x64xf32, #tpu.memory_space<hbm>> -> memref<20x64xf32, #tpu.memory_space<hbm>>
      %dma_wait3A_1456 = arith.constant 0 : i32
      %dma_wait3A_1457 = arith.constant 0 : i32
      %dma_wait3A_1458 = tpu.memref_slice %arg4[%add3A_484, %dma_wait3A_1456, %dma_wait3A_1457] : memref<16384x20x64xf32, #tpu.memory_space<hbm>> -> memref<1x20x64xf32, #tpu.memory_space<hbm>>
      %dma_wait3A_1459 = tpu.memref_squeeze %dma_wait3A_1458 : memref<1x20x64xf32, #tpu.memory_space<hbm>> -> memref<20x64xf32, #tpu.memory_space<hbm>>
      %dma_wait3A_1460 = arith.constant 580 : i32
      %dma_wait3A_1461 = arith.constant 0 : i32
      %dma_wait3A_1462 = tpu.memref_slice %arg6[%dma_wait3A_1460, %dma_wait3A_1461] : memref<1280x64xf32, #tpu.memory_space<vmem>> -> memref<20x64xf32, #tpu.memory_space<vmem>>
      tpu.wait_dma2 semaphore(%arg7 : memref<!tpu.dma_semaphore, #tpu.memory_space<semaphore_mem>>) src(%dma_wait3A_1462 : memref<20x64xf32, #tpu.memory_space<vmem>>) dst(%dma_wait3A_1459 : memref<20x64xf32, #tpu.memory_space<hbm>>)
      %dma_wait3A_1463 = arith.constant 600 : i32
      %dma_wait3A_1464 = arith.constant 0 : i32
      %dma_wait3A_1465 = tpu.memref_slice %arg6[%dma_wait3A_1463, %dma_wait3A_1464] : memref<1280x64xf32, #tpu.memory_space<vmem>> -> memref<20x64xf32, #tpu.memory_space<vmem>>
      %dma_wait3A_1466 = arith.constant 0 : i32
      %dma_wait3A_1467 = arith.constant 0 : i32
      %dma_wait3A_1468 = tpu.memref_slice %arg4[%add3A_500, %dma_wait3A_1466, %dma_wait3A_1467] : memref<16384x20x64xf32, #tpu.memory_space<hbm>> -> memref<1x20x64xf32, #tpu.memory_space<hbm>>
      %dma_wait3A_1469 = tpu.memref_squeeze %dma_wait3A_1468 : memref<1x20x64xf32, #tpu.memory_space<hbm>> -> memref<20x64xf32, #tpu.memory_space<hbm>>
      %dma_wait3A_1470 = arith.constant 0 : i32
      %dma_wait3A_1471 = arith.constant 0 : i32
      %dma_wait3A_1472 = tpu.memref_slice %arg4[%add3A_500, %dma_wait3A_1470, %dma_wait3A_1471] : memref<16384x20x64xf32, #tpu.memory_space<hbm>> -> memref<1x20x64xf32, #tpu.memory_space<hbm>>
      %dma_wait3A_1473 = tpu.memref_squeeze %dma_wait3A_1472 : memref<1x20x64xf32, #tpu.memory_space<hbm>> -> memref<20x64xf32, #tpu.memory_space<hbm>>
      %dma_wait3A_1474 = arith.constant 600 : i32
      %dma_wait3A_1475 = arith.constant 0 : i32
      %dma_wait3A_1476 = tpu.memref_slice %arg6[%dma_wait3A_1474, %dma_wait3A_1475] : memref<1280x64xf32, #tpu.memory_space<vmem>> -> memref<20x64xf32, #tpu.memory_space<vmem>>
      tpu.wait_dma2 semaphore(%arg7 : memref<!tpu.dma_semaphore, #tpu.memory_space<semaphore_mem>>) src(%dma_wait3A_1476 : memref<20x64xf32, #tpu.memory_space<vmem>>) dst(%dma_wait3A_1473 : memref<20x64xf32, #tpu.memory_space<hbm>>)
      %dma_wait3A_1477 = arith.constant 620 : i32
      %dma_wait3A_1478 = arith.constant 0 : i32
      %dma_wait3A_1479 = tpu.memref_slice %arg6[%dma_wait3A_1477, %dma_wait3A_1478] : memref<1280x64xf32, #tpu.memory_space<vmem>> -> memref<20x64xf32, #tpu.memory_space<vmem>>
      %dma_wait3A_1480 = arith.constant 0 : i32
      %dma_wait3A_1481 = arith.constant 0 : i32
      %dma_wait3A_1482 = tpu.memref_slice %arg4[%add3A_516, %dma_wait3A_1480, %dma_wait3A_1481] : memref<16384x20x64xf32, #tpu.memory_space<hbm>> -> memref<1x20x64xf32, #tpu.memory_space<hbm>>
      %dma_wait3A_1483 = tpu.memref_squeeze %dma_wait3A_1482 : memref<1x20x64xf32, #tpu.memory_space<hbm>> -> memref<20x64xf32, #tpu.memory_space<hbm>>
      %dma_wait3A_1484 = arith.constant 0 : i32
      %dma_wait3A_1485 = arith.constant 0 : i32
      %dma_wait3A_1486 = tpu.memref_slice %arg4[%add3A_516, %dma_wait3A_1484, %dma_wait3A_1485] : memref<16384x20x64xf32, #tpu.memory_space<hbm>> -> memref<1x20x64xf32, #tpu.memory_space<hbm>>
      %dma_wait3A_1487 = tpu.memref_squeeze %dma_wait3A_1486 : memref<1x20x64xf32, #tpu.memory_space<hbm>> -> memref<20x64xf32, #tpu.memory_space<hbm>>
      %dma_wait3A_1488 = arith.constant 620 : i32
      %dma_wait3A_1489 = arith.constant 0 : i32
      %dma_wait3A_1490 = tpu.memref_slice %arg6[%dma_wait3A_1488, %dma_wait3A_1489] : memref<1280x64xf32, #tpu.memory_space<vmem>> -> memref<20x64xf32, #tpu.memory_space<vmem>>
      tpu.wait_dma2 semaphore(%arg7 : memref<!tpu.dma_semaphore, #tpu.memory_space<semaphore_mem>>) src(%dma_wait3A_1490 : memref<20x64xf32, #tpu.memory_space<vmem>>) dst(%dma_wait3A_1487 : memref<20x64xf32, #tpu.memory_space<hbm>>)
      %dma_wait3A_1491 = arith.constant 640 : i32
      %dma_wait3A_1492 = arith.constant 0 : i32
      %dma_wait3A_1493 = tpu.memref_slice %arg6[%dma_wait3A_1491, %dma_wait3A_1492] : memref<1280x64xf32, #tpu.memory_space<vmem>> -> memref<20x64xf32, #tpu.memory_space<vmem>>
      %dma_wait3A_1494 = arith.constant 0 : i32
      %dma_wait3A_1495 = arith.constant 0 : i32
      %dma_wait3A_1496 = tpu.memref_slice %arg4[%add3A_532, %dma_wait3A_1494, %dma_wait3A_1495] : memref<16384x20x64xf32, #tpu.memory_space<hbm>> -> memref<1x20x64xf32, #tpu.memory_space<hbm>>
      %dma_wait3A_1497 = tpu.memref_squeeze %dma_wait3A_1496 : memref<1x20x64xf32, #tpu.memory_space<hbm>> -> memref<20x64xf32, #tpu.memory_space<hbm>>
      %dma_wait3A_1498 = arith.constant 0 : i32
      %dma_wait3A_1499 = arith.constant 0 : i32
      %dma_wait3A_1500 = tpu.memref_slice %arg4[%add3A_532, %dma_wait3A_1498, %dma_wait3A_1499] : memref<16384x20x64xf32, #tpu.memory_space<hbm>> -> memref<1x20x64xf32, #tpu.memory_space<hbm>>
      %dma_wait3A_1501 = tpu.memref_squeeze %dma_wait3A_1500 : memref<1x20x64xf32, #tpu.memory_space<hbm>> -> memref<20x64xf32, #tpu.memory_space<hbm>>
      %dma_wait3A_1502 = arith.constant 640 : i32
      %dma_wait3A_1503 = arith.constant 0 : i32
      %dma_wait3A_1504 = tpu.memref_slice %arg6[%dma_wait3A_1502, %dma_wait3A_1503] : memref<1280x64xf32, #tpu.memory_space<vmem>> -> memref<20x64xf32, #tpu.memory_space<vmem>>
      tpu.wait_dma2 semaphore(%arg7 : memref<!tpu.dma_semaphore, #tpu.memory_space<semaphore_mem>>) src(%dma_wait3A_1504 : memref<20x64xf32, #tpu.memory_space<vmem>>) dst(%dma_wait3A_1501 : memref<20x64xf32, #tpu.memory_space<hbm>>)
      %dma_wait3A_1505 = arith.constant 660 : i32
      %dma_wait3A_1506 = arith.constant 0 : i32
      %dma_wait3A_1507 = tpu.memref_slice %arg6[%dma_wait3A_1505, %dma_wait3A_1506] : memref<1280x64xf32, #tpu.memory_space<vmem>> -> memref<20x64xf32, #tpu.memory_space<vmem>>
      %dma_wait3A_1508 = arith.constant 0 : i32
      %dma_wait3A_1509 = arith.constant 0 : i32
      %dma_wait3A_1510 = tpu.memref_slice %arg4[%add3A_548, %dma_wait3A_1508, %dma_wait3A_1509] : memref<16384x20x64xf32, #tpu.memory_space<hbm>> -> memref<1x20x64xf32, #tpu.memory_space<hbm>>
      %dma_wait3A_1511 = tpu.memref_squeeze %dma_wait3A_1510 : memref<1x20x64xf32, #tpu.memory_space<hbm>> -> memref<20x64xf32, #tpu.memory_space<hbm>>
      %dma_wait3A_1512 = arith.constant 0 : i32
      %dma_wait3A_1513 = arith.constant 0 : i32
      %dma_wait3A_1514 = tpu.memref_slice %arg4[%add3A_548, %dma_wait3A_1512, %dma_wait3A_1513] : memref<16384x20x64xf32, #tpu.memory_space<hbm>> -> memref<1x20x64xf32, #tpu.memory_space<hbm>>
      %dma_wait3A_1515 = tpu.memref_squeeze %dma_wait3A_1514 : memref<1x20x64xf32, #tpu.memory_space<hbm>> -> memref<20x64xf32, #tpu.memory_space<hbm>>
      %dma_wait3A_1516 = arith.constant 660 : i32
      %dma_wait3A_1517 = arith.constant 0 : i32
      %dma_wait3A_1518 = tpu.memref_slice %arg6[%dma_wait3A_1516, %dma_wait3A_1517] : memref<1280x64xf32, #tpu.memory_space<vmem>> -> memref<20x64xf32, #tpu.memory_space<vmem>>
      tpu.wait_dma2 semaphore(%arg7 : memref<!tpu.dma_semaphore, #tpu.memory_space<semaphore_mem>>) src(%dma_wait3A_1518 : memref<20x64xf32, #tpu.memory_space<vmem>>) dst(%dma_wait3A_1515 : memref<20x64xf32, #tpu.memory_space<hbm>>)
      %dma_wait3A_1519 = arith.constant 680 : i32
      %dma_wait3A_1520 = arith.constant 0 : i32
      %dma_wait3A_1521 = tpu.memref_slice %arg6[%dma_wait3A_1519, %dma_wait3A_1520] : memref<1280x64xf32, #tpu.memory_space<vmem>> -> memref<20x64xf32, #tpu.memory_space<vmem>>
      %dma_wait3A_1522 = arith.constant 0 : i32
      %dma_wait3A_1523 = arith.constant 0 : i32
      %dma_wait3A_1524 = tpu.memref_slice %arg4[%add3A_564, %dma_wait3A_1522, %dma_wait3A_1523] : memref<16384x20x64xf32, #tpu.memory_space<hbm>> -> memref<1x20x64xf32, #tpu.memory_space<hbm>>
      %dma_wait3A_1525 = tpu.memref_squeeze %dma_wait3A_1524 : memref<1x20x64xf32, #tpu.memory_space<hbm>> -> memref<20x64xf32, #tpu.memory_space<hbm>>
      %dma_wait3A_1526 = arith.constant 0 : i32
      %dma_wait3A_1527 = arith.constant 0 : i32
      %dma_wait3A_1528 = tpu.memref_slice %arg4[%add3A_564, %dma_wait3A_1526, %dma_wait3A_1527] : memref<16384x20x64xf32, #tpu.memory_space<hbm>> -> memref<1x20x64xf32, #tpu.memory_space<hbm>>
      %dma_wait3A_1529 = tpu.memref_squeeze %dma_wait3A_1528 : memref<1x20x64xf32, #tpu.memory_space<hbm>> -> memref<20x64xf32, #tpu.memory_space<hbm>>
      %dma_wait3A_1530 = arith.constant 680 : i32
      %dma_wait3A_1531 = arith.constant 0 : i32
      %dma_wait3A_1532 = tpu.memref_slice %arg6[%dma_wait3A_1530, %dma_wait3A_1531] : memref<1280x64xf32, #tpu.memory_space<vmem>> -> memref<20x64xf32, #tpu.memory_space<vmem>>
      tpu.wait_dma2 semaphore(%arg7 : memref<!tpu.dma_semaphore, #tpu.memory_space<semaphore_mem>>) src(%dma_wait3A_1532 : memref<20x64xf32, #tpu.memory_space<vmem>>) dst(%dma_wait3A_1529 : memref<20x64xf32, #tpu.memory_space<hbm>>)
      %dma_wait3A_1533 = arith.constant 700 : i32
      %dma_wait3A_1534 = arith.constant 0 : i32
      %dma_wait3A_1535 = tpu.memref_slice %arg6[%dma_wait3A_1533, %dma_wait3A_1534] : memref<1280x64xf32, #tpu.memory_space<vmem>> -> memref<20x64xf32, #tpu.memory_space<vmem>>
      %dma_wait3A_1536 = arith.constant 0 : i32
      %dma_wait3A_1537 = arith.constant 0 : i32
      %dma_wait3A_1538 = tpu.memref_slice %arg4[%add3A_580, %dma_wait3A_1536, %dma_wait3A_1537] : memref<16384x20x64xf32, #tpu.memory_space<hbm>> -> memref<1x20x64xf32, #tpu.memory_space<hbm>>
      %dma_wait3A_1539 = tpu.memref_squeeze %dma_wait3A_1538 : memref<1x20x64xf32, #tpu.memory_space<hbm>> -> memref<20x64xf32, #tpu.memory_space<hbm>>
      %dma_wait3A_1540 = arith.constant 0 : i32
      %dma_wait3A_1541 = arith.constant 0 : i32
      %dma_wait3A_1542 = tpu.memref_slice %arg4[%add3A_580, %dma_wait3A_1540, %dma_wait3A_1541] : memref<16384x20x64xf32, #tpu.memory_space<hbm>> -> memref<1x20x64xf32, #tpu.memory_space<hbm>>
      %dma_wait3A_1543 = tpu.memref_squeeze %dma_wait3A_1542 : memref<1x20x64xf32, #tpu.memory_space<hbm>> -> memref<20x64xf32, #tpu.memory_space<hbm>>
      %dma_wait3A_1544 = arith.constant 700 : i32
      %dma_wait3A_1545 = arith.constant 0 : i32
      %dma_wait3A_1546 = tpu.memref_slice %arg6[%dma_wait3A_1544, %dma_wait3A_1545] : memref<1280x64xf32, #tpu.memory_space<vmem>> -> memref<20x64xf32, #tpu.memory_space<vmem>>
      tpu.wait_dma2 semaphore(%arg7 : memref<!tpu.dma_semaphore, #tpu.memory_space<semaphore_mem>>) src(%dma_wait3A_1546 : memref<20x64xf32, #tpu.memory_space<vmem>>) dst(%dma_wait3A_1543 : memref<20x64xf32, #tpu.memory_space<hbm>>)
      %dma_wait3A_1547 = arith.constant 720 : i32
      %dma_wait3A_1548 = arith.constant 0 : i32
      %dma_wait3A_1549 = tpu.memref_slice %arg6[%dma_wait3A_1547, %dma_wait3A_1548] : memref<1280x64xf32, #tpu.memory_space<vmem>> -> memref<20x64xf32, #tpu.memory_space<vmem>>
      %dma_wait3A_1550 = arith.constant 0 : i32
      %dma_wait3A_1551 = arith.constant 0 : i32
      %dma_wait3A_1552 = tpu.memref_slice %arg4[%add3A_596, %dma_wait3A_1550, %dma_wait3A_1551] : memref<16384x20x64xf32, #tpu.memory_space<hbm>> -> memref<1x20x64xf32, #tpu.memory_space<hbm>>
      %dma_wait3A_1553 = tpu.memref_squeeze %dma_wait3A_1552 : memref<1x20x64xf32, #tpu.memory_space<hbm>> -> memref<20x64xf32, #tpu.memory_space<hbm>>
      %dma_wait3A_1554 = arith.constant 0 : i32
      %dma_wait3A_1555 = arith.constant 0 : i32
      %dma_wait3A_1556 = tpu.memref_slice %arg4[%add3A_596, %dma_wait3A_1554, %dma_wait3A_1555] : memref<16384x20x64xf32, #tpu.memory_space<hbm>> -> memref<1x20x64xf32, #tpu.memory_space<hbm>>
      %dma_wait3A_1557 = tpu.memref_squeeze %dma_wait3A_1556 : memref<1x20x64xf32, #tpu.memory_space<hbm>> -> memref<20x64xf32, #tpu.memory_space<hbm>>
      %dma_wait3A_1558 = arith.constant 720 : i32
      %dma_wait3A_1559 = arith.constant 0 : i32
      %dma_wait3A_1560 = tpu.memref_slice %arg6[%dma_wait3A_1558, %dma_wait3A_1559] : memref<1280x64xf32, #tpu.memory_space<vmem>> -> memref<20x64xf32, #tpu.memory_space<vmem>>
      tpu.wait_dma2 semaphore(%arg7 : memref<!tpu.dma_semaphore, #tpu.memory_space<semaphore_mem>>) src(%dma_wait3A_1560 : memref<20x64xf32, #tpu.memory_space<vmem>>) dst(%dma_wait3A_1557 : memref<20x64xf32, #tpu.memory_space<hbm>>)
      %dma_wait3A_1561 = arith.constant 740 : i32
      %dma_wait3A_1562 = arith.constant 0 : i32
      %dma_wait3A_1563 = tpu.memref_slice %arg6[%dma_wait3A_1561, %dma_wait3A_1562] : memref<1280x64xf32, #tpu.memory_space<vmem>> -> memref<20x64xf32, #tpu.memory_space<vmem>>
      %dma_wait3A_1564 = arith.constant 0 : i32
      %dma_wait3A_1565 = arith.constant 0 : i32
      %dma_wait3A_1566 = tpu.memref_slice %arg4[%add3A_612, %dma_wait3A_1564, %dma_wait3A_1565] : memref<16384x20x64xf32, #tpu.memory_space<hbm>> -> memref<1x20x64xf32, #tpu.memory_space<hbm>>
      %dma_wait3A_1567 = tpu.memref_squeeze %dma_wait3A_1566 : memref<1x20x64xf32, #tpu.memory_space<hbm>> -> memref<20x64xf32, #tpu.memory_space<hbm>>
      %dma_wait3A_1568 = arith.constant 0 : i32
      %dma_wait3A_1569 = arith.constant 0 : i32
      %dma_wait3A_1570 = tpu.memref_slice %arg4[%add3A_612, %dma_wait3A_1568, %dma_wait3A_1569] : memref<16384x20x64xf32, #tpu.memory_space<hbm>> -> memref<1x20x64xf32, #tpu.memory_space<hbm>>
      %dma_wait3A_1571 = tpu.memref_squeeze %dma_wait3A_1570 : memref<1x20x64xf32, #tpu.memory_space<hbm>> -> memref<20x64xf32, #tpu.memory_space<hbm>>
      %dma_wait3A_1572 = arith.constant 740 : i32
      %dma_wait3A_1573 = arith.constant 0 : i32
      %dma_wait3A_1574 = tpu.memref_slice %arg6[%dma_wait3A_1572, %dma_wait3A_1573] : memref<1280x64xf32, #tpu.memory_space<vmem>> -> memref<20x64xf32, #tpu.memory_space<vmem>>
      tpu.wait_dma2 semaphore(%arg7 : memref<!tpu.dma_semaphore, #tpu.memory_space<semaphore_mem>>) src(%dma_wait3A_1574 : memref<20x64xf32, #tpu.memory_space<vmem>>) dst(%dma_wait3A_1571 : memref<20x64xf32, #tpu.memory_space<hbm>>)
      %dma_wait3A_1575 = arith.constant 760 : i32
      %dma_wait3A_1576 = arith.constant 0 : i32
      %dma_wait3A_1577 = tpu.memref_slice %arg6[%dma_wait3A_1575, %dma_wait3A_1576] : memref<1280x64xf32, #tpu.memory_space<vmem>> -> memref<20x64xf32, #tpu.memory_space<vmem>>
      %dma_wait3A_1578 = arith.constant 0 : i32
      %dma_wait3A_1579 = arith.constant 0 : i32
      %dma_wait3A_1580 = tpu.memref_slice %arg4[%add3A_628, %dma_wait3A_1578, %dma_wait3A_1579] : memref<16384x20x64xf32, #tpu.memory_space<hbm>> -> memref<1x20x64xf32, #tpu.memory_space<hbm>>
      %dma_wait3A_1581 = tpu.memref_squeeze %dma_wait3A_1580 : memref<1x20x64xf32, #tpu.memory_space<hbm>> -> memref<20x64xf32, #tpu.memory_space<hbm>>
      %dma_wait3A_1582 = arith.constant 0 : i32
      %dma_wait3A_1583 = arith.constant 0 : i32
      %dma_wait3A_1584 = tpu.memref_slice %arg4[%add3A_628, %dma_wait3A_1582, %dma_wait3A_1583] : memref<16384x20x64xf32, #tpu.memory_space<hbm>> -> memref<1x20x64xf32, #tpu.memory_space<hbm>>
      %dma_wait3A_1585 = tpu.memref_squeeze %dma_wait3A_1584 : memref<1x20x64xf32, #tpu.memory_space<hbm>> -> memref<20x64xf32, #tpu.memory_space<hbm>>
      %dma_wait3A_1586 = arith.constant 760 : i32
      %dma_wait3A_1587 = arith.constant 0 : i32
      %dma_wait3A_1588 = tpu.memref_slice %arg6[%dma_wait3A_1586, %dma_wait3A_1587] : memref<1280x64xf32, #tpu.memory_space<vmem>> -> memref<20x64xf32, #tpu.memory_space<vmem>>
      tpu.wait_dma2 semaphore(%arg7 : memref<!tpu.dma_semaphore, #tpu.memory_space<semaphore_mem>>) src(%dma_wait3A_1588 : memref<20x64xf32, #tpu.memory_space<vmem>>) dst(%dma_wait3A_1585 : memref<20x64xf32, #tpu.memory_space<hbm>>)
      %dma_wait3A_1589 = arith.constant 780 : i32
      %dma_wait3A_1590 = arith.constant 0 : i32
      %dma_wait3A_1591 = tpu.memref_slice %arg6[%dma_wait3A_1589, %dma_wait3A_1590] : memref<1280x64xf32, #tpu.memory_space<vmem>> -> memref<20x64xf32, #tpu.memory_space<vmem>>
      %dma_wait3A_1592 = arith.constant 0 : i32
      %dma_wait3A_1593 = arith.constant 0 : i32
      %dma_wait3A_1594 = tpu.memref_slice %arg4[%add3A_644, %dma_wait3A_1592, %dma_wait3A_1593] : memref<16384x20x64xf32, #tpu.memory_space<hbm>> -> memref<1x20x64xf32, #tpu.memory_space<hbm>>
      %dma_wait3A_1595 = tpu.memref_squeeze %dma_wait3A_1594 : memref<1x20x64xf32, #tpu.memory_space<hbm>> -> memref<20x64xf32, #tpu.memory_space<hbm>>
      %dma_wait3A_1596 = arith.constant 0 : i32
      %dma_wait3A_1597 = arith.constant 0 : i32
      %dma_wait3A_1598 = tpu.memref_slice %arg4[%add3A_644, %dma_wait3A_1596, %dma_wait3A_1597] : memref<16384x20x64xf32, #tpu.memory_space<hbm>> -> memref<1x20x64xf32, #tpu.memory_space<hbm>>
      %dma_wait3A_1599 = tpu.memref_squeeze %dma_wait3A_1598 : memref<1x20x64xf32, #tpu.memory_space<hbm>> -> memref<20x64xf32, #tpu.memory_space<hbm>>
      %dma_wait3A_1600 = arith.constant 780 : i32
      %dma_wait3A_1601 = arith.constant 0 : i32
      %dma_wait3A_1602 = tpu.memref_slice %arg6[%dma_wait3A_1600, %dma_wait3A_1601] : memref<1280x64xf32, #tpu.memory_space<vmem>> -> memref<20x64xf32, #tpu.memory_space<vmem>>
      tpu.wait_dma2 semaphore(%arg7 : memref<!tpu.dma_semaphore, #tpu.memory_space<semaphore_mem>>) src(%dma_wait3A_1602 : memref<20x64xf32, #tpu.memory_space<vmem>>) dst(%dma_wait3A_1599 : memref<20x64xf32, #tpu.memory_space<hbm>>)
      %dma_wait3A_1603 = arith.constant 800 : i32
      %dma_wait3A_1604 = arith.constant 0 : i32
      %dma_wait3A_1605 = tpu.memref_slice %arg6[%dma_wait3A_1603, %dma_wait3A_1604] : memref<1280x64xf32, #tpu.memory_space<vmem>> -> memref<20x64xf32, #tpu.memory_space<vmem>>
      %dma_wait3A_1606 = arith.constant 0 : i32
      %dma_wait3A_1607 = arith.constant 0 : i32
      %dma_wait3A_1608 = tpu.memref_slice %arg4[%add3A_660, %dma_wait3A_1606, %dma_wait3A_1607] : memref<16384x20x64xf32, #tpu.memory_space<hbm>> -> memref<1x20x64xf32, #tpu.memory_space<hbm>>
      %dma_wait3A_1609 = tpu.memref_squeeze %dma_wait3A_1608 : memref<1x20x64xf32, #tpu.memory_space<hbm>> -> memref<20x64xf32, #tpu.memory_space<hbm>>
      %dma_wait3A_1610 = arith.constant 0 : i32
      %dma_wait3A_1611 = arith.constant 0 : i32
      %dma_wait3A_1612 = tpu.memref_slice %arg4[%add3A_660, %dma_wait3A_1610, %dma_wait3A_1611] : memref<16384x20x64xf32, #tpu.memory_space<hbm>> -> memref<1x20x64xf32, #tpu.memory_space<hbm>>
      %dma_wait3A_1613 = tpu.memref_squeeze %dma_wait3A_1612 : memref<1x20x64xf32, #tpu.memory_space<hbm>> -> memref<20x64xf32, #tpu.memory_space<hbm>>
      %dma_wait3A_1614 = arith.constant 800 : i32
      %dma_wait3A_1615 = arith.constant 0 : i32
      %dma_wait3A_1616 = tpu.memref_slice %arg6[%dma_wait3A_1614, %dma_wait3A_1615] : memref<1280x64xf32, #tpu.memory_space<vmem>> -> memref<20x64xf32, #tpu.memory_space<vmem>>
      tpu.wait_dma2 semaphore(%arg7 : memref<!tpu.dma_semaphore, #tpu.memory_space<semaphore_mem>>) src(%dma_wait3A_1616 : memref<20x64xf32, #tpu.memory_space<vmem>>) dst(%dma_wait3A_1613 : memref<20x64xf32, #tpu.memory_space<hbm>>)
      %dma_wait3A_1617 = arith.constant 820 : i32
      %dma_wait3A_1618 = arith.constant 0 : i32
      %dma_wait3A_1619 = tpu.memref_slice %arg6[%dma_wait3A_1617, %dma_wait3A_1618] : memref<1280x64xf32, #tpu.memory_space<vmem>> -> memref<20x64xf32, #tpu.memory_space<vmem>>
      %dma_wait3A_1620 = arith.constant 0 : i32
      %dma_wait3A_1621 = arith.constant 0 : i32
      %dma_wait3A_1622 = tpu.memref_slice %arg4[%add3A_676, %dma_wait3A_1620, %dma_wait3A_1621] : memref<16384x20x64xf32, #tpu.memory_space<hbm>> -> memref<1x20x64xf32, #tpu.memory_space<hbm>>
      %dma_wait3A_1623 = tpu.memref_squeeze %dma_wait3A_1622 : memref<1x20x64xf32, #tpu.memory_space<hbm>> -> memref<20x64xf32, #tpu.memory_space<hbm>>
      %dma_wait3A_1624 = arith.constant 0 : i32
      %dma_wait3A_1625 = arith.constant 0 : i32
      %dma_wait3A_1626 = tpu.memref_slice %arg4[%add3A_676, %dma_wait3A_1624, %dma_wait3A_1625] : memref<16384x20x64xf32, #tpu.memory_space<hbm>> -> memref<1x20x64xf32, #tpu.memory_space<hbm>>
      %dma_wait3A_1627 = tpu.memref_squeeze %dma_wait3A_1626 : memref<1x20x64xf32, #tpu.memory_space<hbm>> -> memref<20x64xf32, #tpu.memory_space<hbm>>
      %dma_wait3A_1628 = arith.constant 820 : i32
      %dma_wait3A_1629 = arith.constant 0 : i32
      %dma_wait3A_1630 = tpu.memref_slice %arg6[%dma_wait3A_1628, %dma_wait3A_1629] : memref<1280x64xf32, #tpu.memory_space<vmem>> -> memref<20x64xf32, #tpu.memory_space<vmem>>
      tpu.wait_dma2 semaphore(%arg7 : memref<!tpu.dma_semaphore, #tpu.memory_space<semaphore_mem>>) src(%dma_wait3A_1630 : memref<20x64xf32, #tpu.memory_space<vmem>>) dst(%dma_wait3A_1627 : memref<20x64xf32, #tpu.memory_space<hbm>>)
      %dma_wait3A_1631 = arith.constant 840 : i32
      %dma_wait3A_1632 = arith.constant 0 : i32
      %dma_wait3A_1633 = tpu.memref_slice %arg6[%dma_wait3A_1631, %dma_wait3A_1632] : memref<1280x64xf32, #tpu.memory_space<vmem>> -> memref<20x64xf32, #tpu.memory_space<vmem>>
      %dma_wait3A_1634 = arith.constant 0 : i32
      %dma_wait3A_1635 = arith.constant 0 : i32
      %dma_wait3A_1636 = tpu.memref_slice %arg4[%add3A_692, %dma_wait3A_1634, %dma_wait3A_1635] : memref<16384x20x64xf32, #tpu.memory_space<hbm>> -> memref<1x20x64xf32, #tpu.memory_space<hbm>>
      %dma_wait3A_1637 = tpu.memref_squeeze %dma_wait3A_1636 : memref<1x20x64xf32, #tpu.memory_space<hbm>> -> memref<20x64xf32, #tpu.memory_space<hbm>>
      %dma_wait3A_1638 = arith.constant 0 : i32
      %dma_wait3A_1639 = arith.constant 0 : i32
      %dma_wait3A_1640 = tpu.memref_slice %arg4[%add3A_692, %dma_wait3A_1638, %dma_wait3A_1639] : memref<16384x20x64xf32, #tpu.memory_space<hbm>> -> memref<1x20x64xf32, #tpu.memory_space<hbm>>
      %dma_wait3A_1641 = tpu.memref_squeeze %dma_wait3A_1640 : memref<1x20x64xf32, #tpu.memory_space<hbm>> -> memref<20x64xf32, #tpu.memory_space<hbm>>
      %dma_wait3A_1642 = arith.constant 840 : i32
      %dma_wait3A_1643 = arith.constant 0 : i32
      %dma_wait3A_1644 = tpu.memref_slice %arg6[%dma_wait3A_1642, %dma_wait3A_1643] : memref<1280x64xf32, #tpu.memory_space<vmem>> -> memref<20x64xf32, #tpu.memory_space<vmem>>
      tpu.wait_dma2 semaphore(%arg7 : memref<!tpu.dma_semaphore, #tpu.memory_space<semaphore_mem>>) src(%dma_wait3A_1644 : memref<20x64xf32, #tpu.memory_space<vmem>>) dst(%dma_wait3A_1641 : memref<20x64xf32, #tpu.memory_space<hbm>>)
      %dma_wait3A_1645 = arith.constant 860 : i32
      %dma_wait3A_1646 = arith.constant 0 : i32
      %dma_wait3A_1647 = tpu.memref_slice %arg6[%dma_wait3A_1645, %dma_wait3A_1646] : memref<1280x64xf32, #tpu.memory_space<vmem>> -> memref<20x64xf32, #tpu.memory_space<vmem>>
      %dma_wait3A_1648 = arith.constant 0 : i32
      %dma_wait3A_1649 = arith.constant 0 : i32
      %dma_wait3A_1650 = tpu.memref_slice %arg4[%add3A_708, %dma_wait3A_1648, %dma_wait3A_1649] : memref<16384x20x64xf32, #tpu.memory_space<hbm>> -> memref<1x20x64xf32, #tpu.memory_space<hbm>>
      %dma_wait3A_1651 = tpu.memref_squeeze %dma_wait3A_1650 : memref<1x20x64xf32, #tpu.memory_space<hbm>> -> memref<20x64xf32, #tpu.memory_space<hbm>>
      %dma_wait3A_1652 = arith.constant 0 : i32
      %dma_wait3A_1653 = arith.constant 0 : i32
      %dma_wait3A_1654 = tpu.memref_slice %arg4[%add3A_708, %dma_wait3A_1652, %dma_wait3A_1653] : memref<16384x20x64xf32, #tpu.memory_space<hbm>> -> memref<1x20x64xf32, #tpu.memory_space<hbm>>
      %dma_wait3A_1655 = tpu.memref_squeeze %dma_wait3A_1654 : memref<1x20x64xf32, #tpu.memory_space<hbm>> -> memref<20x64xf32, #tpu.memory_space<hbm>>
      %dma_wait3A_1656 = arith.constant 860 : i32
      %dma_wait3A_1657 = arith.constant 0 : i32
      %dma_wait3A_1658 = tpu.memref_slice %arg6[%dma_wait3A_1656, %dma_wait3A_1657] : memref<1280x64xf32, #tpu.memory_space<vmem>> -> memref<20x64xf32, #tpu.memory_space<vmem>>
      tpu.wait_dma2 semaphore(%arg7 : memref<!tpu.dma_semaphore, #tpu.memory_space<semaphore_mem>>) src(%dma_wait3A_1658 : memref<20x64xf32, #tpu.memory_space<vmem>>) dst(%dma_wait3A_1655 : memref<20x64xf32, #tpu.memory_space<hbm>>)
      %dma_wait3A_1659 = arith.constant 880 : i32
      %dma_wait3A_1660 = arith.constant 0 : i32
      %dma_wait3A_1661 = tpu.memref_slice %arg6[%dma_wait3A_1659, %dma_wait3A_1660] : memref<1280x64xf32, #tpu.memory_space<vmem>> -> memref<20x64xf32, #tpu.memory_space<vmem>>
      %dma_wait3A_1662 = arith.constant 0 : i32
      %dma_wait3A_1663 = arith.constant 0 : i32
      %dma_wait3A_1664 = tpu.memref_slice %arg4[%add3A_724, %dma_wait3A_1662, %dma_wait3A_1663] : memref<16384x20x64xf32, #tpu.memory_space<hbm>> -> memref<1x20x64xf32, #tpu.memory_space<hbm>>
      %dma_wait3A_1665 = tpu.memref_squeeze %dma_wait3A_1664 : memref<1x20x64xf32, #tpu.memory_space<hbm>> -> memref<20x64xf32, #tpu.memory_space<hbm>>
      %dma_wait3A_1666 = arith.constant 0 : i32
      %dma_wait3A_1667 = arith.constant 0 : i32
      %dma_wait3A_1668 = tpu.memref_slice %arg4[%add3A_724, %dma_wait3A_1666, %dma_wait3A_1667] : memref<16384x20x64xf32, #tpu.memory_space<hbm>> -> memref<1x20x64xf32, #tpu.memory_space<hbm>>
      %dma_wait3A_1669 = tpu.memref_squeeze %dma_wait3A_1668 : memref<1x20x64xf32, #tpu.memory_space<hbm>> -> memref<20x64xf32, #tpu.memory_space<hbm>>
      %dma_wait3A_1670 = arith.constant 880 : i32
      %dma_wait3A_1671 = arith.constant 0 : i32
      %dma_wait3A_1672 = tpu.memref_slice %arg6[%dma_wait3A_1670, %dma_wait3A_1671] : memref<1280x64xf32, #tpu.memory_space<vmem>> -> memref<20x64xf32, #tpu.memory_space<vmem>>
      tpu.wait_dma2 semaphore(%arg7 : memref<!tpu.dma_semaphore, #tpu.memory_space<semaphore_mem>>) src(%dma_wait3A_1672 : memref<20x64xf32, #tpu.memory_space<vmem>>) dst(%dma_wait3A_1669 : memref<20x64xf32, #tpu.memory_space<hbm>>)
      %dma_wait3A_1673 = arith.constant 900 : i32
      %dma_wait3A_1674 = arith.constant 0 : i32
      %dma_wait3A_1675 = tpu.memref_slice %arg6[%dma_wait3A_1673, %dma_wait3A_1674] : memref<1280x64xf32, #tpu.memory_space<vmem>> -> memref<20x64xf32, #tpu.memory_space<vmem>>
      %dma_wait3A_1676 = arith.constant 0 : i32
      %dma_wait3A_1677 = arith.constant 0 : i32
      %dma_wait3A_1678 = tpu.memref_slice %arg4[%add3A_740, %dma_wait3A_1676, %dma_wait3A_1677] : memref<16384x20x64xf32, #tpu.memory_space<hbm>> -> memref<1x20x64xf32, #tpu.memory_space<hbm>>
      %dma_wait3A_1679 = tpu.memref_squeeze %dma_wait3A_1678 : memref<1x20x64xf32, #tpu.memory_space<hbm>> -> memref<20x64xf32, #tpu.memory_space<hbm>>
      %dma_wait3A_1680 = arith.constant 0 : i32
      %dma_wait3A_1681 = arith.constant 0 : i32
      %dma_wait3A_1682 = tpu.memref_slice %arg4[%add3A_740, %dma_wait3A_1680, %dma_wait3A_1681] : memref<16384x20x64xf32, #tpu.memory_space<hbm>> -> memref<1x20x64xf32, #tpu.memory_space<hbm>>
      %dma_wait3A_1683 = tpu.memref_squeeze %dma_wait3A_1682 : memref<1x20x64xf32, #tpu.memory_space<hbm>> -> memref<20x64xf32, #tpu.memory_space<hbm>>
      %dma_wait3A_1684 = arith.constant 900 : i32
      %dma_wait3A_1685 = arith.constant 0 : i32
      %dma_wait3A_1686 = tpu.memref_slice %arg6[%dma_wait3A_1684, %dma_wait3A_1685] : memref<1280x64xf32, #tpu.memory_space<vmem>> -> memref<20x64xf32, #tpu.memory_space<vmem>>
      tpu.wait_dma2 semaphore(%arg7 : memref<!tpu.dma_semaphore, #tpu.memory_space<semaphore_mem>>) src(%dma_wait3A_1686 : memref<20x64xf32, #tpu.memory_space<vmem>>) dst(%dma_wait3A_1683 : memref<20x64xf32, #tpu.memory_space<hbm>>)
      %dma_wait3A_1687 = arith.constant 920 : i32
      %dma_wait3A_1688 = arith.constant 0 : i32
      %dma_wait3A_1689 = tpu.memref_slice %arg6[%dma_wait3A_1687, %dma_wait3A_1688] : memref<1280x64xf32, #tpu.memory_space<vmem>> -> memref<20x64xf32, #tpu.memory_space<vmem>>
      %dma_wait3A_1690 = arith.constant 0 : i32
      %dma_wait3A_1691 = arith.constant 0 : i32
      %dma_wait3A_1692 = tpu.memref_slice %arg4[%add3A_756, %dma_wait3A_1690, %dma_wait3A_1691] : memref<16384x20x64xf32, #tpu.memory_space<hbm>> -> memref<1x20x64xf32, #tpu.memory_space<hbm>>
      %dma_wait3A_1693 = tpu.memref_squeeze %dma_wait3A_1692 : memref<1x20x64xf32, #tpu.memory_space<hbm>> -> memref<20x64xf32, #tpu.memory_space<hbm>>
      %dma_wait3A_1694 = arith.constant 0 : i32
      %dma_wait3A_1695 = arith.constant 0 : i32
      %dma_wait3A_1696 = tpu.memref_slice %arg4[%add3A_756, %dma_wait3A_1694, %dma_wait3A_1695] : memref<16384x20x64xf32, #tpu.memory_space<hbm>> -> memref<1x20x64xf32, #tpu.memory_space<hbm>>
      %dma_wait3A_1697 = tpu.memref_squeeze %dma_wait3A_1696 : memref<1x20x64xf32, #tpu.memory_space<hbm>> -> memref<20x64xf32, #tpu.memory_space<hbm>>
      %dma_wait3A_1698 = arith.constant 920 : i32
      %dma_wait3A_1699 = arith.constant 0 : i32
      %dma_wait3A_1700 = tpu.memref_slice %arg6[%dma_wait3A_1698, %dma_wait3A_1699] : memref<1280x64xf32, #tpu.memory_space<vmem>> -> memref<20x64xf32, #tpu.memory_space<vmem>>
      tpu.wait_dma2 semaphore(%arg7 : memref<!tpu.dma_semaphore, #tpu.memory_space<semaphore_mem>>) src(%dma_wait3A_1700 : memref<20x64xf32, #tpu.memory_space<vmem>>) dst(%dma_wait3A_1697 : memref<20x64xf32, #tpu.memory_space<hbm>>)
      %dma_wait3A_1701 = arith.constant 940 : i32
      %dma_wait3A_1702 = arith.constant 0 : i32
      %dma_wait3A_1703 = tpu.memref_slice %arg6[%dma_wait3A_1701, %dma_wait3A_1702] : memref<1280x64xf32, #tpu.memory_space<vmem>> -> memref<20x64xf32, #tpu.memory_space<vmem>>
      %dma_wait3A_1704 = arith.constant 0 : i32
      %dma_wait3A_1705 = arith.constant 0 : i32
      %dma_wait3A_1706 = tpu.memref_slice %arg4[%add3A_772, %dma_wait3A_1704, %dma_wait3A_1705] : memref<16384x20x64xf32, #tpu.memory_space<hbm>> -> memref<1x20x64xf32, #tpu.memory_space<hbm>>
      %dma_wait3A_1707 = tpu.memref_squeeze %dma_wait3A_1706 : memref<1x20x64xf32, #tpu.memory_space<hbm>> -> memref<20x64xf32, #tpu.memory_space<hbm>>
      %dma_wait3A_1708 = arith.constant 0 : i32
      %dma_wait3A_1709 = arith.constant 0 : i32
      %dma_wait3A_1710 = tpu.memref_slice %arg4[%add3A_772, %dma_wait3A_1708, %dma_wait3A_1709] : memref<16384x20x64xf32, #tpu.memory_space<hbm>> -> memref<1x20x64xf32, #tpu.memory_space<hbm>>
      %dma_wait3A_1711 = tpu.memref_squeeze %dma_wait3A_1710 : memref<1x20x64xf32, #tpu.memory_space<hbm>> -> memref<20x64xf32, #tpu.memory_space<hbm>>
      %dma_wait3A_1712 = arith.constant 940 : i32
      %dma_wait3A_1713 = arith.constant 0 : i32
      %dma_wait3A_1714 = tpu.memref_slice %arg6[%dma_wait3A_1712, %dma_wait3A_1713] : memref<1280x64xf32, #tpu.memory_space<vmem>> -> memref<20x64xf32, #tpu.memory_space<vmem>>
      tpu.wait_dma2 semaphore(%arg7 : memref<!tpu.dma_semaphore, #tpu.memory_space<semaphore_mem>>) src(%dma_wait3A_1714 : memref<20x64xf32, #tpu.memory_space<vmem>>) dst(%dma_wait3A_1711 : memref<20x64xf32, #tpu.memory_space<hbm>>)
      %dma_wait3A_1715 = arith.constant 960 : i32
      %dma_wait3A_1716 = arith.constant 0 : i32
      %dma_wait3A_1717 = tpu.memref_slice %arg6[%dma_wait3A_1715, %dma_wait3A_1716] : memref<1280x64xf32, #tpu.memory_space<vmem>> -> memref<20x64xf32, #tpu.memory_space<vmem>>
      %dma_wait3A_1718 = arith.constant 0 : i32
      %dma_wait3A_1719 = arith.constant 0 : i32
      %dma_wait3A_1720 = tpu.memref_slice %arg4[%add3A_788, %dma_wait3A_1718, %dma_wait3A_1719] : memref<16384x20x64xf32, #tpu.memory_space<hbm>> -> memref<1x20x64xf32, #tpu.memory_space<hbm>>
      %dma_wait3A_1721 = tpu.memref_squeeze %dma_wait3A_1720 : memref<1x20x64xf32, #tpu.memory_space<hbm>> -> memref<20x64xf32, #tpu.memory_space<hbm>>
      %dma_wait3A_1722 = arith.constant 0 : i32
      %dma_wait3A_1723 = arith.constant 0 : i32
      %dma_wait3A_1724 = tpu.memref_slice %arg4[%add3A_788, %dma_wait3A_1722, %dma_wait3A_1723] : memref<16384x20x64xf32, #tpu.memory_space<hbm>> -> memref<1x20x64xf32, #tpu.memory_space<hbm>>
      %dma_wait3A_1725 = tpu.memref_squeeze %dma_wait3A_1724 : memref<1x20x64xf32, #tpu.memory_space<hbm>> -> memref<20x64xf32, #tpu.memory_space<hbm>>
      %dma_wait3A_1726 = arith.constant 960 : i32
      %dma_wait3A_1727 = arith.constant 0 : i32
      %dma_wait3A_1728 = tpu.memref_slice %arg6[%dma_wait3A_1726, %dma_wait3A_1727] : memref<1280x64xf32, #tpu.memory_space<vmem>> -> memref<20x64xf32, #tpu.memory_space<vmem>>
      tpu.wait_dma2 semaphore(%arg7 : memref<!tpu.dma_semaphore, #tpu.memory_space<semaphore_mem>>) src(%dma_wait3A_1728 : memref<20x64xf32, #tpu.memory_space<vmem>>) dst(%dma_wait3A_1725 : memref<20x64xf32, #tpu.memory_space<hbm>>)
      %dma_wait3A_1729 = arith.constant 980 : i32
      %dma_wait3A_1730 = arith.constant 0 : i32
      %dma_wait3A_1731 = tpu.memref_slice %arg6[%dma_wait3A_1729, %dma_wait3A_1730] : memref<1280x64xf32, #tpu.memory_space<vmem>> -> memref<20x64xf32, #tpu.memory_space<vmem>>
      %dma_wait3A_1732 = arith.constant 0 : i32
      %dma_wait3A_1733 = arith.constant 0 : i32
      %dma_wait3A_1734 = tpu.memref_slice %arg4[%add3A_804, %dma_wait3A_1732, %dma_wait3A_1733] : memref<16384x20x64xf32, #tpu.memory_space<hbm>> -> memref<1x20x64xf32, #tpu.memory_space<hbm>>
      %dma_wait3A_1735 = tpu.memref_squeeze %dma_wait3A_1734 : memref<1x20x64xf32, #tpu.memory_space<hbm>> -> memref<20x64xf32, #tpu.memory_space<hbm>>
      %dma_wait3A_1736 = arith.constant 0 : i32
      %dma_wait3A_1737 = arith.constant 0 : i32
      %dma_wait3A_1738 = tpu.memref_slice %arg4[%add3A_804, %dma_wait3A_1736, %dma_wait3A_1737] : memref<16384x20x64xf32, #tpu.memory_space<hbm>> -> memref<1x20x64xf32, #tpu.memory_space<hbm>>
      %dma_wait3A_1739 = tpu.memref_squeeze %dma_wait3A_1738 : memref<1x20x64xf32, #tpu.memory_space<hbm>> -> memref<20x64xf32, #tpu.memory_space<hbm>>
      %dma_wait3A_1740 = arith.constant 980 : i32
      %dma_wait3A_1741 = arith.constant 0 : i32
      %dma_wait3A_1742 = tpu.memref_slice %arg6[%dma_wait3A_1740, %dma_wait3A_1741] : memref<1280x64xf32, #tpu.memory_space<vmem>> -> memref<20x64xf32, #tpu.memory_space<vmem>>
      tpu.wait_dma2 semaphore(%arg7 : memref<!tpu.dma_semaphore, #tpu.memory_space<semaphore_mem>>) src(%dma_wait3A_1742 : memref<20x64xf32, #tpu.memory_space<vmem>>) dst(%dma_wait3A_1739 : memref<20x64xf32, #tpu.memory_space<hbm>>)
      %dma_wait3A_1743 = arith.constant 1000 : i32
      %dma_wait3A_1744 = arith.constant 0 : i32
      %dma_wait3A_1745 = tpu.memref_slice %arg6[%dma_wait3A_1743, %dma_wait3A_1744] : memref<1280x64xf32, #tpu.memory_space<vmem>> -> memref<20x64xf32, #tpu.memory_space<vmem>>
      %dma_wait3A_1746 = arith.constant 0 : i32
      %dma_wait3A_1747 = arith.constant 0 : i32
      %dma_wait3A_1748 = tpu.memref_slice %arg4[%add3A_820, %dma_wait3A_1746, %dma_wait3A_1747] : memref<16384x20x64xf32, #tpu.memory_space<hbm>> -> memref<1x20x64xf32, #tpu.memory_space<hbm>>
      %dma_wait3A_1749 = tpu.memref_squeeze %dma_wait3A_1748 : memref<1x20x64xf32, #tpu.memory_space<hbm>> -> memref<20x64xf32, #tpu.memory_space<hbm>>
      %dma_wait3A_1750 = arith.constant 0 : i32
      %dma_wait3A_1751 = arith.constant 0 : i32
      %dma_wait3A_1752 = tpu.memref_slice %arg4[%add3A_820, %dma_wait3A_1750, %dma_wait3A_1751] : memref<16384x20x64xf32, #tpu.memory_space<hbm>> -> memref<1x20x64xf32, #tpu.memory_space<hbm>>
      %dma_wait3A_1753 = tpu.memref_squeeze %dma_wait3A_1752 : memref<1x20x64xf32, #tpu.memory_space<hbm>> -> memref<20x64xf32, #tpu.memory_space<hbm>>
      %dma_wait3A_1754 = arith.constant 1000 : i32
      %dma_wait3A_1755 = arith.constant 0 : i32
      %dma_wait3A_1756 = tpu.memref_slice %arg6[%dma_wait3A_1754, %dma_wait3A_1755] : memref<1280x64xf32, #tpu.memory_space<vmem>> -> memref<20x64xf32, #tpu.memory_space<vmem>>
      tpu.wait_dma2 semaphore(%arg7 : memref<!tpu.dma_semaphore, #tpu.memory_space<semaphore_mem>>) src(%dma_wait3A_1756 : memref<20x64xf32, #tpu.memory_space<vmem>>) dst(%dma_wait3A_1753 : memref<20x64xf32, #tpu.memory_space<hbm>>)
      %dma_wait3A_1757 = arith.constant 1020 : i32
      %dma_wait3A_1758 = arith.constant 0 : i32
      %dma_wait3A_1759 = tpu.memref_slice %arg6[%dma_wait3A_1757, %dma_wait3A_1758] : memref<1280x64xf32, #tpu.memory_space<vmem>> -> memref<20x64xf32, #tpu.memory_space<vmem>>
      %dma_wait3A_1760 = arith.constant 0 : i32
      %dma_wait3A_1761 = arith.constant 0 : i32
      %dma_wait3A_1762 = tpu.memref_slice %arg4[%add3A_836, %dma_wait3A_1760, %dma_wait3A_1761] : memref<16384x20x64xf32, #tpu.memory_space<hbm>> -> memref<1x20x64xf32, #tpu.memory_space<hbm>>
      %dma_wait3A_1763 = tpu.memref_squeeze %dma_wait3A_1762 : memref<1x20x64xf32, #tpu.memory_space<hbm>> -> memref<20x64xf32, #tpu.memory_space<hbm>>
      %dma_wait3A_1764 = arith.constant 0 : i32
      %dma_wait3A_1765 = arith.constant 0 : i32
      %dma_wait3A_1766 = tpu.memref_slice %arg4[%add3A_836, %dma_wait3A_1764, %dma_wait3A_1765] : memref<16384x20x64xf32, #tpu.memory_space<hbm>> -> memref<1x20x64xf32, #tpu.memory_space<hbm>>
      %dma_wait3A_1767 = tpu.memref_squeeze %dma_wait3A_1766 : memref<1x20x64xf32, #tpu.memory_space<hbm>> -> memref<20x64xf32, #tpu.memory_space<hbm>>
      %dma_wait3A_1768 = arith.constant 1020 : i32
      %dma_wait3A_1769 = arith.constant 0 : i32
      %dma_wait3A_1770 = tpu.memref_slice %arg6[%dma_wait3A_1768, %dma_wait3A_1769] : memref<1280x64xf32, #tpu.memory_space<vmem>> -> memref<20x64xf32, #tpu.memory_space<vmem>>
      tpu.wait_dma2 semaphore(%arg7 : memref<!tpu.dma_semaphore, #tpu.memory_space<semaphore_mem>>) src(%dma_wait3A_1770 : memref<20x64xf32, #tpu.memory_space<vmem>>) dst(%dma_wait3A_1767 : memref<20x64xf32, #tpu.memory_space<hbm>>)
      %dma_wait3A_1771 = arith.constant 1040 : i32
      %dma_wait3A_1772 = arith.constant 0 : i32
      %dma_wait3A_1773 = tpu.memref_slice %arg6[%dma_wait3A_1771, %dma_wait3A_1772] : memref<1280x64xf32, #tpu.memory_space<vmem>> -> memref<20x64xf32, #tpu.memory_space<vmem>>
      %dma_wait3A_1774 = arith.constant 0 : i32
      %dma_wait3A_1775 = arith.constant 0 : i32
      %dma_wait3A_1776 = tpu.memref_slice %arg4[%add3A_852, %dma_wait3A_1774, %dma_wait3A_1775] : memref<16384x20x64xf32, #tpu.memory_space<hbm>> -> memref<1x20x64xf32, #tpu.memory_space<hbm>>
      %dma_wait3A_1777 = tpu.memref_squeeze %dma_wait3A_1776 : memref<1x20x64xf32, #tpu.memory_space<hbm>> -> memref<20x64xf32, #tpu.memory_space<hbm>>
      %dma_wait3A_1778 = arith.constant 0 : i32
      %dma_wait3A_1779 = arith.constant 0 : i32
      %dma_wait3A_1780 = tpu.memref_slice %arg4[%add3A_852, %dma_wait3A_1778, %dma_wait3A_1779] : memref<16384x20x64xf32, #tpu.memory_space<hbm>> -> memref<1x20x64xf32, #tpu.memory_space<hbm>>
      %dma_wait3A_1781 = tpu.memref_squeeze %dma_wait3A_1780 : memref<1x20x64xf32, #tpu.memory_space<hbm>> -> memref<20x64xf32, #tpu.memory_space<hbm>>
      %dma_wait3A_1782 = arith.constant 1040 : i32
      %dma_wait3A_1783 = arith.constant 0 : i32
      %dma_wait3A_1784 = tpu.memref_slice %arg6[%dma_wait3A_1782, %dma_wait3A_1783] : memref<1280x64xf32, #tpu.memory_space<vmem>> -> memref<20x64xf32, #tpu.memory_space<vmem>>
      tpu.wait_dma2 semaphore(%arg7 : memref<!tpu.dma_semaphore, #tpu.memory_space<semaphore_mem>>) src(%dma_wait3A_1784 : memref<20x64xf32, #tpu.memory_space<vmem>>) dst(%dma_wait3A_1781 : memref<20x64xf32, #tpu.memory_space<hbm>>)
      %dma_wait3A_1785 = arith.constant 1060 : i32
      %dma_wait3A_1786 = arith.constant 0 : i32
      %dma_wait3A_1787 = tpu.memref_slice %arg6[%dma_wait3A_1785, %dma_wait3A_1786] : memref<1280x64xf32, #tpu.memory_space<vmem>> -> memref<20x64xf32, #tpu.memory_space<vmem>>
      %dma_wait3A_1788 = arith.constant 0 : i32
      %dma_wait3A_1789 = arith.constant 0 : i32
      %dma_wait3A_1790 = tpu.memref_slice %arg4[%add3A_868, %dma_wait3A_1788, %dma_wait3A_1789] : memref<16384x20x64xf32, #tpu.memory_space<hbm>> -> memref<1x20x64xf32, #tpu.memory_space<hbm>>
      %dma_wait3A_1791 = tpu.memref_squeeze %dma_wait3A_1790 : memref<1x20x64xf32, #tpu.memory_space<hbm>> -> memref<20x64xf32, #tpu.memory_space<hbm>>
      %dma_wait3A_1792 = arith.constant 0 : i32
      %dma_wait3A_1793 = arith.constant 0 : i32
      %dma_wait3A_1794 = tpu.memref_slice %arg4[%add3A_868, %dma_wait3A_1792, %dma_wait3A_1793] : memref<16384x20x64xf32, #tpu.memory_space<hbm>> -> memref<1x20x64xf32, #tpu.memory_space<hbm>>
      %dma_wait3A_1795 = tpu.memref_squeeze %dma_wait3A_1794 : memref<1x20x64xf32, #tpu.memory_space<hbm>> -> memref<20x64xf32, #tpu.memory_space<hbm>>
      %dma_wait3A_1796 = arith.constant 1060 : i32
      %dma_wait3A_1797 = arith.constant 0 : i32
      %dma_wait3A_1798 = tpu.memref_slice %arg6[%dma_wait3A_1796, %dma_wait3A_1797] : memref<1280x64xf32, #tpu.memory_space<vmem>> -> memref<20x64xf32, #tpu.memory_space<vmem>>
      tpu.wait_dma2 semaphore(%arg7 : memref<!tpu.dma_semaphore, #tpu.memory_space<semaphore_mem>>) src(%dma_wait3A_1798 : memref<20x64xf32, #tpu.memory_space<vmem>>) dst(%dma_wait3A_1795 : memref<20x64xf32, #tpu.memory_space<hbm>>)
      %dma_wait3A_1799 = arith.constant 1080 : i32
      %dma_wait3A_1800 = arith.constant 0 : i32
      %dma_wait3A_1801 = tpu.memref_slice %arg6[%dma_wait3A_1799, %dma_wait3A_1800] : memref<1280x64xf32, #tpu.memory_space<vmem>> -> memref<20x64xf32, #tpu.memory_space<vmem>>
      %dma_wait3A_1802 = arith.constant 0 : i32
      %dma_wait3A_1803 = arith.constant 0 : i32
      %dma_wait3A_1804 = tpu.memref_slice %arg4[%add3A_884, %dma_wait3A_1802, %dma_wait3A_1803] : memref<16384x20x64xf32, #tpu.memory_space<hbm>> -> memref<1x20x64xf32, #tpu.memory_space<hbm>>
      %dma_wait3A_1805 = tpu.memref_squeeze %dma_wait3A_1804 : memref<1x20x64xf32, #tpu.memory_space<hbm>> -> memref<20x64xf32, #tpu.memory_space<hbm>>
      %dma_wait3A_1806 = arith.constant 0 : i32
      %dma_wait3A_1807 = arith.constant 0 : i32
      %dma_wait3A_1808 = tpu.memref_slice %arg4[%add3A_884, %dma_wait3A_1806, %dma_wait3A_1807] : memref<16384x20x64xf32, #tpu.memory_space<hbm>> -> memref<1x20x64xf32, #tpu.memory_space<hbm>>
      %dma_wait3A_1809 = tpu.memref_squeeze %dma_wait3A_1808 : memref<1x20x64xf32, #tpu.memory_space<hbm>> -> memref<20x64xf32, #tpu.memory_space<hbm>>
      %dma_wait3A_1810 = arith.constant 1080 : i32
      %dma_wait3A_1811 = arith.constant 0 : i32
      %dma_wait3A_1812 = tpu.memref_slice %arg6[%dma_wait3A_1810, %dma_wait3A_1811] : memref<1280x64xf32, #tpu.memory_space<vmem>> -> memref<20x64xf32, #tpu.memory_space<vmem>>
      tpu.wait_dma2 semaphore(%arg7 : memref<!tpu.dma_semaphore, #tpu.memory_space<semaphore_mem>>) src(%dma_wait3A_1812 : memref<20x64xf32, #tpu.memory_space<vmem>>) dst(%dma_wait3A_1809 : memref<20x64xf32, #tpu.memory_space<hbm>>)
      %dma_wait3A_1813 = arith.constant 1100 : i32
      %dma_wait3A_1814 = arith.constant 0 : i32
      %dma_wait3A_1815 = tpu.memref_slice %arg6[%dma_wait3A_1813, %dma_wait3A_1814] : memref<1280x64xf32, #tpu.memory_space<vmem>> -> memref<20x64xf32, #tpu.memory_space<vmem>>
      %dma_wait3A_1816 = arith.constant 0 : i32
      %dma_wait3A_1817 = arith.constant 0 : i32
      %dma_wait3A_1818 = tpu.memref_slice %arg4[%add3A_900, %dma_wait3A_1816, %dma_wait3A_1817] : memref<16384x20x64xf32, #tpu.memory_space<hbm>> -> memref<1x20x64xf32, #tpu.memory_space<hbm>>
      %dma_wait3A_1819 = tpu.memref_squeeze %dma_wait3A_1818 : memref<1x20x64xf32, #tpu.memory_space<hbm>> -> memref<20x64xf32, #tpu.memory_space<hbm>>
      %dma_wait3A_1820 = arith.constant 0 : i32
      %dma_wait3A_1821 = arith.constant 0 : i32
      %dma_wait3A_1822 = tpu.memref_slice %arg4[%add3A_900, %dma_wait3A_1820, %dma_wait3A_1821] : memref<16384x20x64xf32, #tpu.memory_space<hbm>> -> memref<1x20x64xf32, #tpu.memory_space<hbm>>
      %dma_wait3A_1823 = tpu.memref_squeeze %dma_wait3A_1822 : memref<1x20x64xf32, #tpu.memory_space<hbm>> -> memref<20x64xf32, #tpu.memory_space<hbm>>
      %dma_wait3A_1824 = arith.constant 1100 : i32
      %dma_wait3A_1825 = arith.constant 0 : i32
      %dma_wait3A_1826 = tpu.memref_slice %arg6[%dma_wait3A_1824, %dma_wait3A_1825] : memref<1280x64xf32, #tpu.memory_space<vmem>> -> memref<20x64xf32, #tpu.memory_space<vmem>>
      tpu.wait_dma2 semaphore(%arg7 : memref<!tpu.dma_semaphore, #tpu.memory_space<semaphore_mem>>) src(%dma_wait3A_1826 : memref<20x64xf32, #tpu.memory_space<vmem>>) dst(%dma_wait3A_1823 : memref<20x64xf32, #tpu.memory_space<hbm>>)
      %dma_wait3A_1827 = arith.constant 1120 : i32
      %dma_wait3A_1828 = arith.constant 0 : i32
      %dma_wait3A_1829 = tpu.memref_slice %arg6[%dma_wait3A_1827, %dma_wait3A_1828] : memref<1280x64xf32, #tpu.memory_space<vmem>> -> memref<20x64xf32, #tpu.memory_space<vmem>>
      %dma_wait3A_1830 = arith.constant 0 : i32
      %dma_wait3A_1831 = arith.constant 0 : i32
      %dma_wait3A_1832 = tpu.memref_slice %arg4[%add3A_916, %dma_wait3A_1830, %dma_wait3A_1831] : memref<16384x20x64xf32, #tpu.memory_space<hbm>> -> memref<1x20x64xf32, #tpu.memory_space<hbm>>
      %dma_wait3A_1833 = tpu.memref_squeeze %dma_wait3A_1832 : memref<1x20x64xf32, #tpu.memory_space<hbm>> -> memref<20x64xf32, #tpu.memory_space<hbm>>
      %dma_wait3A_1834 = arith.constant 0 : i32
      %dma_wait3A_1835 = arith.constant 0 : i32
      %dma_wait3A_1836 = tpu.memref_slice %arg4[%add3A_916, %dma_wait3A_1834, %dma_wait3A_1835] : memref<16384x20x64xf32, #tpu.memory_space<hbm>> -> memref<1x20x64xf32, #tpu.memory_space<hbm>>
      %dma_wait3A_1837 = tpu.memref_squeeze %dma_wait3A_1836 : memref<1x20x64xf32, #tpu.memory_space<hbm>> -> memref<20x64xf32, #tpu.memory_space<hbm>>
      %dma_wait3A_1838 = arith.constant 1120 : i32
      %dma_wait3A_1839 = arith.constant 0 : i32
      %dma_wait3A_1840 = tpu.memref_slice %arg6[%dma_wait3A_1838, %dma_wait3A_1839] : memref<1280x64xf32, #tpu.memory_space<vmem>> -> memref<20x64xf32, #tpu.memory_space<vmem>>
      tpu.wait_dma2 semaphore(%arg7 : memref<!tpu.dma_semaphore, #tpu.memory_space<semaphore_mem>>) src(%dma_wait3A_1840 : memref<20x64xf32, #tpu.memory_space<vmem>>) dst(%dma_wait3A_1837 : memref<20x64xf32, #tpu.memory_space<hbm>>)
      %dma_wait3A_1841 = arith.constant 1140 : i32
      %dma_wait3A_1842 = arith.constant 0 : i32
      %dma_wait3A_1843 = tpu.memref_slice %arg6[%dma_wait3A_1841, %dma_wait3A_1842] : memref<1280x64xf32, #tpu.memory_space<vmem>> -> memref<20x64xf32, #tpu.memory_space<vmem>>
      %dma_wait3A_1844 = arith.constant 0 : i32
      %dma_wait3A_1845 = arith.constant 0 : i32
      %dma_wait3A_1846 = tpu.memref_slice %arg4[%add3A_932, %dma_wait3A_1844, %dma_wait3A_1845] : memref<16384x20x64xf32, #tpu.memory_space<hbm>> -> memref<1x20x64xf32, #tpu.memory_space<hbm>>
      %dma_wait3A_1847 = tpu.memref_squeeze %dma_wait3A_1846 : memref<1x20x64xf32, #tpu.memory_space<hbm>> -> memref<20x64xf32, #tpu.memory_space<hbm>>
      %dma_wait3A_1848 = arith.constant 0 : i32
      %dma_wait3A_1849 = arith.constant 0 : i32
      %dma_wait3A_1850 = tpu.memref_slice %arg4[%add3A_932, %dma_wait3A_1848, %dma_wait3A_1849] : memref<16384x20x64xf32, #tpu.memory_space<hbm>> -> memref<1x20x64xf32, #tpu.memory_space<hbm>>
      %dma_wait3A_1851 = tpu.memref_squeeze %dma_wait3A_1850 : memref<1x20x64xf32, #tpu.memory_space<hbm>> -> memref<20x64xf32, #tpu.memory_space<hbm>>
      %dma_wait3A_1852 = arith.constant 1140 : i32
      %dma_wait3A_1853 = arith.constant 0 : i32
      %dma_wait3A_1854 = tpu.memref_slice %arg6[%dma_wait3A_1852, %dma_wait3A_1853] : memref<1280x64xf32, #tpu.memory_space<vmem>> -> memref<20x64xf32, #tpu.memory_space<vmem>>
      tpu.wait_dma2 semaphore(%arg7 : memref<!tpu.dma_semaphore, #tpu.memory_space<semaphore_mem>>) src(%dma_wait3A_1854 : memref<20x64xf32, #tpu.memory_space<vmem>>) dst(%dma_wait3A_1851 : memref<20x64xf32, #tpu.memory_space<hbm>>)
      %dma_wait3A_1855 = arith.constant 1160 : i32
      %dma_wait3A_1856 = arith.constant 0 : i32
      %dma_wait3A_1857 = tpu.memref_slice %arg6[%dma_wait3A_1855, %dma_wait3A_1856] : memref<1280x64xf32, #tpu.memory_space<vmem>> -> memref<20x64xf32, #tpu.memory_space<vmem>>
      %dma_wait3A_1858 = arith.constant 0 : i32
      %dma_wait3A_1859 = arith.constant 0 : i32
      %dma_wait3A_1860 = tpu.memref_slice %arg4[%add3A_948, %dma_wait3A_1858, %dma_wait3A_1859] : memref<16384x20x64xf32, #tpu.memory_space<hbm>> -> memref<1x20x64xf32, #tpu.memory_space<hbm>>
      %dma_wait3A_1861 = tpu.memref_squeeze %dma_wait3A_1860 : memref<1x20x64xf32, #tpu.memory_space<hbm>> -> memref<20x64xf32, #tpu.memory_space<hbm>>
      %dma_wait3A_1862 = arith.constant 0 : i32
      %dma_wait3A_1863 = arith.constant 0 : i32
      %dma_wait3A_1864 = tpu.memref_slice %arg4[%add3A_948, %dma_wait3A_1862, %dma_wait3A_1863] : memref<16384x20x64xf32, #tpu.memory_space<hbm>> -> memref<1x20x64xf32, #tpu.memory_space<hbm>>
      %dma_wait3A_1865 = tpu.memref_squeeze %dma_wait3A_1864 : memref<1x20x64xf32, #tpu.memory_space<hbm>> -> memref<20x64xf32, #tpu.memory_space<hbm>>
      %dma_wait3A_1866 = arith.constant 1160 : i32
      %dma_wait3A_1867 = arith.constant 0 : i32
      %dma_wait3A_1868 = tpu.memref_slice %arg6[%dma_wait3A_1866, %dma_wait3A_1867] : memref<1280x64xf32, #tpu.memory_space<vmem>> -> memref<20x64xf32, #tpu.memory_space<vmem>>
      tpu.wait_dma2 semaphore(%arg7 : memref<!tpu.dma_semaphore, #tpu.memory_space<semaphore_mem>>) src(%dma_wait3A_1868 : memref<20x64xf32, #tpu.memory_space<vmem>>) dst(%dma_wait3A_1865 : memref<20x64xf32, #tpu.memory_space<hbm>>)
      %dma_wait3A_1869 = arith.constant 1180 : i32
      %dma_wait3A_1870 = arith.constant 0 : i32
      %dma_wait3A_1871 = tpu.memref_slice %arg6[%dma_wait3A_1869, %dma_wait3A_1870] : memref<1280x64xf32, #tpu.memory_space<vmem>> -> memref<20x64xf32, #tpu.memory_space<vmem>>
      %dma_wait3A_1872 = arith.constant 0 : i32
      %dma_wait3A_1873 = arith.constant 0 : i32
      %dma_wait3A_1874 = tpu.memref_slice %arg4[%add3A_964, %dma_wait3A_1872, %dma_wait3A_1873] : memref<16384x20x64xf32, #tpu.memory_space<hbm>> -> memref<1x20x64xf32, #tpu.memory_space<hbm>>
      %dma_wait3A_1875 = tpu.memref_squeeze %dma_wait3A_1874 : memref<1x20x64xf32, #tpu.memory_space<hbm>> -> memref<20x64xf32, #tpu.memory_space<hbm>>
      %dma_wait3A_1876 = arith.constant 0 : i32
      %dma_wait3A_1877 = arith.constant 0 : i32
      %dma_wait3A_1878 = tpu.memref_slice %arg4[%add3A_964, %dma_wait3A_1876, %dma_wait3A_1877] : memref<16384x20x64xf32, #tpu.memory_space<hbm>> -> memref<1x20x64xf32, #tpu.memory_space<hbm>>
      %dma_wait3A_1879 = tpu.memref_squeeze %dma_wait3A_1878 : memref<1x20x64xf32, #tpu.memory_space<hbm>> -> memref<20x64xf32, #tpu.memory_space<hbm>>
      %dma_wait3A_1880 = arith.constant 1180 : i32
      %dma_wait3A_1881 = arith.constant 0 : i32
      %dma_wait3A_1882 = tpu.memref_slice %arg6[%dma_wait3A_1880, %dma_wait3A_1881] : memref<1280x64xf32, #tpu.memory_space<vmem>> -> memref<20x64xf32, #tpu.memory_space<vmem>>
      tpu.wait_dma2 semaphore(%arg7 : memref<!tpu.dma_semaphore, #tpu.memory_space<semaphore_mem>>) src(%dma_wait3A_1882 : memref<20x64xf32, #tpu.memory_space<vmem>>) dst(%dma_wait3A_1879 : memref<20x64xf32, #tpu.memory_space<hbm>>)
      %dma_wait3A_1883 = arith.constant 1200 : i32
      %dma_wait3A_1884 = arith.constant 0 : i32
      %dma_wait3A_1885 = tpu.memref_slice %arg6[%dma_wait3A_1883, %dma_wait3A_1884] : memref<1280x64xf32, #tpu.memory_space<vmem>> -> memref<20x64xf32, #tpu.memory_space<vmem>>
      %dma_wait3A_1886 = arith.constant 0 : i32
      %dma_wait3A_1887 = arith.constant 0 : i32
      %dma_wait3A_1888 = tpu.memref_slice %arg4[%add3A_980, %dma_wait3A_1886, %dma_wait3A_1887] : memref<16384x20x64xf32, #tpu.memory_space<hbm>> -> memref<1x20x64xf32, #tpu.memory_space<hbm>>
      %dma_wait3A_1889 = tpu.memref_squeeze %dma_wait3A_1888 : memref<1x20x64xf32, #tpu.memory_space<hbm>> -> memref<20x64xf32, #tpu.memory_space<hbm>>
      %dma_wait3A_1890 = arith.constant 0 : i32
      %dma_wait3A_1891 = arith.constant 0 : i32
      %dma_wait3A_1892 = tpu.memref_slice %arg4[%add3A_980, %dma_wait3A_1890, %dma_wait3A_1891] : memref<16384x20x64xf32, #tpu.memory_space<hbm>> -> memref<1x20x64xf32, #tpu.memory_space<hbm>>
      %dma_wait3A_1893 = tpu.memref_squeeze %dma_wait3A_1892 : memref<1x20x64xf32, #tpu.memory_space<hbm>> -> memref<20x64xf32, #tpu.memory_space<hbm>>
      %dma_wait3A_1894 = arith.constant 1200 : i32
      %dma_wait3A_1895 = arith.constant 0 : i32
      %dma_wait3A_1896 = tpu.memref_slice %arg6[%dma_wait3A_1894, %dma_wait3A_1895] : memref<1280x64xf32, #tpu.memory_space<vmem>> -> memref<20x64xf32, #tpu.memory_space<vmem>>
      tpu.wait_dma2 semaphore(%arg7 : memref<!tpu.dma_semaphore, #tpu.memory_space<semaphore_mem>>) src(%dma_wait3A_1896 : memref<20x64xf32, #tpu.memory_space<vmem>>) dst(%dma_wait3A_1893 : memref<20x64xf32, #tpu.memory_space<hbm>>)
      %dma_wait3A_1897 = arith.constant 1220 : i32
      %dma_wait3A_1898 = arith.constant 0 : i32
      %dma_wait3A_1899 = tpu.memref_slice %arg6[%dma_wait3A_1897, %dma_wait3A_1898] : memref<1280x64xf32, #tpu.memory_space<vmem>> -> memref<20x64xf32, #tpu.memory_space<vmem>>
      %dma_wait3A_1900 = arith.constant 0 : i32
      %dma_wait3A_1901 = arith.constant 0 : i32
      %dma_wait3A_1902 = tpu.memref_slice %arg4[%add3A_996, %dma_wait3A_1900, %dma_wait3A_1901] : memref<16384x20x64xf32, #tpu.memory_space<hbm>> -> memref<1x20x64xf32, #tpu.memory_space<hbm>>
      %dma_wait3A_1903 = tpu.memref_squeeze %dma_wait3A_1902 : memref<1x20x64xf32, #tpu.memory_space<hbm>> -> memref<20x64xf32, #tpu.memory_space<hbm>>
      %dma_wait3A_1904 = arith.constant 0 : i32
      %dma_wait3A_1905 = arith.constant 0 : i32
      %dma_wait3A_1906 = tpu.memref_slice %arg4[%add3A_996, %dma_wait3A_1904, %dma_wait3A_1905] : memref<16384x20x64xf32, #tpu.memory_space<hbm>> -> memref<1x20x64xf32, #tpu.memory_space<hbm>>
      %dma_wait3A_1907 = tpu.memref_squeeze %dma_wait3A_1906 : memref<1x20x64xf32, #tpu.memory_space<hbm>> -> memref<20x64xf32, #tpu.memory_space<hbm>>
      %dma_wait3A_1908 = arith.constant 1220 : i32
      %dma_wait3A_1909 = arith.constant 0 : i32
      %dma_wait3A_1910 = tpu.memref_slice %arg6[%dma_wait3A_1908, %dma_wait3A_1909] : memref<1280x64xf32, #tpu.memory_space<vmem>> -> memref<20x64xf32, #tpu.memory_space<vmem>>
      tpu.wait_dma2 semaphore(%arg7 : memref<!tpu.dma_semaphore, #tpu.memory_space<semaphore_mem>>) src(%dma_wait3A_1910 : memref<20x64xf32, #tpu.memory_space<vmem>>) dst(%dma_wait3A_1907 : memref<20x64xf32, #tpu.memory_space<hbm>>)
      %dma_wait3A_1911 = arith.constant 1240 : i32
      %dma_wait3A_1912 = arith.constant 0 : i32
      %dma_wait3A_1913 = tpu.memref_slice %arg6[%dma_wait3A_1911, %dma_wait3A_1912] : memref<1280x64xf32, #tpu.memory_space<vmem>> -> memref<20x64xf32, #tpu.memory_space<vmem>>
      %dma_wait3A_1914 = arith.constant 0 : i32
      %dma_wait3A_1915 = arith.constant 0 : i32
      %dma_wait3A_1916 = tpu.memref_slice %arg4[%add3A_1012, %dma_wait3A_1914, %dma_wait3A_1915] : memref<16384x20x64xf32, #tpu.memory_space<hbm>> -> memref<1x20x64xf32, #tpu.memory_space<hbm>>
      %dma_wait3A_1917 = tpu.memref_squeeze %dma_wait3A_1916 : memref<1x20x64xf32, #tpu.memory_space<hbm>> -> memref<20x64xf32, #tpu.memory_space<hbm>>
      %dma_wait3A_1918 = arith.constant 0 : i32
      %dma_wait3A_1919 = arith.constant 0 : i32
      %dma_wait3A_1920 = tpu.memref_slice %arg4[%add3A_1012, %dma_wait3A_1918, %dma_wait3A_1919] : memref<16384x20x64xf32, #tpu.memory_space<hbm>> -> memref<1x20x64xf32, #tpu.memory_space<hbm>>
      %dma_wait3A_1921 = tpu.memref_squeeze %dma_wait3A_1920 : memref<1x20x64xf32, #tpu.memory_space<hbm>> -> memref<20x64xf32, #tpu.memory_space<hbm>>
      %dma_wait3A_1922 = arith.constant 1240 : i32
      %dma_wait3A_1923 = arith.constant 0 : i32
      %dma_wait3A_1924 = tpu.memref_slice %arg6[%dma_wait3A_1922, %dma_wait3A_1923] : memref<1280x64xf32, #tpu.memory_space<vmem>> -> memref<20x64xf32, #tpu.memory_space<vmem>>
      tpu.wait_dma2 semaphore(%arg7 : memref<!tpu.dma_semaphore, #tpu.memory_space<semaphore_mem>>) src(%dma_wait3A_1924 : memref<20x64xf32, #tpu.memory_space<vmem>>) dst(%dma_wait3A_1921 : memref<20x64xf32, #tpu.memory_space<hbm>>)
      %dma_wait3A_1925 = arith.constant 1260 : i32
      %dma_wait3A_1926 = arith.constant 0 : i32
      %dma_wait3A_1927 = tpu.memref_slice %arg6[%dma_wait3A_1925, %dma_wait3A_1926] : memref<1280x64xf32, #tpu.memory_space<vmem>> -> memref<20x64xf32, #tpu.memory_space<vmem>>
      %dma_wait3A_1928 = arith.constant 0 : i32
      %dma_wait3A_1929 = arith.constant 0 : i32
      %dma_wait3A_1930 = tpu.memref_slice %arg4[%add3A_1028, %dma_wait3A_1928, %dma_wait3A_1929] : memref<16384x20x64xf32, #tpu.memory_space<hbm>> -> memref<1x20x64xf32, #tpu.memory_space<hbm>>
      %dma_wait3A_1931 = tpu.memref_squeeze %dma_wait3A_1930 : memref<1x20x64xf32, #tpu.memory_space<hbm>> -> memref<20x64xf32, #tpu.memory_space<hbm>>
      %dma_wait3A_1932 = arith.constant 0 : i32
      %dma_wait3A_1933 = arith.constant 0 : i32
      %dma_wait3A_1934 = tpu.memref_slice %arg4[%add3A_1028, %dma_wait3A_1932, %dma_wait3A_1933] : memref<16384x20x64xf32, #tpu.memory_space<hbm>> -> memref<1x20x64xf32, #tpu.memory_space<hbm>>
      %dma_wait3A_1935 = tpu.memref_squeeze %dma_wait3A_1934 : memref<1x20x64xf32, #tpu.memory_space<hbm>> -> memref<20x64xf32, #tpu.memory_space<hbm>>
      %dma_wait3A_1936 = arith.constant 1260 : i32
      %dma_wait3A_1937 = arith.constant 0 : i32
      %dma_wait3A_1938 = tpu.memref_slice %arg6[%dma_wait3A_1936, %dma_wait3A_1937] : memref<1280x64xf32, #tpu.memory_space<vmem>> -> memref<20x64xf32, #tpu.memory_space<vmem>>
      tpu.wait_dma2 semaphore(%arg7 : memref<!tpu.dma_semaphore, #tpu.memory_space<semaphore_mem>>) src(%dma_wait3A_1938 : memref<20x64xf32, #tpu.memory_space<vmem>>) dst(%dma_wait3A_1935 : memref<20x64xf32, #tpu.memory_space<hbm>>)
    }
    %scan3A_6 = arith.constant 8 : i32
    return
  }
}

</mosaic_0001>

<sc_bundles>
// kernel: kernel.3.cloned.1.call-start
scs
__scs_entry_jumppad:
0x0: {  	(pc) =	sbr.rel $0x88, $3  }
0x1: {  	(tag) =	ssettag $0x0;
	lr =	simm.s32 $0x1  }
0x2: {  	[smem:$0x3F9F] =	sst lr;
	_ =	strace $0xD0000000  }
0x3: {  	_ = 	snop  }
0x4: {  	_ = 	snop  }
0x5: {  	_ = 	snop  }
0x6: {  	_ = 	snop  }
0x7: {  	_ = 	snop  }
__scs_overlays_trampoline_lowered:
0x8: {  	[smem:$0x3FAE] =	sst s0  }
0x9: {  	[smem:$0x3FAF] =	sst s1  }
0xa: {  	[smem:$0x3FB0] =	sst s2  }
0xb: {  	[smem:$0x3FB1] =	sst s3  }
0xc: {  	[smem:$0x3FB2] =	sst s4  }
0xd: {  	[smem:$0x3FB3] =	sst s5  }
0xe: {  	[smem:$0x3FB4] =	sst s6  }
0xf: {  	[smem:$0x3FB5] =	sst s7  }
0x10: {  	[smem:$0x3FB6] =	sst s8  }
0x11: {  	[smem:$0x3FB7] =	sst s9;
	s0 =	simm.s32 @!p0 $0x0  }
0x12: {  	s1 =	sld [smem:$0x3F9D];
	s0 =	simm.s32 @p0 $0x1  }
0x13: {  	[smem:$0x3FB8] =	sst s0;
	s0 =	simm.s32 @!p1 $0x0  }
0x14: {  	s2 =	sld [smem:$0x3F9C];
	s0 =	simm.s32 @p1 $0x1  }
0x15: {  	[smem:$0x3FB9] =	sst s0;
	s0 =	simm.s32 @!p2 $0x0  }
0x16: {  	s3 =	sld [smem:$0x3FDB];
	s0 =	simm.s32 @p2 $0x1  }
0x17: {  	s4 =	simm.s32 $0x1BF5;
	[smem:$0x3FBB] =	sst s0  }
0x18: {  	s0 =	sld [smem:$0x3F9E];
	_ =	swait.ge [sflag:s4], $0x0  }
0x19: {  	s7 =	sld [smem:$0x3F9F]  }
0x1a: {  	s8 =	sadd.s32 $0xFFFFE003, lr  }
0x1b: {  	s9 =	sadd.s32 $0xFFFFFEF7, lr;
	s5 =	simm.s32 $0xFFFFFFFF;
	p2 =	slt.u32 s8, $0xFFFFF086  }
0x1c: {  	p1 =	slt.u32 s9, $0xF7A;
	s5 =	simm.s32 @!p2 $0x0  }
0x1d: {  	s5 =	simm.s32 @p1 $0x1;
	p0 =	seq.s32 s7, s2  }
0x1e: {  	s7 =	smul.u32 @!p0 $0xF7A, s2;
	p2 =	seq.s32 @!p0 s5, $0x0  }
0x1f: {  	s9 =	smul.u32 $0xF7A, s1;
	s8 =	simm.s32 @!p0 $0x1BF5;
	p2 =	por !p2, p0  }
0x20: {  	[sflag:s8] =	ssyncset.s32 @!p0 $0xFFFFF086;
	s6 =	sadd.s32 @!p0 s3, s7;
	s7 =	simm.s32 @!p0 $0x108  }
0x21: {  	s3 =	sadd.s32 s3, s9;
	s6 =	sadd.s32 @!p0 $0x88, s6;
	s7 =	simm.s32 @p2 $0x1082  }
0x22: {  	[simem:s7], [sflag:s8] =	dma.local @!p0 [hbm:s6], $0xF7A  }
0x23: {  	s9 =	sor.u32 $0xD0000000, s2;
	s6 =	simm.s32 $0x108;
	_ =	swait.ge @!p0 [sflag:s8], $0x0  }
0x24: {  	s3 =	sadd.s32 $0x88, s3;
	s6 =	simm.s32 @!p1 $0x1082;
	[sflag:s4] =	ssyncset.s32 $0xFFFFF086  }
0x25: {  	[simem:s6], [sflag:s4] =	dma.local [hbm:s3], $0xF7A  }
0x26: {  	[smem:$0x3F9F] =	sst s1;
	(tag) =	ssettag s2;
	_ =	strace s9  }
0x27: {  	s1 =	sld [smem:$0x3FAF]  }
0x28: {  	s2 =	sld [smem:$0x3FB0]  }
0x29: {  	s4 =	sld [smem:$0x3FB2]  }
0x2a: {  	p0 =	seq.s32 s5, $0x0;
	s5 =	sld [smem:$0x3FB3]  }
0x2b: {  	s6 =	sld [smem:$0x3FB4]  }
0x2c: {  	s7 =	sld [smem:$0x3FB5]  }
0x2d: {  	s3 =	simm.s32 $0x108;
	s8 =	sld [smem:$0x3FB6]  }
0x2e: {  	s3 =	simm.s32 @!p0 $0x1082;
	s9 =	sld [smem:$0x3FB7]  }
0x2f: {  	lr =	sadd.s32 s0, s3;
	s0 =	sld [smem:$0x3FAE]  }
0x30: {  	s3 =	sld [smem:$0x3FB1]  }
0x31: {  	[smem:$0x3FBA] =	sst s10  }
0x32: {  	s10 =	sld [smem:$0x3FB8];
	_ =	sdelay $0x3  }
0x33: {  	p0 =	seq.s32 s10, $0x1;
	s10 =	sld [smem:$0x3FBA];
	_ =	sdelay $0x3  }
0x34: {  	[smem:$0x3FBA] =	sst s10  }
0x35: {  	s10 =	sld [smem:$0x3FB9];
	_ =	sdelay $0x3  }
0x36: {  	p1 =	seq.s32 s10, $0x1;
	s10 =	sld [smem:$0x3FBA];
	_ =	sdelay $0x3  }
0x37: {  	[smem:$0x3FBA] =	sst s10  }
0x38: {  	s10 =	sld [smem:$0x3FBB]  }
0x39: {  	_ = 	snop;
	(pc) =	sbr.ind lr, $3  }
0x3a: {  	_ = 	snop  }
0x3b: {  	_ = 	snop  }
0x3c: {  	p2 =	seq.s32 s10, $0x1;
	s10 =	sld [smem:$0x3FBA]  }
0x3d: {  	_ =	shalt  }
0x3e: {  	_ =	shalt  }
0x3f: {  	_ =	shalt  }
0x40: {  	_ =	shalt  }
0x41: {  	_ =	shalt  }
0x42: {  	_ =	shalt  }
0x43: {  	_ =	shalt  }
0x44: {  	_ =	shalt  }
0x45: {  	_ =	shalt  }
0x46: {  	_ =	shalt  }
0x47: {  	_ =	shalt  }
0x48: {  	_ =	shalt  }
0x49: {  	_ =	shalt  }
0x4a: {  	_ =	shalt  }
0x4b: {  	_ =	shalt  }
0x4c: {  	_ =	shalt  }
0x4d: {  	_ =	shalt  }
0x4e: {  	_ =	shalt  }
0x4f: {  	_ =	shalt  }
0x50: {  	_ =	shalt  }
0x51: {  	_ =	shalt  }
0x52: {  	_ =	shalt  }
0x53: {  	_ =	shalt  }
0x54: {  	_ =	shalt  }
0x55: {  	_ =	shalt  }
0x56: {  	_ =	shalt  }
0x57: {  	_ =	shalt  }
0x58: {  	_ =	shalt  }
0x59: {  	_ =	shalt  }
0x5a: {  	_ =	shalt  }
0x5b: {  	_ =	shalt  }
0x5c: {  	_ =	shalt  }
0x5d: {  	_ =	shalt  }
0x5e: {  	_ =	shalt  }
0x5f: {  	_ =	shalt  }
0x60: {  	_ =	shalt  }
0x61: {  	_ =	shalt  }
0x62: {  	_ =	shalt  }
0x63: {  	_ =	shalt  }
0x64: {  	_ =	shalt  }
0x65: {  	_ =	shalt  }
0x66: {  	_ =	shalt  }
0x67: {  	_ =	shalt  }
0x68: {  	_ =	shalt  }
0x69: {  	_ =	shalt  }
0x6a: {  	_ =	shalt  }
0x6b: {  	_ =	shalt  }
0x6c: {  	_ =	shalt  }
0x6d: {  	_ =	shalt  }
0x6e: {  	_ =	shalt  }
0x6f: {  	_ =	shalt  }
0x70: {  	_ =	shalt  }
0x71: {  	_ =	shalt  }
0x72: {  	_ =	shalt  }
0x73: {  	_ =	shalt  }
0x74: {  	_ =	shalt  }
0x75: {  	_ =	shalt  }
0x76: {  	_ =	shalt  }
0x77: {  	_ =	shalt  }
0x78: {  	_ =	shalt  }
0x79: {  	_ =	shalt  }
0x7a: {  	_ =	shalt  }
0x7b: {  	_ =	shalt  }
0x7c: {  	_ =	shalt  }
0x7d: {  	_ =	shalt  }
0x7e: {  	_ =	shalt  }
0x7f: {  	_ =	shalt  }
0x80: {  	_ =	shalt  }
0x81: {  	_ =	shalt  }
0x82: {  	_ =	shalt  }
0x83: {  	_ =	shalt  }
0x84: {  	_ =	shalt  }
0x85: {  	_ =	shalt  }
0x86: {  	_ =	shalt  }
0x87: {  	_ =	shalt  }
.Lfunc_end0:
.L_simem_size_0:
called_computation.1_lowered:
.L_overlay_start_0:
0x88: {  	s2 =	sld [smem:$0x3FD9]  }
0x89: {  	s3 =	sld [smem:$0x3FFE];
	_ =	sdelay $0x1  }
0x8a: {  	s1 =	srdreg.scid  }
0x8b: {  	s0 =	sand.u32 $0x1, s1  }
0x8c: {  	s17 =	sshll.u32 s0, $0xA;
	s2 =	sadd.s32 s3, s2  }
0x8d: {  	s2 =	sadd.s32 s2, s17  }
0x8e: {  	[smem:$0x3FC6] =	sst s2  }
0x8f: {  	_ = 	snop  }
0x90: {  	s2 =	sld [smem:$0x3FD0];
	(tm) =	ssettm $0x1  }
0x91: {  	s18 =	sld [smem:$0x3FFB];
	_ =	sdelay $0x3  }
0x92: {  	_ =	strace s18  }
0x93: {  	s3 =	sld [smem:$0x3FFC];
	_ =	sdelay $0x3  }
0x94: {  	_ =	strace s3  }
0x95: {  	s3 =	sld [smem:$0x3FFD];
	_ =	sdelay $0x3  }
0x96: {  	_ =	strace s3  }
0x97: {  	_ =	strace $0x8FFFFFFF  }
0x98: {  	s19 =	sld [smem:$0x3FDB];
	_ =	sdelay $0x1  }
0x99: {  	s4 =	simm.s32 $_scs_section_size  }
0x9a: {  	s5 =	simm.s32 $_size__tile_overlayer_lowered;
	s6 =	simm.s32 $_tile_overlayer_lowered  }
0x9b: {  	s22 =	simm.s32 $0x1BFF;
	s21 =	sshll.u32 s6, $0x1;
	s3 =	sadd.s32 s4, s19  }
0x9c: {  	s7 =	simm.s32 $0x0;
	s20 =	sshll.u32 s5, $0x1;
	s5 =	sadd.s32 s21, s3  }
0x9d: {  	[timem:s7], [sflag:s22] =	dma.local [hbm:s5], s20  }
0x9e: {  	_ =	swait.ge [sflag:s22], s20  }
0x9f: {  	s4 =	ssub.s32 $0x0, s20;
	[sflag:s22] =	ssyncset.done $0x0  }
0xa0: {  	[sflag:s22] =	ssyncadd.s32 s4;
	_ =	sdelay $0x1  }
0xa1: {  	s23 =	simm.s32 $0x1B8B  }
0xa2: {  	_ =	swait.ge [sflag:s23], $0x1  }
0xa3: {  	[sflag:s23] =	ssyncset.done $0x0  }
0xa4: {  	s25 =	simm.s32 $0x1B8E;
	s24 =	sld [smem:$0x3FFE];
	[sflag:s23] =	ssyncadd.s32 $0xFFFFFFFF  }
0xa5: {  	s26 =	simm.s32 $execute0_lowered;
	[smem:$0x3FD2] =	sst s25  }
0xa6: {  	s5 =	sshll.u32 s26, $0x1;
	_ =	strace $0x80000046;
	[dreg:$0x1] =	wrdreg $0xFFFFFFFF  }
0xa7: {  	s28 =	simm.s32 $_size_execute0_lowered;
	s3 =	sadd.s32 s3, s5;
	[dreg:$0x0] =	wrdreg $0x0  }
0xa8: {  	s5 =	sshll.u32 s28, $0x1;
	[dreg:$0x2] =	wrdreg s3  }
0xa9: {  	[dreg:$0x3] =	wrdreg s5  }
0xaa: {  	[dreg:$0x4] =	wrdreg $0xC0  }
0xab: {  	_ =	task [dreg:s7], $0x5FFFF  }
0xac: {  	[dreg:$0x1] =	wrdreg $0xFFFFFFFF  }
0xad: {  	[dreg:$0x0] =	wrdreg $0x60  }
0xae: {  	[dreg:$0x2] =	wrdreg s24  }
0xaf: {  	[dreg:$0x3] =	wrdreg s2  }
0xb0: {  	[dreg:$0x4] =	wrdreg $0x9  }
0xb1: {  	_ =	task.clear_ibuf [dreg:s7], $0x5FFFF;
	_ =	strace $0x90000046  }
0xb2: {  	s29 =	simm.s32 $0x9;
	_ =	strace $0x80000048  }
0xb3: {  	_ =	swait.ge [sflag:s29], $0x1  }
0xb4: {  	[sflag:s29] =	ssyncadd.s32 $0xFFFFFFFF  }
0xb5: {  	_ =	strace $0x90000048  }
0xb6: {  	_ =	sfence  }
0xb7: {  	s30 =	sld [smem:$0x0];
	_ =	sdelay $0x2  }
0xb8: {  	s31 =	sshll.u32 s1, $0xD;
	s1 =	sshrl.u32 s1, $0x2  }
0xb9: {  	s3 =	sand.u32 $0x4000, s31;
	s1 =	sadd.s32 s1, s30  }
0xba: {  	s0 =	sor.u32 s3, s0;
	s1 =	sshll.u32 s1, $0x11  }
0xbb: {  	s0 =	sor.u32 s1, s0  }
0xbc: {  	s0 =	sadd.s32 $0x8F2B, s0  }
0xbd: {  	[sflag:s0] =	ssyncadd.remote.s32 $0x1  }
0xbe: {  	_ =	sfence.sel $0xFFFF  }
0xbf: {  	[dreg:$0x0] =	wrdreg $0xFFFFFFFF;
	(pc) =	sbr.abs _section_cstart, $3  }
0xc0: {  	[dreg:$0x1] =	wrdreg $0xFFFFFFFF  }
0xc1: {  	_ =	task.clear_ibuf [dreg:s7], $0x2FFFF;
	_ =	strace $0x9FFFFFFF  }
0xc2: {  	(tm) =	ssettm $0x7FFFFFFF  }
0xc3: {  	_ =	shalt  }
tec
execute0_lowered:
.L_overlay_start_1:
0x0: {  	(tag) =	ssettag $0x1  }
0x1: {  	s1 =	srdreg.scid  }
0x2: {  	s0 =	stileid.u32;
	s4 =	rddreg [dreg:$0x0]  }
0x3: {  	s5 =	rddreg [dreg:$0x1];
	s3 =	sand.u32 $0x1, s1;
	s6 =	smul.u32 $0x140000, s0  }
0x4: {  	s2 =	simm.s32 $0x0;
	s1 =	rddreg [dreg:$0x2];
	s7 =	smul.u32 $0xA0000, s3  }
0x5: {  	[smem:$0x7FF] =	sst s2  }
0x6: {  	s8 =	sadd.s32 $0xF42E00, s4;
	_ =	strace $0x80000047;
	s6 =	sadd.s32 s7, s6  }
0x7: {  	[dreg:$0x3] =	wrdreg s8;
	s7 =	sor.u32 $0x13B00, s6;
	s31 =	sor.u32 $0x13600, s6  }
0x8: {  	s9 =	sor.u32 $0x13100, s6;
	s13 =	sor.u32 $0x12700, s6;
	s15 =	sor.u32 $0x12200, s6  }
0x9: {  	s16 =	sor.u32 $0x11D00, s6;
	s20 =	sor.u32 $0x11800, s6;
	s22 =	sor.u32 $0x11300, s6  }
0xa: {  	s23 =	sor.u32 $0x10E00, s6;
	s28 =	sor.u32 $0x10900, s6;
	s30 =	sor.u32 $0x10400, s6  }
0xb: {  	s7 =	sshrl.u32 s7, $0x3;
	s8 =	sshrl.u32 s31, $0x3;
	s14 =	sshrl.u32 s13, $0x3  }
0xc: {  	s18 =	sshrl.u32 s16, $0x3;
	s21 =	sshrl.u32 s20, $0x3;
	s25 =	sshrl.u32 s23, $0x3  }
0xd: {  	s29 =	sshrl.u32 s28, $0x3;
	s31 =	sor.u32 $0xFF00, s6;
	s13 =	sor.u32 $0xFA00, s6  }
0xe: {  	s16 =	sor.u32 $0xF000, s6;
	s20 =	sor.u32 $0xEB00, s6;
	s23 =	sor.u32 $0xE100, s6  }
0xf: {  	s28 =	sor.u32 $0xDC00, s6;
	s7 =	sadd.s32 s7, s5;
	s19 =	sadd.s32 s18, s5  }
0x10: {  	s26 =	sadd.s32 s25, s5;
	s18 =	sshrl.u32 s16, $0x3;
	s25 =	sshrl.u32 s23, $0x3  }
0x11: {  	s16 =	sor.u32 $0xC300, s6;
	s23 =	sor.u32 $0xB400, s6;
	[dreg:$0x4] =	wrdreg s7  }
0x12: {  	s7 =	sadd.s32 s8, s5;
	s8 =	sshrl.u32 s9, $0x3;
	[dreg:$0xa] =	wrdreg s19  }
0x13: {  	s9 =	sor.u32 $0x12C00, s6;
	[dreg:$0xd] =	wrdreg s26;
	s19 =	sadd.s32 s18, s5  }
0x14: {  	s26 =	sadd.s32 s25, s5;
	s18 =	sshrl.u32 s16, $0x3;
	[dreg:$0x5] =	wrdreg s7  }
0x15: {  	s25 =	sshrl.u32 s23, $0x3;
	s16 =	sor.u32 $0x9600, s6;
	[dreg:$0x13] =	wrdreg s19  }
0x16: {  	s23 =	sor.u32 $0x8700, s6;
	s10 =	sadd.s32 s8, s5;
	[dreg:$0x16] =	wrdreg s26  }
0x17: {  	s11 =	sshrl.u32 s9, $0x3;
	s7 =	sadd.s32 s14, s5;
	[dreg:$0x6] =	wrdreg s10  }
0x18: {  	s8 =	sshrl.u32 s15, $0x3;
	s19 =	sadd.s32 s18, s5;
	[dreg:$0x8] =	wrdreg s7  }
0x19: {  	s14 =	sshrl.u32 s13, $0x3;
	s26 =	sadd.s32 s25, s5;
	[dreg:$0x1c] =	wrdreg s19  }
0x1a: {  	s15 =	sor.u32 $0xF500, s6;
	s9 =	simm.s32 $0x6900;
	[dreg:$0x1f] =	wrdreg s26  }
0x1b: {  	s13 =	sor.u32 $0xCD00, s6;
	s12 =	sadd.s32 s11, s5;
	[smem:$0x7D2] =	sst s9  }
0x1c: {  	s18 =	sshrl.u32 s16, $0x3;
	s17 =	sadd.s32 s8, s5;
	[dreg:$0x7] =	wrdreg s12  }
0x1d: {  	s25 =	sshrl.u32 s23, $0x3;
	s7 =	sadd.s32 s21, s5;
	[dreg:$0x9] =	wrdreg s17  }
0x1e: {  	s16 =	sor.u32 $0x6900, s6;
	s19 =	sadd.s32 s18, s5;
	[dreg:$0xb] =	wrdreg s7  }
0x1f: {  	s23 =	sor.u32 $0x5A00, s6;
	s26 =	sadd.s32 s25, s5;
	[smem:$0x7AC] =	sst s19  }
0x20: {  	s18 =	sshrl.u32 s16, $0x3;
	s16 =	simm.s32 $0xF00;
	[smem:$0x7AF] =	sst s26  }
0x21: {  	s25 =	sshrl.u32 s23, $0x3;
	s23 =	simm.s32 $0x3200;
	[smem:$0x7C0] =	sst s16  }
0x22: {  	s8 =	sshrl.u32 s22, $0x3;
	s9 =	simm.s32 $0xE600;
	[smem:$0x7C7] =	sst s23  }
0x23: {  	s11 =	sshrl.u32 s31, $0x3;
	s24 =	sadd.s32 s8, s5;
	[smem:$0x7EB] =	sst s9  }
0x24: {  	s21 =	sshrl.u32 s20, $0x3;
	s7 =	sadd.s32 s29, s5;
	[dreg:$0xc] =	wrdreg s24  }
0x25: {  	s22 =	sor.u32 $0xE600, s6;
	s12 =	sadd.s32 s11, s5;
	[dreg:$0xe] =	wrdreg s7  }
0x26: {  	s31 =	sor.u32 $0xD200, s6;
	s19 =	sadd.s32 s18, s5;
	[dreg:$0x10] =	wrdreg s12  }
0x27: {  	s20 =	sor.u32 $0xBE00, s6;
	s26 =	sadd.s32 s25, s5;
	[smem:$0x7B5] =	sst s19  }
0x28: {  	s8 =	sshrl.u32 s30, $0x3;
	s18 =	simm.s32 $0x1900;
	[smem:$0x7B8] =	sst s26  }
0x29: {  	s29 =	sshrl.u32 s28, $0x3;
	s25 =	simm.s32 $0x3C00;
	[smem:$0x7C2] =	sst s18  }
0x2a: {  	s30 =	sor.u32 $0xD700, s6;
	s16 =	simm.s32 $0x8C00;
	[smem:$0x7C9] =	sst s25  }
0x2b: {  	s11 =	sshrl.u32 s31, $0x3;
	s23 =	simm.s32 $0xAF00;
	[smem:$0x7D9] =	sst s16  }
0x2c: {  	s28 =	sor.u32 $0xAF00, s6;
	s10 =	sadd.s32 s8, s5;
	[smem:$0x7E0] =	sst s23  }
0x2d: {  	s31 =	sor.u32 $0xA500, s6;
	s7 =	sadd.s32 s14, s5;
	[dreg:$0xf] =	wrdreg s10  }
0x2e: {  	s8 =	sshrl.u32 s15, $0x3;
	s12 =	sadd.s32 s11, s5;
	[dreg:$0x11] =	wrdreg s7  }
0x2f: {  	s14 =	sshrl.u32 s13, $0x3;
	s19 =	simm.s32 $0x1E00;
	[dreg:$0x19] =	wrdreg s12  }
0x30: {  	s15 =	sor.u32 $0xC800, s6;
	s26 =	simm.s32 $0x4100;
	[smem:$0x7C3] =	sst s19  }
0x31: {  	s11 =	sshrl.u32 s31, $0x3;
	s18 =	simm.s32 $0x9600;
	[smem:$0x7CA] =	sst s26  }
0x32: {  	s13 =	sor.u32 $0xA000, s6;
	s25 =	simm.s32 $0xB900;
	[smem:$0x7DB] =	sst s18  }
0x33: {  	s31 =	sor.u32 $0x7800, s6;
	s16 =	simm.s32 $0x10400;
	[smem:$0x7E2] =	sst s25  }
0x34: {  	s23 =	simm.s32 $0x12200;
	s17 =	sadd.s32 s8, s5;
	[smem:$0x7F1] =	sst s16  }
0x35: {  	s7 =	sadd.s32 s21, s5;
	s8 =	sshrl.u32 s22, $0x3;
	[smem:$0x7F7] =	sst s23  }
0x36: {  	s21 =	sshrl.u32 s20, $0x3;
	s22 =	sor.u32 $0xB900, s6;
	[dreg:$0x12] =	wrdreg s17  }
0x37: {  	s12 =	sadd.s32 s11, s5;
	s20 =	sor.u32 $0x9100, s6;
	[dreg:$0x14] =	wrdreg s7  }
0x38: {  	s11 =	sshrl.u32 s31, $0x3;
	s19 =	simm.s32 $0x9B00;
	[smem:$0x7A9] =	sst s12  }
0x39: {  	s31 =	sor.u32 $0x4B00, s6;
	s26 =	simm.s32 $0xBE00;
	[smem:$0x7DC] =	sst s19  }
0x3a: {  	s18 =	simm.s32 $0x10900;
	s25 =	simm.s32 $0x12700;
	[smem:$0x7E3] =	sst s26  }
0x3b: {  	s24 =	sadd.s32 s8, s5;
	s7 =	sadd.s32 s29, s5;
	[smem:$0x7F2] =	sst s18  }
0x3c: {  	s8 =	sshrl.u32 s30, $0x3;
	s29 =	sshrl.u32 s28, $0x3;
	[smem:$0x7F8] =	sst s25  }
0x3d: {  	s30 =	sor.u32 $0xAA00, s6;
	s28 =	sor.u32 $0x8200, s6;
	[dreg:$0x15] =	wrdreg s24  }
0x3e: {  	s12 =	sadd.s32 s11, s5;
	s19 =	simm.s32 $0x10E00;
	[dreg:$0x17] =	wrdreg s7  }
0x3f: {  	s26 =	simm.s32 $0x12C00;
	s10 =	sadd.s32 s8, s5;
	[smem:$0x7B2] =	sst s12  }
0x40: {  	s7 =	sadd.s32 s14, s5;
	s8 =	sshrl.u32 s15, $0x3;
	[smem:$0x7F3] =	sst s19  }
0x41: {  	s14 =	sshrl.u32 s13, $0x3;
	s15 =	sor.u32 $0x9B00, s6;
	[smem:$0x7F9] =	sst s26  }
0x42: {  	s13 =	sor.u32 $0x7300, s6;
	s12 =	sor.u32 $0x4600, s6;
	[dreg:$0x18] =	wrdreg s10  }
0x43: {  	[dreg:$0x1a] =	wrdreg s7;
	s17 =	sadd.s32 s8, s5;
	s7 =	sadd.s32 s21, s5  }
0x44: {  	s8 =	sshrl.u32 s22, $0x3;
	s21 =	sshrl.u32 s20, $0x3;
	[dreg:$0x1b] =	wrdreg s17  }
0x45: {  	s22 =	sor.u32 $0x8C00, s6;
	[dreg:$0x1d] =	wrdreg s7;
	s24 =	sadd.s32 s8, s5  }
0x46: {  	s7 =	sadd.s32 s29, s5;
	s8 =	sshrl.u32 s30, $0x3;
	[dreg:$0x1e] =	wrdreg s24  }
0x47: {  	s20 =	sor.u32 $0x6400, s6;
	[smem:$0x7A7] =	sst s7;
	s10 =	sadd.s32 s8, s5  }
0x48: {  	s7 =	sadd.s32 s14, s5;
	s8 =	sshrl.u32 s15, $0x3;
	[smem:$0x7A8] =	sst s10  }
0x49: {  	s29 =	sshrl.u32 s28, $0x3;
	[smem:$0x7AA] =	sst s7;
	s17 =	sadd.s32 s8, s5  }
0x4a: {  	s7 =	sadd.s32 s21, s5;
	s8 =	sshrl.u32 s22, $0x3;
	[smem:$0x7AB] =	sst s17  }
0x4b: {  	s21 =	sshrl.u32 s20, $0x3;
	s20 =	simm.s32 $0x2300;
	[smem:$0x7AD] =	sst s7  }
0x4c: {  	s30 =	sor.u32 $0x7D00, s6;
	s24 =	sadd.s32 s8, s5;
	[smem:$0x7C4] =	sst s20  }
0x4d: {  	s28 =	sor.u32 $0x5500, s6;
	s7 =	sadd.s32 s29, s5;
	[smem:$0x7AE] =	sst s24  }
0x4e: {  	s29 =	sshrl.u32 s28, $0x3;
	s28 =	simm.s32 $0x4600;
	[smem:$0x7B0] =	sst s7  }
0x4f: {  	s8 =	sshrl.u32 s30, $0x3;
	s20 =	simm.s32 $0xA000;
	[smem:$0x7CB] =	sst s28  }
0x50: {  	s14 =	sshrl.u32 s13, $0x3;
	s10 =	sadd.s32 s8, s5;
	[smem:$0x7DD] =	sst s20  }
0x51: {  	s15 =	sor.u32 $0x6E00, s6;
	s7 =	sadd.s32 s14, s5;
	[smem:$0x7B1] =	sst s10  }
0x52: {  	s8 =	sshrl.u32 s15, $0x3;
	s15 =	simm.s32 $0xA00;
	[smem:$0x7B3] =	sst s7  }
0x53: {  	s22 =	sor.u32 $0x5F00, s6;
	s28 =	simm.s32 $0xC300;
	[smem:$0x7BF] =	sst s15  }
0x54: {  	s30 =	sor.u32 $0x5000, s6;
	s20 =	simm.s32 $0x11300;
	[smem:$0x7E4] =	sst s28  }
0x55: {  	s6 =	sor.u32 $0x4100, s6;
	s17 =	sadd.s32 s8, s5;
	[smem:$0x7F4] =	sst s20  }
0x56: {  	s6 =	sshrl.u32 s6, $0x3;
	s7 =	sadd.s32 s21, s5;
	[smem:$0x7B4] =	sst s17  }
0x57: {  	s6 =	sadd.s32 s6, s5;
	[smem:$0x7B6] =	sst s7  }
0x58: {  	s21 =	simm.s32 $0x2800;
	[smem:$0x7BD] =	sst s6  }
0x59: {  	s8 =	sshrl.u32 s22, $0x3;
	s22 =	simm.s32 $0x2D00;
	[smem:$0x7C5] =	sst s21  }
0x5a: {  	s10 =	sshrl.u32 s31, $0x3;
	s31 =	simm.s32 $0x5500;
	[smem:$0x7C6] =	sst s22  }
0x5b: {  	s15 =	simm.s32 $0x8700;
	[smem:$0x7CE] =	sst s31  }
0x5c: {  	s28 =	simm.s32 $0x13100;
	[smem:$0x7D8] =	sst s15  }
0x5d: {  	s24 =	sadd.s32 s8, s5;
	[smem:$0x7FA] =	sst s28  }
0x5e: {  	s7 =	sadd.s32 s29, s5;
	[smem:$0x7B7] =	sst s24  }
0x5f: {  	s11 =	sadd.s32 s10, s5;
	[smem:$0x7B9] =	sst s7  }
0x60: {  	s17 =	simm.s32 $0x1400;
	[smem:$0x7BB] =	sst s11  }
0x61: {  	s29 =	simm.s32 $0x4B00;
	[smem:$0x7C1] =	sst s17  }
0x62: {  	s8 =	sshrl.u32 s30, $0x3;
	s30 =	simm.s32 $0x5000;
	[smem:$0x7CC] =	sst s29  }
0x63: {  	s6 =	simm.s32 $0x5A00;
	[smem:$0x7CD] =	sst s30  }
0x64: {  	s10 =	simm.s32 $0x6E00;
	[smem:$0x7CF] =	sst s6  }
0x65: {  	s21 =	simm.s32 $0xA500;
	[smem:$0x7D3] =	sst s10  }
0x66: {  	s22 =	simm.s32 $0xAA00;
	[smem:$0x7DE] =	sst s21  }
0x67: {  	s31 =	simm.s32 $0xD200;
	[smem:$0x7DF] =	sst s22  }
0x68: {  	s8 =	sadd.s32 s8, s5;
	[smem:$0x7E7] =	sst s31  }
0x69: {  	s24 =	simm.s32 $0x3700;
	[smem:$0x7BA] =	sst s8  }
0x6a: {  	s11 =	simm.s32 $0x7300;
	[smem:$0x7C8] =	sst s24  }
0x6b: {  	s7 =	sshrl.u32 s12, $0x3;
	s12 =	simm.s32 $0x7800;
	[smem:$0x7D4] =	sst s11  }
0x6c: {  	s17 =	simm.s32 $0x9100;
	[smem:$0x7D5] =	sst s12  }
0x6d: {  	s29 =	simm.s32 $0xC800;
	[smem:$0x7DA] =	sst s17  }
0x6e: {  	s30 =	simm.s32 $0xCD00;
	[smem:$0x7E5] =	sst s29  }
0x6f: {  	s6 =	simm.s32 $0xD700;
	[smem:$0x7E6] =	sst s30  }
0x70: {  	s10 =	simm.s32 $0xEB00;
	[smem:$0x7E8] =	sst s6  }
0x71: {  	s21 =	simm.s32 $0x11800;
	[smem:$0x7EC] =	sst s10  }
0x72: {  	s22 =	simm.s32 $0x11D00;
	[smem:$0x7F5] =	sst s21  }
0x73: {  	s31 =	simm.s32 $0x14000;
	[smem:$0x7F6] =	sst s22  }
0x74: {  	s13 =	smul.u32 $0x28000, s0;
	s7 =	sadd.s32 s7, s5;
	[smem:$0x7FD] =	sst s31  }
0x75: {  	s8 =	simm.s32 $0x6400;
	[smem:$0x7BC] =	sst s7  }
0x76: {  	s5 =	sadd.s32 s13, s5;
	s13 =	simm.s32 $0x7D00;
	[smem:$0x7D1] =	sst s8  }
0x77: {  	s24 =	simm.s32 $0xB400;
	[smem:$0x7D6] =	sst s13  }
0x78: {  	s11 =	simm.s32 $0xF000;
	[smem:$0x7E1] =	sst s24  }
0x79: {  	s12 =	simm.s32 $0xF500;
	[smem:$0x7ED] =	sst s11  }
0x7a: {  	s14 =	smul.u32 $0x14000, s3;
	s29 =	simm.s32 $0x13600;
	[smem:$0x7EE] =	sst s12  }
0x7b: {  	s30 =	simm.s32 $0x13B00;
	[smem:$0x7FB] =	sst s29  }
0x7c: {  	s5 =	sadd.s32 s14, s5;
	[smem:$0x7FC] =	sst s30  }
0x7d: {  	s15 =	smul.u32 $0x5000, s0;
	s7 =	simm.s32 $0x5F00;
	[smem:$0x7BE] =	sst s5  }
0x7e: {  	s17 =	smul.u32 $0x2800, s3;
	s14 =	simm.s32 $0x8200;
	[smem:$0x7D0] =	sst s7  }
0x7f: {  	s3 =	ssub.s32 $0x2, s3;
	s8 =	simm.s32 $0xE100;
	[smem:$0x7D7] =	sst s14  }
0x80: {  	s13 =	simm.s32 $0xFA00;
	s24 =	sshrl.u32 s3, $0x1;
	[smem:$0x7EA] =	sst s8  }
0x81: {  	s7 =	simm.s32 $0xDC00;
	[smem:$0x7EF] =	sst s13;
	s14 =	simm.s32 $0xFF00  }
0x82: {  	s6 =	sadd.s32 s17, s15;
	s3 =	ssub.s32 s3, s24;
	s5 =	simm.s32 $0x2  }
0x83: {  	s8 =	simm.s32 $0x0;
	[smem:$0x7E9] =	sst s7;
	s6 =	sshrl.u32 s6, $0x3  }
0x84: {  	[smem:$0x7F0] =	sst s14;
	s3 =	smax.u32 s3, $0x1;
	s4 =	sadd.s32 s6, s4  }
0x85: {  	s7 =	simm.s32 $0x1;
	s6 =	simm.s32 $0x500;
	s4 =	sadd.s32 $0xA00, s4  }
.LBB2_1:
0x86: {  	s9 =	smov.u32 s4;
	s10 =	simm.s32 $0x0  }
.LBB2_2:
0x87: {  	[tilespmem:s2], [sflag:$0x2] =	stream.linear.gather [hbm4b:s9+s2], $0x500, $0x38;
	[tilespmem:$0x14500] =	vst v63  }
0x88: {  	_ =	swait.ge [sflag:s5], $0x500  }
0x89: {  	[sflag:s5] =	ssyncset.done $0x0  }
0x8a: {  	s11 =	rddreg [dreg:$0x3];
	[sflag:s5] =	ssyncadd.s32 $0xFFFFFB00  }
0x8b: {  	[tilespmem:s6], [sflag:$0x1] =	stream.indirect.gather [hbm4b:s11+s6], $0x40, s2, s6, $0xb8;
	[tilespmem:$0x14500] =	vst v63  }
0x8c: {  	_ =	swait.ge [sflag:s7], $0x14000  }
0x8d: {  	s20 =	sld [smem:$0x7BE]  }
0x8e: {  	s12 =	sld [smem:$0x7BF]  }
0x8f: {  	s14 =	sld [smem:$0x7C0]  }
0x90: {  	s22 =	sld [smem:$0x7C1]  }
0x91: {  	s24 =	sld [smem:$0x7C2]  }
0x92: {  	s26 =	sld [smem:$0x7C3]  }
0x93: {  	s29 =	sld [smem:$0x7C4]  }
0x94: {  	s31 =	sld [smem:$0x7C5]  }
0x95: {  	[sflag:s7] =	ssyncset.done $0x0;
	s15 =	sld [smem:$0x7C6]  }
0x96: {  	s17 =	sld [smem:$0x7C7];
	[sflag:s7] =	ssyncadd.s32 $0xFFFEC000;
	s11 =	sadd.s32 s10, s20  }
0x97: {  	[hbm4b:s11+s2] =	stream.linear.scatter [tilespmem:s6], [sflag:$0x1], $0x500, $0x38;
	[tilespmem:$0x14500] =	vst v63  }
0x98: {  	s19 =	sld [smem:$0x7C8];
	s13 =	sadd.s32 $0xA0, s11  }
0x99: {  	[hbm4b:s13+s2] =	stream.linear.scatter [tilespmem:s12], [sflag:$0x1], $0x500, $0x38;
	[tilespmem:$0x14500] =	vst v63  }
0x9a: {  	s12 =	sld [smem:$0x7B4]  }
0x9b: {  	s21 =	sadd.s32 $0x140, s11;
	s13 =	sld [smem:$0x7D4]  }
0x9c: {  	[hbm4b:s21+s2] =	stream.linear.scatter [tilespmem:s14], [sflag:$0x1], $0x500, $0x38;
	[tilespmem:$0x14500] =	vst v63  }
0x9d: {  	s23 =	sadd.s32 $0x1E0, s11;
	s21 =	sld [smem:$0x7C9]  }
0x9e: {  	[hbm4b:s23+s2] =	stream.linear.scatter [tilespmem:s22], [sflag:$0x1], $0x500, $0x38;
	[tilespmem:$0x14500] =	vst v63  }
0x9f: {  	s25 =	sadd.s32 $0x280, s11;
	s23 =	sld [smem:$0x7CA]  }
0xa0: {  	[hbm4b:s25+s2] =	stream.linear.scatter [tilespmem:s24], [sflag:$0x1], $0x500, $0x38;
	[tilespmem:$0x14500] =	vst v63  }
0xa1: {  	s24 =	sld [smem:$0x7BD]  }
0xa2: {  	s28 =	sadd.s32 $0x320, s11;
	s25 =	sld [smem:$0x7CB]  }
0xa3: {  	[hbm4b:s28+s2] =	stream.linear.scatter [tilespmem:s26], [sflag:$0x1], $0x500, $0x38;
	[tilespmem:$0x14500] =	vst v63  }
0xa4: {  	s28 =	sld [smem:$0x7BC]  }
0xa5: {  	s30 =	sadd.s32 $0x3C0, s11;
	s26 =	sadd.s32 s10, s24;
	s24 =	sld [smem:$0x7D1]  }
0xa6: {  	[hbm4b:s30+s2] =	stream.linear.scatter [tilespmem:s29], [sflag:$0x1], $0x500, $0x38;
	[tilespmem:$0x14500] =	vst v63  }
0xa7: {  	s29 =	sld [smem:$0x7CC]  }
0xa8: {  	s14 =	sadd.s32 $0x460, s11;
	s30 =	sld [smem:$0x7BB]  }
0xa9: {  	[hbm4b:s14+s2] =	stream.linear.scatter [tilespmem:s31], [sflag:$0x1], $0x500, $0x38;
	[tilespmem:$0x14500] =	vst v63  }
0xaa: {  	s31 =	sld [smem:$0x7CD]  }
0xab: {  	s16 =	sadd.s32 $0x500, s11;
	s14 =	sld [smem:$0x7B3]  }
0xac: {  	[hbm4b:s16+s2] =	stream.linear.scatter [tilespmem:s15], [sflag:$0x1], $0x500, $0x38;
	[tilespmem:$0x14500] =	vst v63  }
0xad: {  	s16 =	sld [smem:$0x7BA]  }
0xae: {  	s18 =	sadd.s32 $0x5A0, s11;
	s15 =	sadd.s32 s10, s30;
	s30 =	sld [smem:$0x7D3]  }
0xaf: {  	[hbm4b:s18+s2] =	stream.linear.scatter [tilespmem:s17], [sflag:$0x1], $0x500, $0x38;
	[tilespmem:$0x14500] =	vst v63  }
0xb0: {  	s17 =	sld [smem:$0x7CE]  }
0xb1: {  	s20 =	sadd.s32 $0x640, s11;
	s18 =	sld [smem:$0x7B9]  }
0xb2: {  	[hbm4b:s20+s2] =	stream.linear.scatter [tilespmem:s19], [sflag:$0x1], $0x500, $0x38;
	[tilespmem:$0x14500] =	vst v63  }
0xb3: {  	s19 =	sld [smem:$0x7CF]  }
0xb4: {  	s22 =	sadd.s32 $0x6E0, s11;
	s20 =	sadd.s32 s10, s18;
	s18 =	sld [smem:$0x7D6]  }
0xb5: {  	[hbm4b:s22+s2] =	stream.linear.scatter [tilespmem:s21], [sflag:$0x1], $0x500, $0x38;
	[tilespmem:$0x14500] =	vst v63  }
0xb6: {  	s21 =	sld [smem:$0x7B8]  }
0xb7: {  	s11 =	sadd.s32 $0x780, s11;
	s22 =	sld [smem:$0x7D0]  }
0xb8: {  	[hbm4b:s11+s2] =	stream.linear.scatter [tilespmem:s23], [sflag:$0x1], $0x500, $0x38;
	[tilespmem:$0x14500] =	vst v63  }
0xb9: {  	s23 =	sld [smem:$0x7B7]  }
0xba: {  	s11 =	sadd.s32 s10, s28;
	s28 =	sld [smem:$0x7D2]  }
0xbb: {  	[hbm4b:s26+s2] =	stream.linear.scatter [tilespmem:s25], [sflag:$0x1], $0x500, $0x38;
	[tilespmem:$0x14500] =	vst v63  }
0xbc: {  	s26 =	sld [smem:$0x7B6]  }
0xbd: {  	s25 =	sadd.s32 s10, s23;
	s23 =	sld [smem:$0x7D8]  }
0xbe: {  	[hbm4b:s11+s2] =	stream.linear.scatter [tilespmem:s29], [sflag:$0x1], $0x500, $0x38;
	[tilespmem:$0x14500] =	vst v63  }
0xbf: {  	s29 =	sld [smem:$0x7B5]  }
0xc0: {  	s11 =	sadd.s32 s10, s16;
	s16 =	sadd.s32 s10, s14;
	s14 =	rddreg [dreg:$0x1e]  }
0xc1: {  	[hbm4b:s15+s2] =	stream.linear.scatter [tilespmem:s31], [sflag:$0x1], $0x500, $0x38;
	[tilespmem:$0x14500] =	vst v63  }
0xc2: {  	s15 =	sld [smem:$0x7D5]  }
0xc3: {  	s31 =	sadd.s32 s10, s29;
	s29 =	sld [smem:$0x7DA]  }
0xc4: {  	[hbm4b:s11+s2] =	stream.linear.scatter [tilespmem:s17], [sflag:$0x1], $0x500, $0x38;
	[tilespmem:$0x14500] =	vst v63  }
0xc5: {  	s17 =	sld [smem:$0x7B2]  }
0xc6: {  	[hbm4b:s20+s2] =	stream.linear.scatter [tilespmem:s19], [sflag:$0x1], $0x500, $0x38;
	[tilespmem:$0x14500] =	vst v63  }
0xc7: {  	s19 =	sld [smem:$0x7B1]  }
0xc8: {  	s11 =	sadd.s32 s10, s21;
	s20 =	sld [smem:$0x7D7]  }
0xc9: {  	[hbm4b:s11+s2] =	stream.linear.scatter [tilespmem:s22], [sflag:$0x1], $0x500, $0x38;
	[tilespmem:$0x14500] =	vst v63  }
0xca: {  	s22 =	sld [smem:$0x7B0]  }
0xcb: {  	s21 =	sadd.s32 s10, s19;
	s19 =	sld [smem:$0x7DD]  }
0xcc: {  	[hbm4b:s25+s2] =	stream.linear.scatter [tilespmem:s24], [sflag:$0x1], $0x500, $0x38;
	[tilespmem:$0x14500] =	vst v63  }
0xcd: {  	s24 =	sld [smem:$0x7AF]  }
0xce: {  	s11 =	sadd.s32 s10, s26;
	s25 =	sld [smem:$0x7D9]  }
0xcf: {  	[hbm4b:s11+s2] =	stream.linear.scatter [tilespmem:s28], [sflag:$0x1], $0x500, $0x38;
	[tilespmem:$0x14500] =	vst v63  }
0xd0: {  	s28 =	sld [smem:$0x7AE]  }
0xd1: {  	s11 =	sadd.s32 s10, s12;
	s12 =	rddreg [dreg:$0x1f]  }
0xd2: {  	s26 =	sadd.s32 s10, s24;
	s24 =	sld [smem:$0x7DF]  }
0xd3: {  	[hbm4b:s31+s2] =	stream.linear.scatter [tilespmem:s30], [sflag:$0x1], $0x500, $0x38;
	[tilespmem:$0x14500] =	vst v63  }
0xd4: {  	s30 =	sld [smem:$0x7AD]  }
0xd5: {  	s31 =	sld [smem:$0x7DB]  }
0xd6: {  	[hbm4b:s11+s2] =	stream.linear.scatter [tilespmem:s13], [sflag:$0x1], $0x500, $0x38;
	[tilespmem:$0x14500] =	vst v63  }
0xd7: {  	s11 =	sadd.s32 s10, s17;
	s17 =	sld [smem:$0x7DC]  }
0xd8: {  	s13 =	sld [smem:$0x7E2]  }
0xd9: {  	[hbm4b:s16+s2] =	stream.linear.scatter [tilespmem:s15], [sflag:$0x1], $0x500, $0x38;
	[tilespmem:$0x14500] =	vst v63  }
0xda: {  	s16 =	sld [smem:$0x7AC]  }
0xdb: {  	s15 =	sadd.s32 s10, s30;
	s30 =	sld [smem:$0x7E1]  }
0xdc: {  	[hbm4b:s11+s2] =	stream.linear.scatter [tilespmem:s18], [sflag:$0x1], $0x500, $0x38;
	[tilespmem:$0x14500] =	vst v63  }
0xdd: {  	s18 =	sld [smem:$0x7AB]  }
0xde: {  	s11 =	sadd.s32 s10, s22;
	s22 =	sld [smem:$0x7DE]  }
0xdf: {  	[hbm4b:s21+s2] =	stream.linear.scatter [tilespmem:s20], [sflag:$0x1], $0x500, $0x38;
	[tilespmem:$0x14500] =	vst v63  }
0xe0: {  	s21 =	sld [smem:$0x7AA]  }
0xe1: {  	s20 =	sadd.s32 s10, s18;
	s18 =	sld [smem:$0x7E4]  }
0xe2: {  	[hbm4b:s11+s2] =	stream.linear.scatter [tilespmem:s23], [sflag:$0x1], $0x500, $0x38;
	[tilespmem:$0x14500] =	vst v63  }
0xe3: {  	s23 =	sld [smem:$0x7A9]  }
0xe4: {  	s11 =	sadd.s32 s10, s28;
	s28 =	sld [smem:$0x7E0]  }
0xe5: {  	[hbm4b:s26+s2] =	stream.linear.scatter [tilespmem:s25], [sflag:$0x1], $0x500, $0x38;
	[tilespmem:$0x14500] =	vst v63  }
0xe6: {  	s26 =	sld [smem:$0x7A8]  }
0xe7: {  	s25 =	sadd.s32 s10, s23;
	s23 =	sld [smem:$0x7E6]  }
0xe8: {  	[hbm4b:s11+s2] =	stream.linear.scatter [tilespmem:s29], [sflag:$0x1], $0x500, $0x38;
	[tilespmem:$0x14500] =	vst v63  }
0xe9: {  	s29 =	sld [smem:$0x7A7]  }
0xea: {  	s11 =	sadd.s32 s10, s16;
	s16 =	sadd.s32 s10, s14;
	s14 =	rddreg [dreg:$0x10]  }
0xeb: {  	[hbm4b:s15+s2] =	stream.linear.scatter [tilespmem:s31], [sflag:$0x1], $0x500, $0x38;
	[tilespmem:$0x14500] =	vst v63  }
0xec: {  	s15 =	sld [smem:$0x7E3]  }
0xed: {  	s31 =	sadd.s32 s10, s29;
	s29 =	sld [smem:$0x7E8]  }
0xee: {  	[hbm4b:s11+s2] =	stream.linear.scatter [tilespmem:s17], [sflag:$0x1], $0x500, $0x38;
	[tilespmem:$0x14500] =	vst v63  }
0xef: {  	s17 =	rddreg [dreg:$0x1d]  }
0xf0: {  	[hbm4b:s20+s2] =	stream.linear.scatter [tilespmem:s19], [sflag:$0x1], $0x500, $0x38;
	[tilespmem:$0x14500] =	vst v63  }
0xf1: {  	s19 =	rddreg [dreg:$0x1c]  }
0xf2: {  	s20 =	sld [smem:$0x7E5]  }
0xf3: {  	s11 =	sadd.s32 s10, s21;
	s21 =	sadd.s32 s10, s19;
	s19 =	sld [smem:$0x7EB]  }
0xf4: {  	[hbm4b:s11+s2] =	stream.linear.scatter [tilespmem:s22], [sflag:$0x1], $0x500, $0x38;
	[tilespmem:$0x14500] =	vst v63  }
0xf5: {  	s22 =	rddreg [dreg:$0x1b]  }
0xf6: {  	[hbm4b:s25+s2] =	stream.linear.scatter [tilespmem:s24], [sflag:$0x1], $0x500, $0x38;
	[tilespmem:$0x14500] =	vst v63  }
0xf7: {  	s24 =	rddreg [dreg:$0x1a]  }
0xf8: {  	s25 =	sld [smem:$0x7E7]  }
0xf9: {  	s11 =	sadd.s32 s10, s26;
	s26 =	sadd.s32 s10, s24;
	s24 =	sld [smem:$0x7ED]  }
0xfa: {  	[hbm4b:s11+s2] =	stream.linear.scatter [tilespmem:s28], [sflag:$0x1], $0x500, $0x38;
	[tilespmem:$0x14500] =	vst v63  }
0xfb: {  	s28 =	rddreg [dreg:$0x19]  }
0xfc: {  	s11 =	sadd.s32 s10, s12;
	s12 =	rddreg [dreg:$0x11]  }
0xfd: {  	[hbm4b:s31+s2] =	stream.linear.scatter [tilespmem:s30], [sflag:$0x1], $0x500, $0x38;
	[tilespmem:$0x14500] =	vst v63  }
0xfe: {  	s30 =	rddreg [dreg:$0x18]  }
0xff: {  	s31 =	sld [smem:$0x7E9]  }
0x100: {  	[hbm4b:s11+s2] =	stream.linear.scatter [tilespmem:s13], [sflag:$0x1], $0x500, $0x38;
	[tilespmem:$0x14500] =	vst v63  }
0x101: {  	s11 =	sadd.s32 s10, s17;
	s17 =	sld [smem:$0x7EA]  }
0x102: {  	s13 =	sld [smem:$0x7F0]  }
0x103: {  	[hbm4b:s16+s2] =	stream.linear.scatter [tilespmem:s15], [sflag:$0x1], $0x500, $0x38;
	[tilespmem:$0x14500] =	vst v63  }
0x104: {  	s16 =	rddreg [dreg:$0x17]  }
0x105: {  	s15 =	sadd.s32 s10, s30;
	s30 =	sld [smem:$0x7EF]  }
0x106: {  	[hbm4b:s11+s2] =	stream.linear.scatter [tilespmem:s18], [sflag:$0x1], $0x500, $0x38;
	[tilespmem:$0x14500] =	vst v63  }
0x107: {  	s18 =	rddreg [dreg:$0x16]  }
0x108: {  	s11 =	sadd.s32 s10, s22;
	s22 =	sld [smem:$0x7EC]  }
0x109: {  	[hbm4b:s21+s2] =	stream.linear.scatter [tilespmem:s20], [sflag:$0x1], $0x500, $0x38;
	[tilespmem:$0x14500] =	vst v63  }
0x10a: {  	s21 =	rddreg [dreg:$0x15]  }
0x10b: {  	s20 =	sadd.s32 s10, s18;
	s18 =	sld [smem:$0x7F2]  }
0x10c: {  	[hbm4b:s11+s2] =	stream.linear.scatter [tilespmem:s23], [sflag:$0x1], $0x500, $0x38;
	[tilespmem:$0x14500] =	vst v63  }
0x10d: {  	s23 =	rddreg [dreg:$0x14]  }
0x10e: {  	s11 =	sadd.s32 s10, s28;
	s28 =	sld [smem:$0x7EE]  }
0x10f: {  	[hbm4b:s26+s2] =	stream.linear.scatter [tilespmem:s25], [sflag:$0x1], $0x500, $0x38;
	[tilespmem:$0x14500] =	vst v63  }
0x110: {  	s26 =	rddreg [dreg:$0x13]  }
0x111: {  	s25 =	sadd.s32 s10, s23;
	s23 =	sld [smem:$0x7F4]  }
0x112: {  	[hbm4b:s11+s2] =	stream.linear.scatter [tilespmem:s29], [sflag:$0x1], $0x500, $0x38;
	[tilespmem:$0x14500] =	vst v63  }
0x113: {  	s29 =	rddreg [dreg:$0x12]  }
0x114: {  	[hbm4b:s15+s2] =	stream.linear.scatter [tilespmem:s31], [sflag:$0x1], $0x500, $0x38;
	[tilespmem:$0x14500] =	vst v63  }
0x115: {  	s15 =	sld [smem:$0x7F1]  }
0x116: {  	s11 =	sadd.s32 s10, s16;
	s31 =	sadd.s32 s10, s29;
	s29 =	sld [smem:$0x7F6]  }
0x117: {  	[hbm4b:s11+s2] =	stream.linear.scatter [tilespmem:s17], [sflag:$0x1], $0x500, $0x38;
	[tilespmem:$0x14500] =	vst v63  }
0x118: {  	s17 =	rddreg [dreg:$0xf]  }
0x119: {  	[hbm4b:s20+s2] =	stream.linear.scatter [tilespmem:s19], [sflag:$0x1], $0x500, $0x38;
	[tilespmem:$0x14500] =	vst v63  }
0x11a: {  	s19 =	rddreg [dreg:$0xe]  }
0x11b: {  	s20 =	sld [smem:$0x7F3]  }
0x11c: {  	s11 =	sadd.s32 s10, s21;
	s21 =	sadd.s32 s10, s19;
	s19 =	sld [smem:$0x7F9]  }
0x11d: {  	[hbm4b:s11+s2] =	stream.linear.scatter [tilespmem:s22], [sflag:$0x1], $0x500, $0x38;
	[tilespmem:$0x14500] =	vst v63  }
0x11e: {  	s22 =	rddreg [dreg:$0xd]  }
0x11f: {  	[hbm4b:s25+s2] =	stream.linear.scatter [tilespmem:s24], [sflag:$0x1], $0x500, $0x38;
	[tilespmem:$0x14500] =	vst v63  }
0x120: {  	s24 =	rddreg [dreg:$0xc]  }
0x121: {  	s11 =	sadd.s32 s10, s26;
	s25 =	sld [smem:$0x7F5]  }
0x122: {  	[hbm4b:s11+s2] =	stream.linear.scatter [tilespmem:s28], [sflag:$0x1], $0x500, $0x38;
	[tilespmem:$0x14500] =	vst v63  }
0x123: {  	s26 =	sadd.s32 s10, s24;
	s24 =	sld [smem:$0x7FB]  }
0x124: {  	[hbm4b:s31+s2] =	stream.linear.scatter [tilespmem:s30], [sflag:$0x1], $0x500, $0x38;
	[tilespmem:$0x14500] =	vst v63  }
0x125: {  	s11 =	sadd.s32 s10, s12;
	s28 =	rddreg [dreg:$0xb]  }
0x126: {  	[hbm4b:s11+s2] =	stream.linear.scatter [tilespmem:s13], [sflag:$0x1], $0x500, $0x38;
	[tilespmem:$0x14500] =	vst v63  }
0x127: {  	s16 =	sadd.s32 s10, s14;
	s30 =	rddreg [dreg:$0xa]  }
0x128: {  	[hbm4b:s16+s2] =	stream.linear.scatter [tilespmem:s15], [sflag:$0x1], $0x500, $0x38;
	[tilespmem:$0x14500] =	vst v63  }
0x129: {  	s31 =	sld [smem:$0x7F7];
	s11 =	sadd.s32 s10, s17  }
0x12a: {  	[hbm4b:s11+s2] =	stream.linear.scatter [tilespmem:s18], [sflag:$0x1], $0x500, $0x38;
	[tilespmem:$0x14500] =	vst v63  }
0x12b: {  	s17 =	sld [smem:$0x7F8]  }
0x12c: {  	[hbm4b:s21+s2] =	stream.linear.scatter [tilespmem:s20], [sflag:$0x1], $0x500, $0x38;
	[tilespmem:$0x14500] =	vst v63  }
0x12d: {  	s16 =	rddreg [dreg:$0x9];
	s11 =	sadd.s32 s10, s22  }
0x12e: {  	[hbm4b:s11+s2] =	stream.linear.scatter [tilespmem:s23], [sflag:$0x1], $0x500, $0x38;
	[tilespmem:$0x14500] =	vst v63  }
0x12f: {  	s15 =	sadd.s32 s10, s30;
	s30 =	sld [smem:$0x7FD]  }
0x130: {  	[hbm4b:s26+s2] =	stream.linear.scatter [tilespmem:s25], [sflag:$0x1], $0x500, $0x38;
	[tilespmem:$0x14500] =	vst v63  }
0x131: {  	s18 =	rddreg [dreg:$0x8];
	s11 =	sadd.s32 s10, s28  }
0x132: {  	[hbm4b:s11+s2] =	stream.linear.scatter [tilespmem:s29], [sflag:$0x1], $0x500, $0x38;
	[tilespmem:$0x14500] =	vst v63  }
0x133: {  	s22 =	sld [smem:$0x7FA]  }
0x134: {  	[hbm4b:s15+s2] =	stream.linear.scatter [tilespmem:s31], [sflag:$0x1], $0x500, $0x38;
	[tilespmem:$0x14500] =	vst v63  }
0x135: {  	s21 =	rddreg [dreg:$0x7];
	s11 =	sadd.s32 s10, s16  }
0x136: {  	[hbm4b:s11+s2] =	stream.linear.scatter [tilespmem:s17], [sflag:$0x1], $0x500, $0x38;
	[tilespmem:$0x14500] =	vst v63  }
0x137: {  	s20 =	sadd.s32 s10, s18;
	s23 =	rddreg [dreg:$0x6]  }
0x138: {  	[hbm4b:s20+s2] =	stream.linear.scatter [tilespmem:s19], [sflag:$0x1], $0x500, $0x38;
	[tilespmem:$0x14500] =	vst v63  }
0x139: {  	s28 =	sld [smem:$0x7FC];
	s11 =	sadd.s32 s10, s21  }
0x13a: {  	[hbm4b:s11+s2] =	stream.linear.scatter [tilespmem:s22], [sflag:$0x1], $0x500, $0x38;
	[tilespmem:$0x14500] =	vst v63  }
0x13b: {  	s25 =	sadd.s32 s10, s23;
	s26 =	rddreg [dreg:$0x5]  }
0x13c: {  	[hbm4b:s25+s2] =	stream.linear.scatter [tilespmem:s24], [sflag:$0x1], $0x500, $0x38;
	[tilespmem:$0x14500] =	vst v63  }
0x13d: {  	s29 =	rddreg [dreg:$0x4];
	s11 =	sadd.s32 s10, s26  }
0x13e: {  	[hbm4b:s11+s2] =	stream.linear.scatter [tilespmem:s28], [sflag:$0x1], $0x500, $0x38;
	[tilespmem:$0x14500] =	vst v63  }
0x13f: {  	s31 =	sadd.s32 s10, s29  }
0x140: {  	[hbm4b:s31+s2] =	stream.linear.scatter [tilespmem:s30], [sflag:$0x1], $0x500, $0x38;
	[tilespmem:$0x14500] =	vst v63  }
0x141: {  	_ =	swait.ge [sflag:s7], $0x500  }
0x142: {  	[sflag:s7] =	ssyncset.done $0x0  }
0x143: {  	[sflag:s7] =	ssyncadd.s32 $0xFFFFFB00  }
0x144: {  	_ =	swait.ge [sflag:s7], $0x500  }
0x145: {  	[sflag:s7] =	ssyncset.done $0x0  }
0x146: {  	[sflag:s7] =	ssyncadd.s32 $0xFFFFFB00  }
0x147: {  	_ =	swait.ge [sflag:s7], $0x500  }
0x148: {  	[sflag:s7] =	ssyncset.done $0x0  }
0x149: {  	[sflag:s7] =	ssyncadd.s32 $0xFFFFFB00  }
0x14a: {  	_ =	swait.ge [sflag:s7], $0x500  }
0x14b: {  	[sflag:s7] =	ssyncset.done $0x0  }
0x14c: {  	[sflag:s7] =	ssyncadd.s32 $0xFFFFFB00  }
0x14d: {  	_ =	swait.ge [sflag:s7], $0x500  }
0x14e: {  	[sflag:s7] =	ssyncset.done $0x0  }
0x14f: {  	[sflag:s7] =	ssyncadd.s32 $0xFFFFFB00  }
0x150: {  	_ =	swait.ge [sflag:s7], $0x500  }
0x151: {  	[sflag:s7] =	ssyncset.done $0x0  }
0x152: {  	[sflag:s7] =	ssyncadd.s32 $0xFFFFFB00  }
0x153: {  	_ =	swait.ge [sflag:s7], $0x500  }
0x154: {  	[sflag:s7] =	ssyncset.done $0x0  }
0x155: {  	[sflag:s7] =	ssyncadd.s32 $0xFFFFFB00  }
0x156: {  	_ =	swait.ge [sflag:s7], $0x500  }
0x157: {  	[sflag:s7] =	ssyncset.done $0x0  }
0x158: {  	[sflag:s7] =	ssyncadd.s32 $0xFFFFFB00  }
0x159: {  	_ =	swait.ge [sflag:s7], $0x500  }
0x15a: {  	[sflag:s7] =	ssyncset.done $0x0  }
0x15b: {  	[sflag:s7] =	ssyncadd.s32 $0xFFFFFB00  }
0x15c: {  	_ =	swait.ge [sflag:s7], $0x500  }
0x15d: {  	[sflag:s7] =	ssyncset.done $0x0  }
0x15e: {  	[sflag:s7] =	ssyncadd.s32 $0xFFFFFB00  }
0x15f: {  	_ =	swait.ge [sflag:s7], $0x500  }
0x160: {  	[sflag:s7] =	ssyncset.done $0x0  }
0x161: {  	[sflag:s7] =	ssyncadd.s32 $0xFFFFFB00  }
0x162: {  	_ =	swait.ge [sflag:s7], $0x500  }
0x163: {  	[sflag:s7] =	ssyncset.done $0x0  }
0x164: {  	[sflag:s7] =	ssyncadd.s32 $0xFFFFFB00  }
0x165: {  	_ =	swait.ge [sflag:s7], $0x500  }
0x166: {  	[sflag:s7] =	ssyncset.done $0x0  }
0x167: {  	[sflag:s7] =	ssyncadd.s32 $0xFFFFFB00  }
0x168: {  	_ =	swait.ge [sflag:s7], $0x500  }
0x169: {  	[sflag:s7] =	ssyncset.done $0x0  }
0x16a: {  	[sflag:s7] =	ssyncadd.s32 $0xFFFFFB00  }
0x16b: {  	_ =	swait.ge [sflag:s7], $0x500  }
0x16c: {  	[sflag:s7] =	ssyncset.done $0x0  }
0x16d: {  	[sflag:s7] =	ssyncadd.s32 $0xFFFFFB00  }
0x16e: {  	_ =	swait.ge [sflag:s7], $0x500  }
0x16f: {  	[sflag:s7] =	ssyncset.done $0x0  }
0x170: {  	[sflag:s7] =	ssyncadd.s32 $0xFFFFFB00  }
0x171: {  	_ =	swait.ge [sflag:s7], $0x500  }
0x172: {  	[sflag:s7] =	ssyncset.done $0x0  }
0x173: {  	[sflag:s7] =	ssyncadd.s32 $0xFFFFFB00  }
0x174: {  	_ =	swait.ge [sflag:s7], $0x500  }
0x175: {  	[sflag:s7] =	ssyncset.done $0x0  }
0x176: {  	[sflag:s7] =	ssyncadd.s32 $0xFFFFFB00  }
0x177: {  	_ =	swait.ge [sflag:s7], $0x500  }
0x178: {  	[sflag:s7] =	ssyncset.done $0x0  }
0x179: {  	[sflag:s7] =	ssyncadd.s32 $0xFFFFFB00  }
0x17a: {  	_ =	swait.ge [sflag:s7], $0x500  }
0x17b: {  	[sflag:s7] =	ssyncset.done $0x0  }
0x17c: {  	[sflag:s7] =	ssyncadd.s32 $0xFFFFFB00  }
0x17d: {  	_ =	swait.ge [sflag:s7], $0x500  }
0x17e: {  	[sflag:s7] =	ssyncset.done $0x0  }
0x17f: {  	[sflag:s7] =	ssyncadd.s32 $0xFFFFFB00  }
0x180: {  	_ =	swait.ge [sflag:s7], $0x500  }
0x181: {  	[sflag:s7] =	ssyncset.done $0x0  }
0x182: {  	[sflag:s7] =	ssyncadd.s32 $0xFFFFFB00  }
0x183: {  	_ =	swait.ge [sflag:s7], $0x500  }
0x184: {  	[sflag:s7] =	ssyncset.done $0x0  }
0x185: {  	[sflag:s7] =	ssyncadd.s32 $0xFFFFFB00  }
0x186: {  	_ =	swait.ge [sflag:s7], $0x500  }
0x187: {  	[sflag:s7] =	ssyncset.done $0x0  }
0x188: {  	[sflag:s7] =	ssyncadd.s32 $0xFFFFFB00  }
0x189: {  	_ =	swait.ge [sflag:s7], $0x500  }
0x18a: {  	[sflag:s7] =	ssyncset.done $0x0  }
0x18b: {  	[sflag:s7] =	ssyncadd.s32 $0xFFFFFB00  }
0x18c: {  	_ =	swait.ge [sflag:s7], $0x500  }
0x18d: {  	[sflag:s7] =	ssyncset.done $0x0  }
0x18e: {  	[sflag:s7] =	ssyncadd.s32 $0xFFFFFB00  }
0x18f: {  	_ =	swait.ge [sflag:s7], $0x500  }
0x190: {  	[sflag:s7] =	ssyncset.done $0x0  }
0x191: {  	[sflag:s7] =	ssyncadd.s32 $0xFFFFFB00  }
0x192: {  	_ =	swait.ge [sflag:s7], $0x500  }
0x193: {  	[sflag:s7] =	ssyncset.done $0x0  }
0x194: {  	[sflag:s7] =	ssyncadd.s32 $0xFFFFFB00  }
0x195: {  	_ =	swait.ge [sflag:s7], $0x500  }
0x196: {  	[sflag:s7] =	ssyncset.done $0x0  }
0x197: {  	[sflag:s7] =	ssyncadd.s32 $0xFFFFFB00  }
0x198: {  	_ =	swait.ge [sflag:s7], $0x500  }
0x199: {  	[sflag:s7] =	ssyncset.done $0x0  }
0x19a: {  	[sflag:s7] =	ssyncadd.s32 $0xFFFFFB00  }
0x19b: {  	_ =	swait.ge [sflag:s7], $0x500  }
0x19c: {  	[sflag:s7] =	ssyncset.done $0x0  }
0x19d: {  	[sflag:s7] =	ssyncadd.s32 $0xFFFFFB00  }
0x19e: {  	_ =	swait.ge [sflag:s7], $0x500  }
0x19f: {  	[sflag:s7] =	ssyncset.done $0x0  }
0x1a0: {  	[sflag:s7] =	ssyncadd.s32 $0xFFFFFB00  }
0x1a1: {  	_ =	swait.ge [sflag:s7], $0x500  }
0x1a2: {  	[sflag:s7] =	ssyncset.done $0x0  }
0x1a3: {  	[sflag:s7] =	ssyncadd.s32 $0xFFFFFB00  }
0x1a4: {  	_ =	swait.ge [sflag:s7], $0x500  }
0x1a5: {  	[sflag:s7] =	ssyncset.done $0x0  }
0x1a6: {  	[sflag:s7] =	ssyncadd.s32 $0xFFFFFB00  }
0x1a7: {  	_ =	swait.ge [sflag:s7], $0x500  }
0x1a8: {  	[sflag:s7] =	ssyncset.done $0x0  }
0x1a9: {  	[sflag:s7] =	ssyncadd.s32 $0xFFFFFB00  }
0x1aa: {  	_ =	swait.ge [sflag:s7], $0x500  }
0x1ab: {  	[sflag:s7] =	ssyncset.done $0x0  }
0x1ac: {  	[sflag:s7] =	ssyncadd.s32 $0xFFFFFB00  }
0x1ad: {  	_ =	swait.ge [sflag:s7], $0x500  }
0x1ae: {  	[sflag:s7] =	ssyncset.done $0x0  }
0x1af: {  	[sflag:s7] =	ssyncadd.s32 $0xFFFFFB00  }
0x1b0: {  	_ =	swait.ge [sflag:s7], $0x500  }
0x1b1: {  	[sflag:s7] =	ssyncset.done $0x0  }
0x1b2: {  	[sflag:s7] =	ssyncadd.s32 $0xFFFFFB00  }
0x1b3: {  	_ =	swait.ge [sflag:s7], $0x500  }
0x1b4: {  	[sflag:s7] =	ssyncset.done $0x0  }
0x1b5: {  	[sflag:s7] =	ssyncadd.s32 $0xFFFFFB00  }
0x1b6: {  	_ =	swait.ge [sflag:s7], $0x500  }
0x1b7: {  	[sflag:s7] =	ssyncset.done $0x0  }
0x1b8: {  	[sflag:s7] =	ssyncadd.s32 $0xFFFFFB00  }
0x1b9: {  	_ =	swait.ge [sflag:s7], $0x500  }
0x1ba: {  	[sflag:s7] =	ssyncset.done $0x0  }
0x1bb: {  	[sflag:s7] =	ssyncadd.s32 $0xFFFFFB00  }
0x1bc: {  	_ =	swait.ge [sflag:s7], $0x500  }
0x1bd: {  	[sflag:s7] =	ssyncset.done $0x0  }
0x1be: {  	[sflag:s7] =	ssyncadd.s32 $0xFFFFFB00  }
0x1bf: {  	_ =	swait.ge [sflag:s7], $0x500  }
0x1c0: {  	[sflag:s7] =	ssyncset.done $0x0  }
0x1c1: {  	[sflag:s7] =	ssyncadd.s32 $0xFFFFFB00  }
0x1c2: {  	_ =	swait.ge [sflag:s7], $0x500  }
0x1c3: {  	[sflag:s7] =	ssyncset.done $0x0  }
0x1c4: {  	[sflag:s7] =	ssyncadd.s32 $0xFFFFFB00  }
0x1c5: {  	_ =	swait.ge [sflag:s7], $0x500  }
0x1c6: {  	[sflag:s7] =	ssyncset.done $0x0  }
0x1c7: {  	[sflag:s7] =	ssyncadd.s32 $0xFFFFFB00  }
0x1c8: {  	_ =	swait.ge [sflag:s7], $0x500  }
0x1c9: {  	[sflag:s7] =	ssyncset.done $0x0  }
0x1ca: {  	[sflag:s7] =	ssyncadd.s32 $0xFFFFFB00  }
0x1cb: {  	_ =	swait.ge [sflag:s7], $0x500  }
0x1cc: {  	[sflag:s7] =	ssyncset.done $0x0  }
0x1cd: {  	[sflag:s7] =	ssyncadd.s32 $0xFFFFFB00  }
0x1ce: {  	_ =	swait.ge [sflag:s7], $0x500  }
0x1cf: {  	[sflag:s7] =	ssyncset.done $0x0  }
0x1d0: {  	[sflag:s7] =	ssyncadd.s32 $0xFFFFFB00  }
0x1d1: {  	_ =	swait.ge [sflag:s7], $0x500  }
0x1d2: {  	[sflag:s7] =	ssyncset.done $0x0  }
0x1d3: {  	[sflag:s7] =	ssyncadd.s32 $0xFFFFFB00  }
0x1d4: {  	_ =	swait.ge [sflag:s7], $0x500  }
0x1d5: {  	[sflag:s7] =	ssyncset.done $0x0  }
0x1d6: {  	[sflag:s7] =	ssyncadd.s32 $0xFFFFFB00  }
0x1d7: {  	_ =	swait.ge [sflag:s7], $0x500  }
0x1d8: {  	[sflag:s7] =	ssyncset.done $0x0  }
0x1d9: {  	[sflag:s7] =	ssyncadd.s32 $0xFFFFFB00  }
0x1da: {  	_ =	swait.ge [sflag:s7], $0x500  }
0x1db: {  	[sflag:s7] =	ssyncset.done $0x0  }
0x1dc: {  	[sflag:s7] =	ssyncadd.s32 $0xFFFFFB00  }
0x1dd: {  	_ =	swait.ge [sflag:s7], $0x500  }
0x1de: {  	[sflag:s7] =	ssyncset.done $0x0  }
0x1df: {  	[sflag:s7] =	ssyncadd.s32 $0xFFFFFB00  }
0x1e0: {  	_ =	swait.ge [sflag:s7], $0x500  }
0x1e1: {  	[sflag:s7] =	ssyncset.done $0x0  }
0x1e2: {  	[sflag:s7] =	ssyncadd.s32 $0xFFFFFB00  }
0x1e3: {  	_ =	swait.ge [sflag:s7], $0x500  }
0x1e4: {  	[sflag:s7] =	ssyncset.done $0x0  }
0x1e5: {  	[sflag:s7] =	ssyncadd.s32 $0xFFFFFB00  }
0x1e6: {  	_ =	swait.ge [sflag:s7], $0x500  }
0x1e7: {  	[sflag:s7] =	ssyncset.done $0x0  }
0x1e8: {  	[sflag:s7] =	ssyncadd.s32 $0xFFFFFB00  }
0x1e9: {  	_ =	swait.ge [sflag:s7], $0x500  }
0x1ea: {  	[sflag:s7] =	ssyncset.done $0x0  }
0x1eb: {  	[sflag:s7] =	ssyncadd.s32 $0xFFFFFB00  }
0x1ec: {  	_ =	swait.ge [sflag:s7], $0x500  }
0x1ed: {  	[sflag:s7] =	ssyncset.done $0x0  }
0x1ee: {  	[sflag:s7] =	ssyncadd.s32 $0xFFFFFB00  }
0x1ef: {  	_ =	swait.ge [sflag:s7], $0x500  }
0x1f0: {  	[sflag:s7] =	ssyncset.done $0x0  }
0x1f1: {  	[sflag:s7] =	ssyncadd.s32 $0xFFFFFB00  }
0x1f2: {  	_ =	swait.ge [sflag:s7], $0x500  }
0x1f3: {  	[sflag:s7] =	ssyncset.done $0x0  }
0x1f4: {  	[sflag:s7] =	ssyncadd.s32 $0xFFFFFB00  }
0x1f5: {  	_ =	swait.ge [sflag:s7], $0x500  }
0x1f6: {  	[sflag:s7] =	ssyncset.done $0x0  }
0x1f7: {  	[sflag:s7] =	ssyncadd.s32 $0xFFFFFB00  }
0x1f8: {  	_ =	swait.ge [sflag:s7], $0x500  }
0x1f9: {  	[sflag:s7] =	ssyncset.done $0x0  }
0x1fa: {  	[sflag:s7] =	ssyncadd.s32 $0xFFFFFB00  }
0x1fb: {  	p0 =	sne.s32 s10, $0x11800;
	_ =	swait.ge [sflag:s7], $0x500  }
.Ltmp0:
0x1fc: {  	[sflag:s7] =	ssyncset.done $0x0;
	(pc) =	sbr.rel @p0 .LBB2_2-.Ltmp0, $4  }
0x1fd: {  	[sflag:s7] =	ssyncadd.s32 $0xFFFFFB00  }
0x1fe: {  	_ =	swait.ge [sflag:s7], $0x500  }
0x1ff: {  	[sflag:s7] =	ssyncset.done $0x0  }
0x200: {  	s9 =	sadd.s32 $0xA0, s9;
	s10 =	sadd.s32 $0x2800, s10;
	[sflag:s7] =	ssyncadd.s32 $0xFFFFFB00  }
0x201: {  	s8 =	sadd.s32 $0x1, s8  }
0x202: {  	p0 =	sne.s32 s8, s3  }
.Ltmp1:
0x203: {  	_ = 	snop;
	(pc) =	sbr.rel @p0 .LBB2_1-.Ltmp1, $1  }
0x204: {  	_ =	sdelay $0x3  }
0x205: {  	_ =	sfence.sel $0x180000  }
0x206: {  	[bflag:$0x0] =	sbarrier.arrive $0xFFFF  }
0x207: {  	p0 =	sne.s32 s0, $0x0;
	_ =	strace $0x90000047  }
0x208: {  	s0 =	sadd.s32 @!p0 $0x100000, s1;
	[bflag:$0x2] =	sbarrier.arrive $0xFFFF  }
0x209: {  	[sflag:s0] =	ssyncadd.tile.s32 @!p0 $0x1;
	_ =	shalt  }
.Lfunc_end2:
_tile_overlayer_lowered:
.L_overlay_start_2:
0x20a: {  	(tag) =	ssettag $0x2  }
0x20b: {  	s0 =	rddreg [dreg:$0x0];
	s2 =	stileid.u32  }
0x20c: {  	s1 =	rddreg [dreg:$0x1];
	p0 =	sne.s32 s2, $0x0  }
0x20d: {  	s3 =	rddreg [dreg:$0x2];
	[bflag:$0x3] =	sbarrier.arrive $0xFFFF;
	s2 =	simm.s32 @!p0 $0x1C02  }
0x20e: {  	[timem:s3], [sflag:s2] =	dma.local @!p0 [hbm:s0], s1  }
0x20f: {  	s0 =	simm.s32 @!p0 $0x2  }
0x210: {  	_ =	swait.ge @!p0 [sflag:s0], s1  }
0x211: {  	s1 =	ssub.s32 @!p0 $0x0, s1;
	[sflag:s0] =	ssyncset.done @!p0 $0x0  }
0x212: {  	[sflag:s0] =	ssyncadd.s32 @!p0 s1  }
0x213: {  	[bflag:$0x3] =	sbarrier.arrive $0xFFFF  }
0x214: {  	_ =	shalt  }

// kernel: sparse-core-data-format-call.cloned.1.call-start
scs
called_computation_lowered:
.L_overlay_start_0:
0x0: {  	s2 =	sld [smem:$0x3FD9]  }
0x1: {  	s3 =	sld [smem:$0x3FFE];
	_ =	sdelay $0x1  }
0x2: {  	s1 =	srdreg.scid  }
0x3: {  	s0 =	sand.u32 $0x1, s1  }
0x4: {  	s18 =	sshll.u32 s0, $0xA;
	s2 =	sadd.s32 s3, s2  }
0x5: {  	s2 =	sadd.s32 s2, s18  }
0x6: {  	[smem:$0x3FC6] =	sst s2  }
0x7: {  	_ = 	snop  }
0x8: {  	s2 =	sld [smem:$0x3FD0];
	(tm) =	ssettm $0x1  }
0x9: {  	s19 =	sld [smem:$0x3FFB];
	_ =	sdelay $0x3  }
0xa: {  	_ =	strace s19  }
0xb: {  	s3 =	sld [smem:$0x3FFC];
	_ =	sdelay $0x3  }
0xc: {  	_ =	strace s3  }
0xd: {  	s3 =	sld [smem:$0x3FFD];
	_ =	sdelay $0x3  }
0xe: {  	_ =	strace s3  }
0xf: {  	_ =	strace $0x8FFFFFFF  }
0x10: {  	s20 =	sld [smem:$0x3FDB];
	_ =	sdelay $0x1  }
0x11: {  	s4 =	simm.s32 $_scs_section_size  }
0x12: {  	s5 =	simm.s32 $_size__tile_overlayer_lowered;
	s6 =	simm.s32 $_tile_overlayer_lowered  }
0x13: {  	s23 =	simm.s32 $0x1BFF;
	s22 =	sshll.u32 s6, $0x1;
	s3 =	sadd.s32 s4, s20  }
0x14: {  	s7 =	simm.s32 $0x0;
	s21 =	sshll.u32 s5, $0x1;
	s5 =	sadd.s32 s22, s3  }
0x15: {  	[timem:s7], [sflag:s23] =	dma.local [hbm:s5], s21  }
0x16: {  	_ =	swait.ge [sflag:s23], s21  }
0x17: {  	s4 =	ssub.s32 $0x0, s21;
	[sflag:s23] =	ssyncset.done $0x0  }
0x18: {  	[sflag:s23] =	ssyncadd.s32 s4;
	_ =	sdelay $0x1  }
0x19: {  	s24 =	simm.s32 $0x1B8B  }
0x1a: {  	_ =	swait.ge [sflag:s24], $0x1  }
0x1b: {  	[sflag:s24] =	ssyncset.done $0x0  }
0x1c: {  	s26 =	simm.s32 $0x1B8E;
	s25 =	sld [smem:$0x3FFE];
	[sflag:s24] =	ssyncadd.s32 $0xFFFFFFFF  }
0x1d: {  	s27 =	simm.s32 $execute0_lowered;
	[smem:$0x3FD2] =	sst s26  }
0x1e: {  	s5 =	sshll.u32 s27, $0x1;
	_ =	strace $0x80000049;
	[dreg:$0x1] =	wrdreg $0xFFFFFFFF  }
0x1f: {  	s28 =	simm.s32 $_size_execute0_lowered;
	s3 =	sadd.s32 s3, s5;
	[dreg:$0x0] =	wrdreg $0x0  }
0x20: {  	s5 =	sshll.u32 s28, $0x1;
	[dreg:$0x2] =	wrdreg s3  }
0x21: {  	[dreg:$0x3] =	wrdreg s5  }
0x22: {  	[dreg:$0x4] =	wrdreg $0xC0  }
0x23: {  	_ =	task [dreg:s7], $0x5FFFF  }
0x24: {  	[dreg:$0x1] =	wrdreg $0xFFFFFFFF  }
0x25: {  	[dreg:$0x0] =	wrdreg $0x60  }
0x26: {  	[dreg:$0x2] =	wrdreg s25  }
0x27: {  	[dreg:$0x3] =	wrdreg s2  }
0x28: {  	[dreg:$0x4] =	wrdreg $0x9  }
0x29: {  	_ =	task.clear_ibuf [dreg:s7], $0x5FFFF;
	_ =	strace $0x90000049  }
0x2a: {  	s29 =	simm.s32 $0x9;
	_ =	strace $0x8000004B  }
0x2b: {  	_ =	swait.ge [sflag:s29], $0x1  }
0x2c: {  	[sflag:s29] =	ssyncadd.s32 $0xFFFFFFFF  }
0x2d: {  	_ =	strace $0x9000004B  }
0x2e: {  	_ =	sfence  }
0x2f: {  	s30 =	sld [smem:$0x0];
	_ =	sdelay $0x2  }
0x30: {  	s31 =	sshll.u32 s1, $0xD;
	s1 =	sshrl.u32 s1, $0x2  }
0x31: {  	s3 =	sand.u32 $0x4000, s31;
	s1 =	sadd.s32 s1, s30  }
0x32: {  	s0 =	sor.u32 s3, s0;
	s1 =	sshll.u32 s1, $0x11  }
0x33: {  	s0 =	sor.u32 s1, s0  }
0x34: {  	s0 =	sadd.s32 $0x8F2B, s0  }
0x35: {  	[sflag:s0] =	ssyncadd.remote.s32 $0x1  }
0x36: {  	_ =	sfence.sel $0xFFFF  }
0x37: {  	[dreg:$0x0] =	wrdreg $0xFFFFFFFF;
	(pc) =	sbr.abs _section_cstart, $3  }
0x38: {  	[dreg:$0x1] =	wrdreg $0xFFFFFFFF  }
0x39: {  	_ =	task.clear_ibuf [dreg:s7], $0x2FFFF;
	_ =	strace $0x9FFFFFFF  }
0x3a: {  	(tm) =	ssettm $0x7FFFFFFF  }
0x3b: {  	_ =	shalt  }
tec
execute0_lowered:
.L_overlay_start_1:
0x0: {  	(tag) =	ssettag $0x1  }
0x1: {  	s0 =	srdreg.scid  }
0x2: {  	s1 =	sshll.u32 s0, $0x4  }
0x3: {  	s0 =	stileid.u32;
	s1 =	sand.u32 $0x10, s1  }
0x4: {  	s1 =	sor.u32 s0, s1  }
0x5: {  	s6 =	rddreg [dreg:$0x0];
	s4 =	simm.s32 $0x1;
	s2 =	sshll.u32 s1, $0x7  }
0x6: {  	s7 =	simm.s32 $0x2;
	s12 =	simm.s32 $0x0;
	s1 =	ssub.s32 $0x4000, s2  }
0x7: {  	s8 =	simm.s32 $0x20000;
	s13 =	simm.s32 $0x0;
	s3 =	sand.u32 $0xF80, s1  }
0x8: {  	s9 =	simm.s32 $0x0;
	s5 =	sshrl.u32 s1, $0xC;
	p0 =	sne.s32 s3, $0x0  }
.Ltmp0:
0x9: {  	s1 =	rddreg [dreg:$0x2];
	s4 =	simm.s32 @!p0 $0x0;
	(pc) =	sbr.rel .LBB1_1-.Ltmp0, $4  }
0xa: {  	s11 =	simm.s32 $0x0;
	s3 =	rddreg [dreg:$0x1];
	s5 =	sadd.s32 s4, s5  }
0xb: {  	_ =	strace $0x8000004A;
	s4 =	simm.s32 $0x1;
	s5 =	smul.u32 $0x14, s5  }
0xc: {  	s6 =	sadd.s32 $0xA00, s6;
	s10 =	smov.u32 s2;
	[sflag:s4] =	ssyncpa.u1 $0x0  }
0xd: {  	p0 =	por $0x0, $0x0;
	[sflag:s7] =	ssyncpa.u1 $0x0;
	s7 =	sor.u32 $0x1, s5  }
.LBB1_4:
0xe: {  	s16 =	sshll.u32 s13, $0x3;
	s17 =	sand.u32 $0x78, s13  }
0xf: {  	s30 =	sand.u32 $0x1F800, s13;
	s12 =	sshll.u32 s12, $0x11;
	s16 =	sand.u32 $0x3C00, s16  }
0x10: {  	[tilespmem:s15+$0x810 ss:$0x81] =	vst.msk $0xffff, v2;
	s31 =	sand.u32 $0x7, s13;
	s16 =	sor.u32 s17, s16;
	s17 =	sadd.s32 s3, s30  }
0x11: {  	[tilespmem:s15+$0x1020 ss:$0x81] =	vst.msk $0xffff, v0;
	s13 =	sshll.u32 s31, $0x12;
	s12 =	sadd.s32 s12, s17;
	s16 =	sshrl.u32 s16, $0x3  }
0x12: {  	[tilespmem:s15+$0x0 ss:$0x81] =	vst.msk $0xffff, v1;
	s13 =	sor.u32 $0x400, s13;
	s12 =	sadd.s32 s16, s12  }
0x13: {  	[hbm4b:s12+s13] =	stream.strided.scatter [tilespmem:s14], [sflag:$0x2], $0x2000, s8, s13, $0x20;
	[tilespmem:$0x8080] =	vst v63  }
.LBB1_5:
0x14: {  	s14 =	sadd.s32 $0x1, s9  }
0x15: {  	s12 =	sadd.s32 $0x1000, s10;
	s16 =	smov.u32 s10;
	p2 =	sgt.s32 s14, $0x13  }
0x16: {  	s16 =	smov.u32 @p2 s12  }
0x17: {  	s14 =	simm.s32 @p2 $0x0;
	p2 =	sgt.s32 s16, $0x3FFF  }
0x18: {  	s16 =	smov.u32 @p2 s2;
	p2 =	sne.s32 s11, s7  }
.Ltmp1:
0x19: {  	p1 =	slt.u32 s11, $0x2;
	(pc) =	sbr.rel @!p2 .LBB1_6-.Ltmp1, $4  }
0x1a: {  	s15 =	simm.s32 @!p1 $0x2  }
0x1b: {  	s13 =	smov.u32 s10;
	p0 =	por !p0, !p0;
	_ =	swait.ge @!p1 [sflag:s15], $0x2000  }
0x1c: {  	s12 =	smov.u32 s9;
	[sflag:s15] =	ssyncset.done @!p1 $0x0;
	s9 =	smov.u32 s14  }
0x1d: {  	s11 =	sadd.s32 $0x1, s11;
	[sflag:s15] =	ssyncadd.s32 @!p1 $0xFFFFE000;
	s10 =	smov.u32 s16  }
.LBB1_1:
0x1e: {  	p1 =	sge.u32 s11, s5  }
0x1f: {  	s14 =	sand.u32 @!p1 $0x1FFFFFF, s9  }
0x20: {  	s15 =	smulhi.u32 @!p1 $0xAAAAAAB, s14;
	_ =	sdelay $0x1  }
0x21: {  	s15 =	smul.u32 @!p1 $0x18, s15  }
0x22: {  	s16 =	sxor.u32 @!p1 $0xFFFFFFFF, s11;
	s17 =	smul.u32 @!p1 $0x180, s10  }
0x23: {  	s31 =	sadd.s32 $0xFFFFFFFF, s11;
	s16 =	sshll.u32 @!p1 s16, $0xD;
	s14 =	ssub.s32 @!p1 s14, s15  }
0x24: {  	s15 =	sand.u32 @!p1 $0x2000, s16;
	s16 =	sadd.s32 @!p1 s6, s17;
	s14 =	sshll.u32 @!p1 s14, $0x4  }
0x25: {  	s17 =	simm.s32 @!p1 $0xC00;
	s14 =	sadd.s32 @!p1 s14, s16;
	s16 =	simm.s32 @!p1 $0x40  }
0x26: {  	[tilespmem:s15], [sflag:$0x1] =	stream.strided.gather @!p1 [hbm4b:s14+s16], $0x2000, s17, s16, $0x38;
	[tilespmem:$0x8080] =	vst v63  }
0x27: {  	p1 =	sge.u32 s31, s5  }
.Ltmp2:
0x28: {  	_ = 	snop;
	(pc) =	sbr.rel @p1 .LBB1_5-.Ltmp2, $1  }
0x29: {  	_ =	sdelay $0x3  }
0x2a: {  	s14 =	simm.s32 $0x1  }
0x2b: {  	_ =	swait.ge [sflag:s4], $0x2000;
	s14 =	simm.s32 @!p0 $0x0  }
0x2c: {  	[sflag:s4] =	ssyncset.done $0x0;
	s15 =	sshll.u32 s14, $0xD  }
0x2d: {  	[sflag:s4] =	ssyncadd.s32 $0xFFFFE000;
	s18 =	sor.u32 $0x20, s15  }
0x2e: {  	s14 =	smul.u32 $0x8100, s14;
	v3 =	vld [tilespmem:s18+$0x10]  }
0x2f: {  	s30 =	sand.u32 $0x1, s11;
	v2 =	vld [tilespmem:s18+$0xFFFFFFF0]  }
0x30: {  	s15 =	smul.u32 $0x8100, s30;
	s14 =	sshrl.u32 s14, $0x2;
	v0 =	vld [tilespmem:s18+$0x0]  }
0x31: {  	v1 =	vld [tilespmem:s18+$0xFFFFFFE0];
	s16 =	sor.u32 $0x4000, s14  }
0x32: {  	s31 =	sshrl.u32 s15, $0x2;
	s15 =	sadd.s32 $0x0, s16  }
0x33: {  	s17 =	simm.s32 $0x4;
	s18 =	sadd.s32 $0x40, s18;
	s14 =	sor.u32 $0x4000, s31;
	[tilespmem:s15+$0x1830 ss:$0x81] =	vst.msk $0xffff, v3  }
.LBB1_3:
0x34: {  	v3 =	vld [tilespmem:s18+$0x10];
	p1 =	sne.s32 s17, $0x1FC;
	[tilespmem:s15+$0x810 ss:$0x81] =	vst.msk $0xffff, v2;
	s19 =	smov.u32 s17;
	s17 =	sadd.s32 $0x4, s17  }
.Ltmp3:
0x35: {  	v2 =	vld [tilespmem:s18+$0xFFFFFFF0];
	[tilespmem:s15+$0x1020 ss:$0x81] =	vst.msk $0xffff, v0;
	(pc) =	sbr.rel @p1 .LBB1_3-.Ltmp3, $4  }
0x36: {  	v0 =	vld [tilespmem:s18+$0x0];
	[tilespmem:s15+$0x0 ss:$0x81] =	vst.msk $0xffff, v1  }
0x37: {  	s15 =	sshra.s32 s19, $0x2;
	v1 =	vld [tilespmem:s18+$0xFFFFFFE0]  }
0x38: {  	s15 =	sadd.s32 s15, s16  }
0x39: {  	s18 =	sadd.s32 $0x40, s18;
	[tilespmem:s15+$0x1830 ss:$0x81] =	vst.msk $0xffff, v3  }
.Ltmp4:
0x3a: {  	_ = 	snop;
	(pc) =	sbr.rel .LBB1_4-.Ltmp4, $1  }
0x3b: {  	_ =	sdelay $0x3  }
.LBB1_6:
0x3c: {  	_ =	sfence.sel $0x180000  }
0x3d: {  	s2 =	simm.s32 $0x1;
	[bflag:$0x0] =	sbarrier.arrive $0xFFFF  }
0x3e: {  	s31 =	simm.s32 $0x2;
	[sflag:s2] =	ssyncpa.u1 $0x1  }
0x3f: {  	[sflag:s31] =	ssyncpa.u1 $0x1  }
0x40: {  	p0 =	sne.s32 s0, $0x0;
	_ =	strace $0x9000004A  }
0x41: {  	s0 =	sadd.s32 @!p0 $0x100000, s1;
	[bflag:$0x2] =	sbarrier.arrive $0xFFFF  }
0x42: {  	[sflag:s0] =	ssyncadd.tile.s32 @!p0 $0x1;
	_ =	shalt  }
.Lfunc_end1:
_tile_overlayer_lowered:
.L_overlay_start_2:
0x43: {  	(tag) =	ssettag $0x2  }
0x44: {  	s0 =	rddreg [dreg:$0x0];
	s2 =	stileid.u32  }
0x45: {  	s1 =	rddreg [dreg:$0x1];
	p0 =	sne.s32 s2, $0x0  }
0x46: {  	s3 =	rddreg [dreg:$0x2];
	[bflag:$0x3] =	sbarrier.arrive $0xFFFF;
	s2 =	simm.s32 @!p0 $0x1C01  }
0x47: {  	[timem:s3], [sflag:s2] =	dma.local @!p0 [hbm:s0], s1  }
0x48: {  	s0 =	simm.s32 @!p0 $0x1  }
0x49: {  	_ =	swait.ge @!p0 [sflag:s0], s1  }
0x4a: {  	s1 =	ssub.s32 @!p0 $0x0, s1;
	[sflag:s0] =	ssyncset.done @!p0 $0x0  }
0x4b: {  	[sflag:s0] =	ssyncadd.s32 @!p0 s1  }
0x4c: {  	[bflag:$0x3] =	sbarrier.arrive $0xFFFF  }
0x4d: {  	_ =	shalt  }

</sc_bundles>
